<compile_context>
chip_gen: v7x
topology: tpu7x:2x2x1
jax: 0.10.2.dev20260603
libtpu: 0.0.44.dev20260713+nightly
codegen_flags: <defaults>
</compile_context>

<pallas_src>
import functools

import jax
import jax.numpy as jnp
from jax import lax
from jax.experimental import pallas as pl
from jax.experimental.pallas import tpu as pltpu
from jax.experimental.pallas import tpu_sc as plsc

N = 10000
E = 320000
IN_DIM = 128
HID = 256
LAT = 64

NC = 2
NS = 16
NW = NC * NS
EPW = E // NW
K = 80
NCH = EPW // K
RPS = N // NS
DEG_C = 16

_MESH = dict(core_axis_name="c", subcore_axis_name="s", num_cores=NC,
             num_subcores=NS)


def _sc_agg(table, src_r, dst_r, zeros):
    C = table.shape[1]
    mesh = plsc.VectorSubcoreMesh(**_MESH)

    @functools.partial(
        pl.kernel,
        out_type=jax.ShapeDtypeStruct((NC, N, C), jnp.float32),
        mesh=mesh,
        compiler_params=pltpu.CompilerParams(use_tc_tiling_on_sc=False),
        scratch_types=[
            pltpu.VMEM((NCH, K), jnp.int32),
            pltpu.VMEM((NCH, K), jnp.int32),
            pltpu.VMEM((K, C), jnp.float32),
            pltpu.VMEM((K, C), jnp.float32),
            pltpu.VMEM_SHARED((N, C), jnp.float32),
            pltpu.SemaphoreType.DMA,
            pltpu.SemaphoreType.DMA,
            pltpu.SemaphoreType.DMA,
            pltpu.SemaphoreType.DMA,
        ],
    )
    def k(table_h, src_h, dst_h, zero_h, out_h,
          srcv, dstv, buf0, buf1, acc, gs0, gs1, ss0, ss1):
        c = lax.axis_index("c")
        s = lax.axis_index("s")
        wid = c * NS + s
        pltpu.sync_copy(zero_h.at[pl.ds(s * RPS, RPS)],
                        acc.at[pl.ds(s * RPS, RPS)])
        pltpu.sync_copy(src_h.at[wid], srcv)
        pltpu.sync_copy(dst_h.at[wid], dstv)
        plsc.subcore_barrier()

        bufs = (buf0, buf1)
        gsems = (gs0, gs1)
        ssems = (ss0, ss1)

        def gather_start(j, b):
            pltpu.async_copy(table_h.at[srcv.at[j]], bufs[b], gsems[b])

        def gather_wait(j, b):
            pltpu.make_async_copy(table_h.at[srcv.at[j]], bufs[b],
                                  gsems[b]).wait()

        def scatter(j, b):
            pltpu.async_copy(bufs[b], acc.at[dstv.at[j]], ssems[b],
                             add=True)
            pltpu.make_async_copy(bufs[b], acc.at[dstv.at[j]],
                                  ssems[b]).wait()

        gather_start(0, 0)
        gather_start(1, 1)

        @pl.loop(0, NCH - 3, step=2)
        def _(j2):
            for b in range(2):
                j = j2 + b
                gather_wait(j, b)
                scatter(j, b)
                gather_start(j + 2, b)

        gather_wait(NCH - 3, 0)
        scatter(NCH - 3, 0)
        gather_start(NCH - 1, 0)
        gather_wait(NCH - 2, 1)
        scatter(NCH - 2, 1)
        gather_wait(NCH - 1, 0)
        scatter(NCH - 1, 0)

        plsc.subcore_barrier()
        pltpu.sync_copy(acc.at[pl.ds(s * RPS, RPS)],
                        out_h.at[c].at[pl.ds(s * RPS, RPS)])

    return k(table, src_r, dst_r, zeros)


def _sc_degree(dst_r, ones, zeros):
    mesh = plsc.VectorSubcoreMesh(**_MESH)

    @functools.partial(
        pl.kernel,
        out_type=jax.ShapeDtypeStruct((NC, N, DEG_C), jnp.float32),
        mesh=mesh,
        compiler_params=pltpu.CompilerParams(use_tc_tiling_on_sc=False),
        scratch_types=[
            pltpu.VMEM((NCH, K), jnp.int32),
            pltpu.VMEM((K, DEG_C), jnp.float32),
            pltpu.VMEM_SHARED((N, DEG_C), jnp.float32),
            pltpu.SemaphoreType.DMA,
            pltpu.SemaphoreType.DMA,
        ],
    )
    def k(dst_h, ones_h, zero_h, out_h, dstv, onesv, acc, s0, s1):
        c = lax.axis_index("c")
        s = lax.axis_index("s")
        wid = c * NS + s
        pltpu.sync_copy(zero_h.at[pl.ds(s * RPS, RPS)],
                        acc.at[pl.ds(s * RPS, RPS)])
        pltpu.sync_copy(dst_h.at[wid], dstv)
        pltpu.sync_copy(ones_h, onesv)
        plsc.subcore_barrier()

        sems = (s0, s1)

        def scatter_start(j, b):
            pltpu.async_copy(onesv, acc.at[dstv.at[j]], sems[b], add=True)

        def scatter_wait(j, b):
            pltpu.make_async_copy(onesv, acc.at[dstv.at[j]], sems[b]).wait()

        scatter_start(0, 0)
        scatter_start(1, 1)

        @pl.loop(2, NCH - 1, step=2)
        def _(j2):
            for b in range(2):
                scatter_wait(j2 + b - 2, b)
                scatter_start(j2 + b, b)

        scatter_wait(NCH - 3, 0)
        scatter_start(NCH - 1, 0)
        scatter_wait(NCH - 2, 1)
        scatter_wait(NCH - 1, 0)

        plsc.subcore_barrier()
        pltpu.sync_copy(acc.at[pl.ds(s * RPS, RPS)],
                        out_h.at[c].at[pl.ds(s * RPS, RPS)])

    return k(dst_r, ones, zeros)



_R = 1000
_G = N // _R


def _row_spec(c):
    return pl.BlockSpec((_R, c), lambda i: (i, 0))


def _part_spec(c):
    return pl.BlockSpec((NC, _R, c), lambda i: (0, i, 0))


def _full_spec(shape):
    nd = len(shape)
    return pl.BlockSpec(shape, lambda i: (0,) * nd)


def _tc_dinv_g1(deg_parts, x):
    def body(dp, xr, dinv_o, g1_o):
        deg = dp[0, :, 0:1] + dp[1, :, 0:1] + 1.0
        dv = lax.rsqrt(deg)
        dinv_o[...] = dv
        g1_o[...] = xr[...] * dv

    return pl.pallas_call(
        body,
        grid=(_G,),
        in_specs=[_part_spec(DEG_C), _row_spec(IN_DIM)],
        out_specs=[_row_spec(1), _row_spec(IN_DIM)],
        out_shape=[jax.ShapeDtypeStruct((N, 1), jnp.float32),
                   jax.ShapeDtypeStruct((N, IN_DIM), jnp.float32)],
    )(deg_parts, x)


def _tc_mid(acc_parts, g, dinv, Wa, ba, Wb):
    ca = Wa.shape[0]
    cb = Wb.shape[1]

    def body(ap, gr, dv, wa, bb, wb, out):
        a = (ap[0] + ap[1] + gr[...]) * dv[...]
        h = jnp.maximum(
            jnp.dot(a, wa[...], preferred_element_type=jnp.float32)
            + bb[...][None, :], 0.0)
        out[...] = jnp.dot(h, wb[...],
                           preferred_element_type=jnp.float32) * dv[...]

    return pl.pallas_call(
        body,
        grid=(_G,),
        in_specs=[_part_spec(ca), _row_spec(ca), _row_spec(1),
                  _full_spec(Wa.shape), _full_spec(ba.shape),
                  _full_spec(Wb.shape)],
        out_specs=_row_spec(cb),
        out_shape=jax.ShapeDtypeStruct((N, cb), jnp.float32),
    )(acc_parts, g, dinv, Wa, ba, Wb)


def _tc_reparam(acc_parts, g2, dinv, b2, eps):
    def body(ap, gr, dv, bb, ep, mu_o, lv_o, g3_o):
        z2 = (ap[0] + ap[1] + gr[...]) * dv[...] + bb[...][None, :]
        mu = z2[:, :LAT]
        lv = z2[:, LAT:]
        mu_o[...] = mu
        lv_o[...] = lv
        z = mu + ep[...] * jnp.exp(0.5 * lv)
        g3_o[...] = z * dv[...]

    return pl.pallas_call(
        body,
        grid=(_G,),
        in_specs=[_part_spec(2 * LAT), _row_spec(2 * LAT), _row_spec(1),
                  _full_spec(b2.shape), _row_spec(LAT)],
        out_specs=[_row_spec(LAT), _row_spec(LAT), _row_spec(LAT)],
        out_shape=[jax.ShapeDtypeStruct((N, LAT), jnp.float32)] * 3,
    )(acc_parts, g2, dinv, b2, eps)


def _tc_final(acc_parts, g4, dinv, bd2):
    def body(ap, gr, dv, bb, out):
        out[...] = (ap[0] + ap[1] + gr[...]) * dv[...] + bb[...][None, :]

    return pl.pallas_call(
        body,
        grid=(_G,),
        in_specs=[_part_spec(IN_DIM), _row_spec(IN_DIM), _row_spec(1),
                  _full_spec(bd2.shape)],
        out_specs=_row_spec(IN_DIM),
        out_shape=jax.ShapeDtypeStruct((N, IN_DIM), jnp.float32),
    )(acc_parts, g4, dinv, bd2)


def kernel(x, edge_index, W1, b1, W2, b2, Wd1, bd1, Wd2, bd2):
    src_r = edge_index[0].reshape(NW, NCH, K)
    dst_r = edge_index[1].reshape(NW, NCH, K)
    zeros128 = jnp.zeros((N, IN_DIM), jnp.float32)
    zeros64 = jnp.zeros((N, LAT), jnp.float32)
    zeros16 = jnp.zeros((N, DEG_C), jnp.float32)
    ones16 = jnp.ones((K, DEG_C), jnp.float32)
    eps = jax.random.normal(jax.random.key(42), (N, LAT), jnp.float32)

    deg_parts = _sc_degree(dst_r, ones16, zeros16)
    dinv, g1 = _tc_dinv_g1(deg_parts, x)

    acc1 = _sc_agg(g1, src_r, dst_r, zeros128)
    g2 = _tc_mid(acc1, g1, dinv, W1, b1, W2)

    acc2 = _sc_agg(g2, src_r, dst_r, zeros128)
    mu, logvar, g3 = _tc_reparam(acc2, g2, dinv, b2, eps)

    acc3 = _sc_agg(g3, src_r, dst_r, zeros64)
    g4 = _tc_mid(acc3, g3, dinv, Wd1, bd1, Wd2)

    acc4 = _sc_agg(g4, src_r, dst_r, zeros128)
    recon = _tc_final(acc4, g4, dinv, bd2)

    return (recon, mu, logvar)

# --- scband reference (transcript-rebuilt; emitter-appended) ---
"""Pipeline reference for scband-vae-49744311222522 (READ-ONLY COPY).

The authoritative reference and input builder live on the scoring server;
editing this copy changes nothing except your own understanding.
"""

import jax, jax.numpy as jnp
import numpy as np

N = 10000
E = 320000
IN_DIM = 128
HID = 256
LAT = 64

def gcn_conv(x, src, dst, W, b, n):
    # GCNConv: add self-loops, symmetric normalization, linear transform, scatter-add aggregate
    loop = jnp.arange(n, dtype=src.dtype)
    s = jnp.concatenate([src, loop])
    d = jnp.concatenate([dst, loop])
    deg = jnp.zeros((n,), jnp.float32).at[d].add(1.0)
    dinv = jax.lax.rsqrt(jnp.maximum(deg, 1.0))
    norm = dinv[s] * dinv[d]
    h = x @ W
    msg = h[s] * norm[:, None]
    out = jax.ops.segment_sum(msg, d, num_segments=n)
    return out + b

def setup_inputs(seed: int = 0) -> dict:
    key = jax.random.key(seed)
    ks = jax.random.split(key, 12)
    x = jax.random.normal(ks[0], (N, IN_DIM), jnp.float32)
    edge_index = jax.random.randint(ks[1], (2, E), 0, N, dtype=jnp.int32)
    def glorot(k, shp):
        fan_in, fan_out = shp
        lim = float(np.sqrt(6.0 / (fan_in + fan_out)))
        return jax.random.uniform(k, shp, jnp.float32, -lim, lim)
    W1 = glorot(ks[2], (IN_DIM, HID));      b1 = jnp.zeros((HID,), jnp.float32)
    W2 = glorot(ks[3], (HID, 2 * LAT));     b2 = jnp.zeros((2 * LAT,), jnp.float32)
    Wd1 = glorot(ks[4], (LAT, HID));        bd1 = jnp.zeros((HID,), jnp.float32)
    Wd2 = glorot(ks[5], (HID, IN_DIM));     bd2 = jnp.zeros((IN_DIM,), jnp.float32)
    return {"x": x, "edge_index": edge_index, "W1": W1, "b1": b1, "W2": W2, "b2": b2,
            "Wd1": Wd1, "bd1": bd1, "Wd2": Wd2, "bd2": bd2}

def reference(x, edge_index, W1, b1, W2, b2, Wd1, bd1, Wd2, bd2):
    src, dst = edge_index[0], edge_index[1]
    n = x.shape[0]
    # encode
    h = jax.nn.relu(gcn_conv(x, src, dst, W1, b1, n))
    z2 = gcn_conv(h, src, dst, W2, b2, n).reshape(-1, 2, LAT)
    mu, logvar = z2[:, 0, :], z2[:, 1, :]
    # reparameterize (deterministic eps for reproducibility)
    std = jnp.exp(0.5 * logvar)
    eps = jax.random.normal(jax.random.key(42), std.shape, std.dtype)
    z = mu + eps * std
    # decode
    hd = jax.nn.relu(gcn_conv(z, src, dst, Wd1, bd1, n))
    recon = gcn_conv(hd, src, dst, Wd2, bd2, n)
    return (recon, mu, logvar)

if __name__ == "__main__":
    import jax
    _d = setup_inputs()
    print(jax.jit(kernel)(*tuple(_d.values())))

</pallas_src>

<mosaic_0001>
#map = affine_map<(d0, d1) -> (0, 0, 0)>
#map1 = affine_map<(d0, d1) -> (0, 0)>
module attributes {stable_mosaic.version = 14 : i64} {
  func.func @k(%arg0: i32, %arg1: i32, %arg2: memref<32x125x80xi32, #tpu.memory_space<hbm>>, %arg3: memref<80x16xf32, #tpu.memory_space<hbm>>, %arg4: memref<10000x16xf32, #tpu.memory_space<hbm>>, %arg5: memref<2x10000x16xf32, #tpu.memory_space<hbm>>, %arg6: memref<125x80xi32, #tpu.memory_space<vmem>>, %arg7: memref<80x16xf32, #tpu.memory_space<vmem>>, %arg8: memref<10000x16xf32, #tpu.memory_space<vmem_shared>>, %arg9: memref<!tpu.dma_semaphore, #tpu.memory_space<semaphore_mem>>, %arg10: memref<!tpu.dma_semaphore, #tpu.memory_space<semaphore_mem>>) attributes {dimension_semantics = [#tpu.dimension_semantics<core_parallel>, #tpu.dimension_semantics<subcore_parallel>], iteration_bounds = array<i64: 2, 16>, scalar_prefetch = 0 : i64, scratch_operands = 5 : i64, tpu.core_type = #tpu.core_type<sc_vector_subcore>, window_params = [{transform_indices = #map}, {transform_indices = #map1}, {transform_indices = #map1}, {transform_indices = #map}]} {
    %mul3A = arith.constant 16 : i32
    %mul3A_0 = arith.muli %arg0, %mul3A : i32
    %add3A = arith.addi %mul3A_0, %arg1 : i32
    %mul3A_1 = arith.constant 625 : i32
    %mul3A_2 = arith.muli %arg1, %mul3A_1 : i32
    %mul3A_3 = arith.constant 625 : i32
    %mul3A_4 = arith.muli %arg1, %mul3A_3 : i32
    "tpu.region"() ({
      %run_scoped3A = tpu.sem_alloc : memref<!tpu.dma_semaphore, #tpu.memory_space<semaphore_mem>>
      %dma_start3A_54 = arith.constant 0 : i32
      %dma_start3A_55 = tpu.memref_slice %arg8[%mul3A_4, %dma_start3A_54] : memref<10000x16xf32, #tpu.memory_space<vmem_shared>> -> memref<625x16xf32, #tpu.memory_space<vmem_shared>>
      %dma_start3A_56 = arith.constant 0 : i32
      %dma_start3A_57 = tpu.memref_slice %arg4[%mul3A_2, %dma_start3A_56] : memref<10000x16xf32, #tpu.memory_space<hbm>> -> memref<625x16xf32, #tpu.memory_space<hbm>>
      tpu.enqueue_dma source(%dma_start3A_57 : memref<625x16xf32, #tpu.memory_space<hbm>>) target(%dma_start3A_55 : memref<625x16xf32, #tpu.memory_space<vmem_shared>>) target_semaphore(%run_scoped3A : memref<!tpu.dma_semaphore, #tpu.memory_space<semaphore_mem>>)
      %dma_wait3A_58 = arith.constant 0 : i32
      %dma_wait3A_59 = tpu.memref_slice %arg8[%mul3A_4, %dma_wait3A_58] : memref<10000x16xf32, #tpu.memory_space<vmem_shared>> -> memref<625x16xf32, #tpu.memory_space<vmem_shared>>
      %dma_wait3A_60 = arith.constant 0 : i32
      %dma_wait3A_61 = tpu.memref_slice %arg4[%mul3A_2, %dma_wait3A_60] : memref<10000x16xf32, #tpu.memory_space<hbm>> -> memref<625x16xf32, #tpu.memory_space<hbm>>
      tpu.wait_dma2 semaphore(%run_scoped3A : memref<!tpu.dma_semaphore, #tpu.memory_space<semaphore_mem>>) src(%dma_wait3A_61 : memref<625x16xf32, #tpu.memory_space<hbm>>) dst(%dma_wait3A_59 : memref<625x16xf32, #tpu.memory_space<vmem_shared>>)
      tpu.yield
    }) : () -> ()
    "tpu.region"() ({
      %run_scoped3A = tpu.sem_alloc : memref<!tpu.dma_semaphore, #tpu.memory_space<semaphore_mem>>
      %dma_start3A_54 = arith.constant 0 : i32
      %dma_start3A_55 = arith.constant 0 : i32
      %dma_start3A_56 = tpu.memref_slice %arg2[%add3A, %dma_start3A_54, %dma_start3A_55] : memref<32x125x80xi32, #tpu.memory_space<hbm>> -> memref<1x125x80xi32, #tpu.memory_space<hbm>>
      %dma_start3A_57 = tpu.memref_squeeze %dma_start3A_56 : memref<1x125x80xi32, #tpu.memory_space<hbm>> -> memref<125x80xi32, #tpu.memory_space<hbm>>
      %dma_start3A_58 = arith.constant 0 : i32
      %dma_start3A_59 = arith.constant 0 : i32
      %dma_start3A_60 = tpu.memref_slice %arg2[%add3A, %dma_start3A_58, %dma_start3A_59] : memref<32x125x80xi32, #tpu.memory_space<hbm>> -> memref<1x125x80xi32, #tpu.memory_space<hbm>>
      %dma_start3A_61 = tpu.memref_squeeze %dma_start3A_60 : memref<1x125x80xi32, #tpu.memory_space<hbm>> -> memref<125x80xi32, #tpu.memory_space<hbm>>
      tpu.enqueue_dma source(%dma_start3A_61 : memref<125x80xi32, #tpu.memory_space<hbm>>) target(%arg6 : memref<125x80xi32, #tpu.memory_space<vmem>>) target_semaphore(%run_scoped3A : memref<!tpu.dma_semaphore, #tpu.memory_space<semaphore_mem>>)
      %dma_wait3A_62 = arith.constant 0 : i32
      %dma_wait3A_63 = arith.constant 0 : i32
      %dma_wait3A_64 = tpu.memref_slice %arg2[%add3A, %dma_wait3A_62, %dma_wait3A_63] : memref<32x125x80xi32, #tpu.memory_space<hbm>> -> memref<1x125x80xi32, #tpu.memory_space<hbm>>
      %dma_wait3A_65 = tpu.memref_squeeze %dma_wait3A_64 : memref<1x125x80xi32, #tpu.memory_space<hbm>> -> memref<125x80xi32, #tpu.memory_space<hbm>>
      %dma_wait3A_66 = arith.constant 0 : i32
      %dma_wait3A_67 = arith.constant 0 : i32
      %dma_wait3A_68 = tpu.memref_slice %arg2[%add3A, %dma_wait3A_66, %dma_wait3A_67] : memref<32x125x80xi32, #tpu.memory_space<hbm>> -> memref<1x125x80xi32, #tpu.memory_space<hbm>>
      %dma_wait3A_69 = tpu.memref_squeeze %dma_wait3A_68 : memref<1x125x80xi32, #tpu.memory_space<hbm>> -> memref<125x80xi32, #tpu.memory_space<hbm>>
      tpu.wait_dma2 semaphore(%run_scoped3A : memref<!tpu.dma_semaphore, #tpu.memory_space<semaphore_mem>>) src(%dma_wait3A_69 : memref<125x80xi32, #tpu.memory_space<hbm>>) dst(%arg6 : memref<125x80xi32, #tpu.memory_space<vmem>>)
      tpu.yield
    }) : () -> ()
    "tpu.region"() ({
      %run_scoped3A = tpu.sem_alloc : memref<!tpu.dma_semaphore, #tpu.memory_space<semaphore_mem>>
      tpu.enqueue_dma source(%arg3 : memref<80x16xf32, #tpu.memory_space<hbm>>) target(%arg7 : memref<80x16xf32, #tpu.memory_space<vmem>>) target_semaphore(%run_scoped3A : memref<!tpu.dma_semaphore, #tpu.memory_space<semaphore_mem>>)
      tpu.wait_dma2 semaphore(%run_scoped3A : memref<!tpu.dma_semaphore, #tpu.memory_space<semaphore_mem>>) src(%arg3 : memref<80x16xf32, #tpu.memory_space<hbm>>) dst(%arg7 : memref<80x16xf32, #tpu.memory_space<vmem>>)
      tpu.yield
    }) : () -> ()
    %barrier3A = arith.constant 0 : index
    tpu.barrier barrier_id(%barrier3A)
    %dma_start3A = arith.constant 0 : i32
    %dma_start3A_5 = arith.constant 0 : i32
    %dma_start3A_6 = tpu.memref_slice %arg6[%dma_start3A, %dma_start3A_5] : memref<125x80xi32, #tpu.memory_space<vmem>> -> memref<1x80xi32, #tpu.memory_space<vmem>>
    %dma_start3A_7 = tpu.memref_squeeze %dma_start3A_6 : memref<1x80xi32, #tpu.memory_space<vmem>> -> memref<80xi32, #tpu.memory_space<vmem>>
    %dma_start3A_8 = arith.constant 0 : i32
    %dma_start3A_9 = arith.constant 0 : i32
    %dma_start3A_10 = tpu.memref_slice %arg8[%dma_start3A_8, %dma_start3A_9] : memref<10000x16xf32, #tpu.memory_space<vmem_shared>> -> memref<10000x16xf32, #tpu.memory_space<vmem_shared>>
    tpu.enqueue_indirect_dma source(%arg7 : memref<80x16xf32, #tpu.memory_space<vmem>>) target(%dma_start3A_10 : memref<10000x16xf32, #tpu.memory_space<vmem_shared>>) offsets(%dma_start3A_7 : memref<80xi32, #tpu.memory_space<vmem>>) semaphore(%arg9 : memref<!tpu.dma_semaphore, #tpu.memory_space<semaphore_mem>>) {add = true}
    %dma_start3A_11 = arith.constant 1 : i32
    %dma_start3A_12 = arith.constant 0 : i32
    %dma_start3A_13 = tpu.memref_slice %arg6[%dma_start3A_11, %dma_start3A_12] : memref<125x80xi32, #tpu.memory_space<vmem>> -> memref<1x80xi32, #tpu.memory_space<vmem>>
    %dma_start3A_14 = tpu.memref_squeeze %dma_start3A_13 : memref<1x80xi32, #tpu.memory_space<vmem>> -> memref<80xi32, #tpu.memory_space<vmem>>
    %dma_start3A_15 = arith.constant 0 : i32
    %dma_start3A_16 = arith.constant 0 : i32
    %dma_start3A_17 = tpu.memref_slice %arg8[%dma_start3A_15, %dma_start3A_16] : memref<10000x16xf32, #tpu.memory_space<vmem_shared>> -> memref<10000x16xf32, #tpu.memory_space<vmem_shared>>
    tpu.enqueue_indirect_dma source(%arg7 : memref<80x16xf32, #tpu.memory_space<vmem>>) target(%dma_start3A_17 : memref<10000x16xf32, #tpu.memory_space<vmem_shared>>) offsets(%dma_start3A_14 : memref<80xi32, #tpu.memory_space<vmem>>) semaphore(%arg10 : memref<!tpu.dma_semaphore, #tpu.memory_space<semaphore_mem>>) {add = true}
    %scan3A = arith.constant 0 : i32
    %scan3A_18 = arith.constant 61 : i32
    %scan3A_19 = arith.addi %scan3A, %scan3A_18 : i32
    %scan3A_20 = arith.constant 1 : i32
    scf.for %scan3A_54 = %scan3A to %scan3A_19 step %scan3A_20  : i32 {
      %mul3A_55 = arith.constant 2 : i32
      %mul3A_56 = arith.muli %scan3A_54, %mul3A_55 : i32
      %add3A_57 = arith.constant 2 : i32
      %add3A_58 = arith.addi %add3A_57, %mul3A_56 : i32
      %add3A_59 = arith.constant 0 : i32
      %add3A_60 = arith.addi %add3A_58, %add3A_59 : i32
      %sub3A = arith.constant 2 : i32
      %sub3A_61 = arith.subi %add3A_60, %sub3A : i32
      %dma_wait3A_62 = arith.constant 0 : i32
      %dma_wait3A_63 = tpu.memref_slice %arg6[%sub3A_61, %dma_wait3A_62] : memref<125x80xi32, #tpu.memory_space<vmem>> -> memref<1x80xi32, #tpu.memory_space<vmem>>
      %dma_wait3A_64 = tpu.memref_squeeze %dma_wait3A_63 : memref<1x80xi32, #tpu.memory_space<vmem>> -> memref<80xi32, #tpu.memory_space<vmem>>
      %dma_wait3A_65 = arith.constant 0 : i32
      %dma_wait3A_66 = arith.constant 0 : i32
      %dma_wait3A_67 = tpu.memref_slice %arg8[%dma_wait3A_65, %dma_wait3A_66] : memref<10000x16xf32, #tpu.memory_space<vmem_shared>> -> memref<10000x16xf32, #tpu.memory_space<vmem_shared>>
      tpu.wait_indirect_dma semaphore(%arg9 : memref<!tpu.dma_semaphore, #tpu.memory_space<semaphore_mem>>) src(%arg7 : memref<80x16xf32, #tpu.memory_space<vmem>>) dst(%dma_wait3A_67 : memref<10000x16xf32, #tpu.memory_space<vmem_shared>>)
      %add3A_68 = arith.constant 0 : i32
      %add3A_69 = arith.addi %add3A_58, %add3A_68 : i32
      %dma_start3A_70 = arith.constant 0 : i32
      %dma_start3A_71 = tpu.memref_slice %arg6[%add3A_69, %dma_start3A_70] : memref<125x80xi32, #tpu.memory_space<vmem>> -> memref<1x80xi32, #tpu.memory_space<vmem>>
      %dma_start3A_72 = tpu.memref_squeeze %dma_start3A_71 : memref<1x80xi32, #tpu.memory_space<vmem>> -> memref<80xi32, #tpu.memory_space<vmem>>
      %dma_start3A_73 = arith.constant 0 : i32
      %dma_start3A_74 = arith.constant 0 : i32
      %dma_start3A_75 = tpu.memref_slice %arg8[%dma_start3A_73, %dma_start3A_74] : memref<10000x16xf32, #tpu.memory_space<vmem_shared>> -> memref<10000x16xf32, #tpu.memory_space<vmem_shared>>
      tpu.enqueue_indirect_dma source(%arg7 : memref<80x16xf32, #tpu.memory_space<vmem>>) target(%dma_start3A_75 : memref<10000x16xf32, #tpu.memory_space<vmem_shared>>) offsets(%dma_start3A_72 : memref<80xi32, #tpu.memory_space<vmem>>) semaphore(%arg9 : memref<!tpu.dma_semaphore, #tpu.memory_space<semaphore_mem>>) {add = true}
      %add3A_76 = arith.constant 1 : i32
      %add3A_77 = arith.addi %add3A_58, %add3A_76 : i32
      %sub3A_78 = arith.constant 2 : i32
      %sub3A_79 = arith.subi %add3A_77, %sub3A_78 : i32
      %dma_wait3A_80 = arith.constant 0 : i32
      %dma_wait3A_81 = tpu.memref_slice %arg6[%sub3A_79, %dma_wait3A_80] : memref<125x80xi32, #tpu.memory_space<vmem>> -> memref<1x80xi32, #tpu.memory_space<vmem>>
      %dma_wait3A_82 = tpu.memref_squeeze %dma_wait3A_81 : memref<1x80xi32, #tpu.memory_space<vmem>> -> memref<80xi32, #tpu.memory_space<vmem>>
      %dma_wait3A_83 = arith.constant 0 : i32
      %dma_wait3A_84 = arith.constant 0 : i32
      %dma_wait3A_85 = tpu.memref_slice %arg8[%dma_wait3A_83, %dma_wait3A_84] : memref<10000x16xf32, #tpu.memory_space<vmem_shared>> -> memref<10000x16xf32, #tpu.memory_space<vmem_shared>>
      tpu.wait_indirect_dma semaphore(%arg10 : memref<!tpu.dma_semaphore, #tpu.memory_space<semaphore_mem>>) src(%arg7 : memref<80x16xf32, #tpu.memory_space<vmem>>) dst(%dma_wait3A_85 : memref<10000x16xf32, #tpu.memory_space<vmem_shared>>)
      %add3A_86 = arith.constant 1 : i32
      %add3A_87 = arith.addi %add3A_58, %add3A_86 : i32
      %dma_start3A_88 = arith.constant 0 : i32
      %dma_start3A_89 = tpu.memref_slice %arg6[%add3A_87, %dma_start3A_88] : memref<125x80xi32, #tpu.memory_space<vmem>> -> memref<1x80xi32, #tpu.memory_space<vmem>>
      %dma_start3A_90 = tpu.memref_squeeze %dma_start3A_89 : memref<1x80xi32, #tpu.memory_space<vmem>> -> memref<80xi32, #tpu.memory_space<vmem>>
      %dma_start3A_91 = arith.constant 0 : i32
      %dma_start3A_92 = arith.constant 0 : i32
      %dma_start3A_93 = tpu.memref_slice %arg8[%dma_start3A_91, %dma_start3A_92] : memref<10000x16xf32, #tpu.memory_space<vmem_shared>> -> memref<10000x16xf32, #tpu.memory_space<vmem_shared>>
      tpu.enqueue_indirect_dma source(%arg7 : memref<80x16xf32, #tpu.memory_space<vmem>>) target(%dma_start3A_93 : memref<10000x16xf32, #tpu.memory_space<vmem_shared>>) offsets(%dma_start3A_90 : memref<80xi32, #tpu.memory_space<vmem>>) semaphore(%arg10 : memref<!tpu.dma_semaphore, #tpu.memory_space<semaphore_mem>>) {add = true}
    }
    %scan3A_21 = arith.constant 61 : i32
    %dma_wait3A = arith.constant 122 : i32
    %dma_wait3A_22 = arith.constant 0 : i32
    %dma_wait3A_23 = tpu.memref_slice %arg6[%dma_wait3A, %dma_wait3A_22] : memref<125x80xi32, #tpu.memory_space<vmem>> -> memref<1x80xi32, #tpu.memory_space<vmem>>
    %dma_wait3A_24 = tpu.memref_squeeze %dma_wait3A_23 : memref<1x80xi32, #tpu.memory_space<vmem>> -> memref<80xi32, #tpu.memory_space<vmem>>
    %dma_wait3A_25 = arith.constant 0 : i32
    %dma_wait3A_26 = arith.constant 0 : i32
    %dma_wait3A_27 = tpu.memref_slice %arg8[%dma_wait3A_25, %dma_wait3A_26] : memref<10000x16xf32, #tpu.memory_space<vmem_shared>> -> memref<10000x16xf32, #tpu.memory_space<vmem_shared>>
    tpu.wait_indirect_dma semaphore(%arg9 : memref<!tpu.dma_semaphore, #tpu.memory_space<semaphore_mem>>) src(%arg7 : memref<80x16xf32, #tpu.memory_space<vmem>>) dst(%dma_wait3A_27 : memref<10000x16xf32, #tpu.memory_space<vmem_shared>>)
    %dma_start3A_28 = arith.constant 124 : i32
    %dma_start3A_29 = arith.constant 0 : i32
    %dma_start3A_30 = tpu.memref_slice %arg6[%dma_start3A_28, %dma_start3A_29] : memref<125x80xi32, #tpu.memory_space<vmem>> -> memref<1x80xi32, #tpu.memory_space<vmem>>
    %dma_start3A_31 = tpu.memref_squeeze %dma_start3A_30 : memref<1x80xi32, #tpu.memory_space<vmem>> -> memref<80xi32, #tpu.memory_space<vmem>>
    %dma_start3A_32 = arith.constant 0 : i32
    %dma_start3A_33 = arith.constant 0 : i32
    %dma_start3A_34 = tpu.memref_slice %arg8[%dma_start3A_32, %dma_start3A_33] : memref<10000x16xf32, #tpu.memory_space<vmem_shared>> -> memref<10000x16xf32, #tpu.memory_space<vmem_shared>>
    tpu.enqueue_indirect_dma source(%arg7 : memref<80x16xf32, #tpu.memory_space<vmem>>) target(%dma_start3A_34 : memref<10000x16xf32, #tpu.memory_space<vmem_shared>>) offsets(%dma_start3A_31 : memref<80xi32, #tpu.memory_space<vmem>>) semaphore(%arg9 : memref<!tpu.dma_semaphore, #tpu.memory_space<semaphore_mem>>) {add = true}
    %dma_wait3A_35 = arith.constant 123 : i32
    %dma_wait3A_36 = arith.constant 0 : i32
    %dma_wait3A_37 = tpu.memref_slice %arg6[%dma_wait3A_35, %dma_wait3A_36] : memref<125x80xi32, #tpu.memory_space<vmem>> -> memref<1x80xi32, #tpu.memory_space<vmem>>
    %dma_wait3A_38 = tpu.memref_squeeze %dma_wait3A_37 : memref<1x80xi32, #tpu.memory_space<vmem>> -> memref<80xi32, #tpu.memory_space<vmem>>
    %dma_wait3A_39 = arith.constant 0 : i32
    %dma_wait3A_40 = arith.constant 0 : i32
    %dma_wait3A_41 = tpu.memref_slice %arg8[%dma_wait3A_39, %dma_wait3A_40] : memref<10000x16xf32, #tpu.memory_space<vmem_shared>> -> memref<10000x16xf32, #tpu.memory_space<vmem_shared>>
    tpu.wait_indirect_dma semaphore(%arg10 : memref<!tpu.dma_semaphore, #tpu.memory_space<semaphore_mem>>) src(%arg7 : memref<80x16xf32, #tpu.memory_space<vmem>>) dst(%dma_wait3A_41 : memref<10000x16xf32, #tpu.memory_space<vmem_shared>>)
    %dma_wait3A_42 = arith.constant 124 : i32
    %dma_wait3A_43 = arith.constant 0 : i32
    %dma_wait3A_44 = tpu.memref_slice %arg6[%dma_wait3A_42, %dma_wait3A_43] : memref<125x80xi32, #tpu.memory_space<vmem>> -> memref<1x80xi32, #tpu.memory_space<vmem>>
    %dma_wait3A_45 = tpu.memref_squeeze %dma_wait3A_44 : memref<1x80xi32, #tpu.memory_space<vmem>> -> memref<80xi32, #tpu.memory_space<vmem>>
    %dma_wait3A_46 = arith.constant 0 : i32
    %dma_wait3A_47 = arith.constant 0 : i32
    %dma_wait3A_48 = tpu.memref_slice %arg8[%dma_wait3A_46, %dma_wait3A_47] : memref<10000x16xf32, #tpu.memory_space<vmem_shared>> -> memref<10000x16xf32, #tpu.memory_space<vmem_shared>>
    tpu.wait_indirect_dma semaphore(%arg9 : memref<!tpu.dma_semaphore, #tpu.memory_space<semaphore_mem>>) src(%arg7 : memref<80x16xf32, #tpu.memory_space<vmem>>) dst(%dma_wait3A_48 : memref<10000x16xf32, #tpu.memory_space<vmem_shared>>)
    %barrier3A_49 = arith.constant 0 : index
    tpu.barrier barrier_id(%barrier3A_49)
    %mul3A_50 = arith.constant 625 : i32
    %mul3A_51 = arith.muli %arg1, %mul3A_50 : i32
    %mul3A_52 = arith.constant 625 : i32
    %mul3A_53 = arith.muli %arg1, %mul3A_52 : i32
    "tpu.region"() ({
      %run_scoped3A = tpu.sem_alloc : memref<!tpu.dma_semaphore, #tpu.memory_space<semaphore_mem>>
      %dma_start3A_54 = arith.constant 0 : i32
      %dma_start3A_55 = arith.constant 0 : i32
      %dma_start3A_56 = tpu.memref_slice %arg5[%arg0, %dma_start3A_54, %dma_start3A_55] : memref<2x10000x16xf32, #tpu.memory_space<hbm>> -> memref<1x10000x16xf32, #tpu.memory_space<hbm>>
      %dma_start3A_57 = tpu.memref_squeeze %dma_start3A_56 : memref<1x10000x16xf32, #tpu.memory_space<hbm>> -> memref<10000x16xf32, #tpu.memory_space<hbm>>
      %dma_start3A_58 = arith.constant 0 : i32
      %dma_start3A_59 = tpu.memref_slice %dma_start3A_57[%mul3A_53, %dma_start3A_58] : memref<10000x16xf32, #tpu.memory_space<hbm>> -> memref<625x16xf32, #tpu.memory_space<hbm>>
      %dma_start3A_60 = arith.constant 0 : i32
      %dma_start3A_61 = tpu.memref_slice %arg8[%mul3A_51, %dma_start3A_60] : memref<10000x16xf32, #tpu.memory_space<vmem_shared>> -> memref<625x16xf32, #tpu.memory_space<vmem_shared>>
      tpu.enqueue_dma source(%dma_start3A_61 : memref<625x16xf32, #tpu.memory_space<vmem_shared>>) target(%dma_start3A_59 : memref<625x16xf32, #tpu.memory_space<hbm>>) target_semaphore(%run_scoped3A : memref<!tpu.dma_semaphore, #tpu.memory_space<semaphore_mem>>)
      %dma_wait3A_62 = arith.constant 0 : i32
      %dma_wait3A_63 = arith.constant 0 : i32
      %dma_wait3A_64 = tpu.memref_slice %arg5[%arg0, %dma_wait3A_62, %dma_wait3A_63] : memref<2x10000x16xf32, #tpu.memory_space<hbm>> -> memref<1x10000x16xf32, #tpu.memory_space<hbm>>
      %dma_wait3A_65 = tpu.memref_squeeze %dma_wait3A_64 : memref<1x10000x16xf32, #tpu.memory_space<hbm>> -> memref<10000x16xf32, #tpu.memory_space<hbm>>
      %dma_wait3A_66 = arith.constant 0 : i32
      %dma_wait3A_67 = tpu.memref_slice %dma_wait3A_65[%mul3A_53, %dma_wait3A_66] : memref<10000x16xf32, #tpu.memory_space<hbm>> -> memref<625x16xf32, #tpu.memory_space<hbm>>
      %dma_wait3A_68 = arith.constant 0 : i32
      %dma_wait3A_69 = tpu.memref_slice %arg8[%mul3A_51, %dma_wait3A_68] : memref<10000x16xf32, #tpu.memory_space<vmem_shared>> -> memref<625x16xf32, #tpu.memory_space<vmem_shared>>
      tpu.wait_dma2 semaphore(%run_scoped3A : memref<!tpu.dma_semaphore, #tpu.memory_space<semaphore_mem>>) src(%dma_wait3A_69 : memref<625x16xf32, #tpu.memory_space<vmem_shared>>) dst(%dma_wait3A_67 : memref<625x16xf32, #tpu.memory_space<hbm>>)
      tpu.yield
    }) : () -> ()
    return
  }
}

#map = affine_map<(d0, d1) -> (0, 0)>
#map1 = affine_map<(d0, d1) -> (0, 0, 0)>
module attributes {stable_mosaic.version = 14 : i64} {
  func.func @k(%arg0: i32, %arg1: i32, %arg2: memref<10000x64xf32, #tpu.memory_space<hbm>>, %arg3: memref<32x125x80xi32, #tpu.memory_space<hbm>>, %arg4: memref<32x125x80xi32, #tpu.memory_space<hbm>>, %arg5: memref<10000x64xf32, #tpu.memory_space<hbm>>, %arg6: memref<2x10000x64xf32, #tpu.memory_space<hbm>>, %arg7: memref<125x80xi32, #tpu.memory_space<vmem>>, %arg8: memref<125x80xi32, #tpu.memory_space<vmem>>, %arg9: memref<80x64xf32, #tpu.memory_space<vmem>>, %arg10: memref<80x64xf32, #tpu.memory_space<vmem>>, %arg11: memref<10000x64xf32, #tpu.memory_space<vmem_shared>>, %arg12: memref<!tpu.dma_semaphore, #tpu.memory_space<semaphore_mem>>, %arg13: memref<!tpu.dma_semaphore, #tpu.memory_space<semaphore_mem>>, %arg14: memref<!tpu.dma_semaphore, #tpu.memory_space<semaphore_mem>>, %arg15: memref<!tpu.dma_semaphore, #tpu.memory_space<semaphore_mem>>) attributes {dimension_semantics = [#tpu.dimension_semantics<core_parallel>, #tpu.dimension_semantics<subcore_parallel>], iteration_bounds = array<i64: 2, 16>, scalar_prefetch = 0 : i64, scratch_operands = 9 : i64, tpu.core_type = #tpu.core_type<sc_vector_subcore>, window_params = [{transform_indices = #map}, {transform_indices = #map1}, {transform_indices = #map1}, {transform_indices = #map}, {transform_indices = #map1}]} {
    %mul3A = arith.constant 16 : i32
    %mul3A_0 = arith.muli %arg0, %mul3A : i32
    %add3A = arith.addi %mul3A_0, %arg1 : i32
    %mul3A_1 = arith.constant 625 : i32
    %mul3A_2 = arith.muli %arg1, %mul3A_1 : i32
    %mul3A_3 = arith.constant 625 : i32
    %mul3A_4 = arith.muli %arg1, %mul3A_3 : i32
    "tpu.region"() ({
      %run_scoped3A = tpu.sem_alloc : memref<!tpu.dma_semaphore, #tpu.memory_space<semaphore_mem>>
      %dma_start3A_96 = arith.constant 0 : i32
      %dma_start3A_97 = tpu.memref_slice %arg11[%mul3A_4, %dma_start3A_96] : memref<10000x64xf32, #tpu.memory_space<vmem_shared>> -> memref<625x64xf32, #tpu.memory_space<vmem_shared>>
      %dma_start3A_98 = arith.constant 0 : i32
      %dma_start3A_99 = tpu.memref_slice %arg5[%mul3A_2, %dma_start3A_98] : memref<10000x64xf32, #tpu.memory_space<hbm>> -> memref<625x64xf32, #tpu.memory_space<hbm>>
      tpu.enqueue_dma source(%dma_start3A_99 : memref<625x64xf32, #tpu.memory_space<hbm>>) target(%dma_start3A_97 : memref<625x64xf32, #tpu.memory_space<vmem_shared>>) target_semaphore(%run_scoped3A : memref<!tpu.dma_semaphore, #tpu.memory_space<semaphore_mem>>)
      %dma_wait3A_100 = arith.constant 0 : i32
      %dma_wait3A_101 = tpu.memref_slice %arg11[%mul3A_4, %dma_wait3A_100] : memref<10000x64xf32, #tpu.memory_space<vmem_shared>> -> memref<625x64xf32, #tpu.memory_space<vmem_shared>>
      %dma_wait3A_102 = arith.constant 0 : i32
      %dma_wait3A_103 = tpu.memref_slice %arg5[%mul3A_2, %dma_wait3A_102] : memref<10000x64xf32, #tpu.memory_space<hbm>> -> memref<625x64xf32, #tpu.memory_space<hbm>>
      tpu.wait_dma2 semaphore(%run_scoped3A : memref<!tpu.dma_semaphore, #tpu.memory_space<semaphore_mem>>) src(%dma_wait3A_103 : memref<625x64xf32, #tpu.memory_space<hbm>>) dst(%dma_wait3A_101 : memref<625x64xf32, #tpu.memory_space<vmem_shared>>)
      tpu.yield
    }) : () -> ()
    "tpu.region"() ({
      %run_scoped3A = tpu.sem_alloc : memref<!tpu.dma_semaphore, #tpu.memory_space<semaphore_mem>>
      %dma_start3A_96 = arith.constant 0 : i32
      %dma_start3A_97 = arith.constant 0 : i32
      %dma_start3A_98 = tpu.memref_slice %arg3[%add3A, %dma_start3A_96, %dma_start3A_97] : memref<32x125x80xi32, #tpu.memory_space<hbm>> -> memref<1x125x80xi32, #tpu.memory_space<hbm>>
      %dma_start3A_99 = tpu.memref_squeeze %dma_start3A_98 : memref<1x125x80xi32, #tpu.memory_space<hbm>> -> memref<125x80xi32, #tpu.memory_space<hbm>>
      %dma_start3A_100 = arith.constant 0 : i32
      %dma_start3A_101 = arith.constant 0 : i32
      %dma_start3A_102 = tpu.memref_slice %arg3[%add3A, %dma_start3A_100, %dma_start3A_101] : memref<32x125x80xi32, #tpu.memory_space<hbm>> -> memref<1x125x80xi32, #tpu.memory_space<hbm>>
      %dma_start3A_103 = tpu.memref_squeeze %dma_start3A_102 : memref<1x125x80xi32, #tpu.memory_space<hbm>> -> memref<125x80xi32, #tpu.memory_space<hbm>>
      tpu.enqueue_dma source(%dma_start3A_103 : memref<125x80xi32, #tpu.memory_space<hbm>>) target(%arg7 : memref<125x80xi32, #tpu.memory_space<vmem>>) target_semaphore(%run_scoped3A : memref<!tpu.dma_semaphore, #tpu.memory_space<semaphore_mem>>)
      %dma_wait3A_104 = arith.constant 0 : i32
      %dma_wait3A_105 = arith.constant 0 : i32
      %dma_wait3A_106 = tpu.memref_slice %arg3[%add3A, %dma_wait3A_104, %dma_wait3A_105] : memref<32x125x80xi32, #tpu.memory_space<hbm>> -> memref<1x125x80xi32, #tpu.memory_space<hbm>>
      %dma_wait3A_107 = tpu.memref_squeeze %dma_wait3A_106 : memref<1x125x80xi32, #tpu.memory_space<hbm>> -> memref<125x80xi32, #tpu.memory_space<hbm>>
      %dma_wait3A_108 = arith.constant 0 : i32
      %dma_wait3A_109 = arith.constant 0 : i32
      %dma_wait3A_110 = tpu.memref_slice %arg3[%add3A, %dma_wait3A_108, %dma_wait3A_109] : memref<32x125x80xi32, #tpu.memory_space<hbm>> -> memref<1x125x80xi32, #tpu.memory_space<hbm>>
      %dma_wait3A_111 = tpu.memref_squeeze %dma_wait3A_110 : memref<1x125x80xi32, #tpu.memory_space<hbm>> -> memref<125x80xi32, #tpu.memory_space<hbm>>
      tpu.wait_dma2 semaphore(%run_scoped3A : memref<!tpu.dma_semaphore, #tpu.memory_space<semaphore_mem>>) src(%dma_wait3A_111 : memref<125x80xi32, #tpu.memory_space<hbm>>) dst(%arg7 : memref<125x80xi32, #tpu.memory_space<vmem>>)
      tpu.yield
    }) : () -> ()
    "tpu.region"() ({
      %run_scoped3A = tpu.sem_alloc : memref<!tpu.dma_semaphore, #tpu.memory_space<semaphore_mem>>
      %dma_start3A_96 = arith.constant 0 : i32
      %dma_start3A_97 = arith.constant 0 : i32
      %dma_start3A_98 = tpu.memref_slice %arg4[%add3A, %dma_start3A_96, %dma_start3A_97] : memref<32x125x80xi32, #tpu.memory_space<hbm>> -> memref<1x125x80xi32, #tpu.memory_space<hbm>>
      %dma_start3A_99 = tpu.memref_squeeze %dma_start3A_98 : memref<1x125x80xi32, #tpu.memory_space<hbm>> -> memref<125x80xi32, #tpu.memory_space<hbm>>
      %dma_start3A_100 = arith.constant 0 : i32
      %dma_start3A_101 = arith.constant 0 : i32
      %dma_start3A_102 = tpu.memref_slice %arg4[%add3A, %dma_start3A_100, %dma_start3A_101] : memref<32x125x80xi32, #tpu.memory_space<hbm>> -> memref<1x125x80xi32, #tpu.memory_space<hbm>>
      %dma_start3A_103 = tpu.memref_squeeze %dma_start3A_102 : memref<1x125x80xi32, #tpu.memory_space<hbm>> -> memref<125x80xi32, #tpu.memory_space<hbm>>
      tpu.enqueue_dma source(%dma_start3A_103 : memref<125x80xi32, #tpu.memory_space<hbm>>) target(%arg8 : memref<125x80xi32, #tpu.memory_space<vmem>>) target_semaphore(%run_scoped3A : memref<!tpu.dma_semaphore, #tpu.memory_space<semaphore_mem>>)
      %dma_wait3A_104 = arith.constant 0 : i32
      %dma_wait3A_105 = arith.constant 0 : i32
      %dma_wait3A_106 = tpu.memref_slice %arg4[%add3A, %dma_wait3A_104, %dma_wait3A_105] : memref<32x125x80xi32, #tpu.memory_space<hbm>> -> memref<1x125x80xi32, #tpu.memory_space<hbm>>
      %dma_wait3A_107 = tpu.memref_squeeze %dma_wait3A_106 : memref<1x125x80xi32, #tpu.memory_space<hbm>> -> memref<125x80xi32, #tpu.memory_space<hbm>>
      %dma_wait3A_108 = arith.constant 0 : i32
      %dma_wait3A_109 = arith.constant 0 : i32
      %dma_wait3A_110 = tpu.memref_slice %arg4[%add3A, %dma_wait3A_108, %dma_wait3A_109] : memref<32x125x80xi32, #tpu.memory_space<hbm>> -> memref<1x125x80xi32, #tpu.memory_space<hbm>>
      %dma_wait3A_111 = tpu.memref_squeeze %dma_wait3A_110 : memref<1x125x80xi32, #tpu.memory_space<hbm>> -> memref<125x80xi32, #tpu.memory_space<hbm>>
      tpu.wait_dma2 semaphore(%run_scoped3A : memref<!tpu.dma_semaphore, #tpu.memory_space<semaphore_mem>>) src(%dma_wait3A_111 : memref<125x80xi32, #tpu.memory_space<hbm>>) dst(%arg8 : memref<125x80xi32, #tpu.memory_space<vmem>>)
      tpu.yield
    }) : () -> ()
    %barrier3A = arith.constant 0 : index
    tpu.barrier barrier_id(%barrier3A)
    %dma_start3A = arith.constant 0 : i32
    %dma_start3A_5 = arith.constant 0 : i32
    %dma_start3A_6 = tpu.memref_slice %arg7[%dma_start3A, %dma_start3A_5] : memref<125x80xi32, #tpu.memory_space<vmem>> -> memref<1x80xi32, #tpu.memory_space<vmem>>
    %dma_start3A_7 = tpu.memref_squeeze %dma_start3A_6 : memref<1x80xi32, #tpu.memory_space<vmem>> -> memref<80xi32, #tpu.memory_space<vmem>>
    %dma_start3A_8 = arith.constant 0 : i32
    %dma_start3A_9 = arith.constant 0 : i32
    %dma_start3A_10 = tpu.memref_slice %arg2[%dma_start3A_8, %dma_start3A_9] : memref<10000x64xf32, #tpu.memory_space<hbm>> -> memref<10000x64xf32, #tpu.memory_space<hbm>>
    tpu.enqueue_indirect_dma source(%dma_start3A_10 : memref<10000x64xf32, #tpu.memory_space<hbm>>) target(%arg9 : memref<80x64xf32, #tpu.memory_space<vmem>>) offsets(%dma_start3A_7 : memref<80xi32, #tpu.memory_space<vmem>>) semaphore(%arg12 : memref<!tpu.dma_semaphore, #tpu.memory_space<semaphore_mem>>)
    %dma_start3A_11 = arith.constant 1 : i32
    %dma_start3A_12 = arith.constant 0 : i32
    %dma_start3A_13 = tpu.memref_slice %arg7[%dma_start3A_11, %dma_start3A_12] : memref<125x80xi32, #tpu.memory_space<vmem>> -> memref<1x80xi32, #tpu.memory_space<vmem>>
    %dma_start3A_14 = tpu.memref_squeeze %dma_start3A_13 : memref<1x80xi32, #tpu.memory_space<vmem>> -> memref<80xi32, #tpu.memory_space<vmem>>
    %dma_start3A_15 = arith.constant 0 : i32
    %dma_start3A_16 = arith.constant 0 : i32
    %dma_start3A_17 = tpu.memref_slice %arg2[%dma_start3A_15, %dma_start3A_16] : memref<10000x64xf32, #tpu.memory_space<hbm>> -> memref<10000x64xf32, #tpu.memory_space<hbm>>
    tpu.enqueue_indirect_dma source(%dma_start3A_17 : memref<10000x64xf32, #tpu.memory_space<hbm>>) target(%arg10 : memref<80x64xf32, #tpu.memory_space<vmem>>) offsets(%dma_start3A_14 : memref<80xi32, #tpu.memory_space<vmem>>) semaphore(%arg13 : memref<!tpu.dma_semaphore, #tpu.memory_space<semaphore_mem>>)
    %scan3A = arith.constant 0 : i32
    %scan3A_18 = arith.constant 61 : i32
    %scan3A_19 = arith.addi %scan3A, %scan3A_18 : i32
    %scan3A_20 = arith.constant 1 : i32
    scf.for %scan3A_96 = %scan3A to %scan3A_19 step %scan3A_20  : i32 {
      %mul3A_97 = arith.constant 2 : i32
      %mul3A_98 = arith.muli %scan3A_96, %mul3A_97 : i32
      %add3A_99 = arith.constant 0 : i32
      %add3A_100 = arith.addi %add3A_99, %mul3A_98 : i32
      %add3A_101 = arith.constant 0 : i32
      %add3A_102 = arith.addi %add3A_100, %add3A_101 : i32
      %dma_wait3A_103 = arith.constant 0 : i32
      %dma_wait3A_104 = tpu.memref_slice %arg7[%add3A_102, %dma_wait3A_103] : memref<125x80xi32, #tpu.memory_space<vmem>> -> memref<1x80xi32, #tpu.memory_space<vmem>>
      %dma_wait3A_105 = tpu.memref_squeeze %dma_wait3A_104 : memref<1x80xi32, #tpu.memory_space<vmem>> -> memref<80xi32, #tpu.memory_space<vmem>>
      %dma_wait3A_106 = arith.constant 0 : i32
      %dma_wait3A_107 = arith.constant 0 : i32
      %dma_wait3A_108 = tpu.memref_slice %arg2[%dma_wait3A_106, %dma_wait3A_107] : memref<10000x64xf32, #tpu.memory_space<hbm>> -> memref<10000x64xf32, #tpu.memory_space<hbm>>
      tpu.wait_indirect_dma semaphore(%arg12 : memref<!tpu.dma_semaphore, #tpu.memory_space<semaphore_mem>>) src(%dma_wait3A_108 : memref<10000x64xf32, #tpu.memory_space<hbm>>) dst(%arg9 : memref<80x64xf32, #tpu.memory_space<vmem>>)
      %dma_start3A_109 = arith.constant 0 : i32
      %dma_start3A_110 = tpu.memref_slice %arg8[%add3A_102, %dma_start3A_109] : memref<125x80xi32, #tpu.memory_space<vmem>> -> memref<1x80xi32, #tpu.memory_space<vmem>>
      %dma_start3A_111 = tpu.memref_squeeze %dma_start3A_110 : memref<1x80xi32, #tpu.memory_space<vmem>> -> memref<80xi32, #tpu.memory_space<vmem>>
      %dma_start3A_112 = arith.constant 0 : i32
      %dma_start3A_113 = arith.constant 0 : i32
      %dma_start3A_114 = tpu.memref_slice %arg11[%dma_start3A_112, %dma_start3A_113] : memref<10000x64xf32, #tpu.memory_space<vmem_shared>> -> memref<10000x64xf32, #tpu.memory_space<vmem_shared>>
      tpu.enqueue_indirect_dma source(%arg9 : memref<80x64xf32, #tpu.memory_space<vmem>>) target(%dma_start3A_114 : memref<10000x64xf32, #tpu.memory_space<vmem_shared>>) offsets(%dma_start3A_111 : memref<80xi32, #tpu.memory_space<vmem>>) semaphore(%arg14 : memref<!tpu.dma_semaphore, #tpu.memory_space<semaphore_mem>>) {add = true}
      %dma_wait3A_115 = arith.constant 0 : i32
      %dma_wait3A_116 = tpu.memref_slice %arg8[%add3A_102, %dma_wait3A_115] : memref<125x80xi32, #tpu.memory_space<vmem>> -> memref<1x80xi32, #tpu.memory_space<vmem>>
      %dma_wait3A_117 = tpu.memref_squeeze %dma_wait3A_116 : memref<1x80xi32, #tpu.memory_space<vmem>> -> memref<80xi32, #tpu.memory_space<vmem>>
      %dma_wait3A_118 = arith.constant 0 : i32
      %dma_wait3A_119 = arith.constant 0 : i32
      %dma_wait3A_120 = tpu.memref_slice %arg11[%dma_wait3A_118, %dma_wait3A_119] : memref<10000x64xf32, #tpu.memory_space<vmem_shared>> -> memref<10000x64xf32, #tpu.memory_space<vmem_shared>>
      tpu.wait_indirect_dma semaphore(%arg14 : memref<!tpu.dma_semaphore, #tpu.memory_space<semaphore_mem>>) src(%arg9 : memref<80x64xf32, #tpu.memory_space<vmem>>) dst(%dma_wait3A_120 : memref<10000x64xf32, #tpu.memory_space<vmem_shared>>)
      %add3A_121 = arith.constant 2 : i32
      %add3A_122 = arith.addi %add3A_102, %add3A_121 : i32
      %dma_start3A_123 = arith.constant 0 : i32
      %dma_start3A_124 = tpu.memref_slice %arg7[%add3A_122, %dma_start3A_123] : memref<125x80xi32, #tpu.memory_space<vmem>> -> memref<1x80xi32, #tpu.memory_space<vmem>>
      %dma_start3A_125 = tpu.memref_squeeze %dma_start3A_124 : memref<1x80xi32, #tpu.memory_space<vmem>> -> memref<80xi32, #tpu.memory_space<vmem>>
      %dma_start3A_126 = arith.constant 0 : i32
      %dma_start3A_127 = arith.constant 0 : i32
      %dma_start3A_128 = tpu.memref_slice %arg2[%dma_start3A_126, %dma_start3A_127] : memref<10000x64xf32, #tpu.memory_space<hbm>> -> memref<10000x64xf32, #tpu.memory_space<hbm>>
      tpu.enqueue_indirect_dma source(%dma_start3A_128 : memref<10000x64xf32, #tpu.memory_space<hbm>>) target(%arg9 : memref<80x64xf32, #tpu.memory_space<vmem>>) offsets(%dma_start3A_125 : memref<80xi32, #tpu.memory_space<vmem>>) semaphore(%arg12 : memref<!tpu.dma_semaphore, #tpu.memory_space<semaphore_mem>>)
      %add3A_129 = arith.constant 1 : i32
      %add3A_130 = arith.addi %add3A_100, %add3A_129 : i32
      %dma_wait3A_131 = arith.constant 0 : i32
      %dma_wait3A_132 = tpu.memref_slice %arg7[%add3A_130, %dma_wait3A_131] : memref<125x80xi32, #tpu.memory_space<vmem>> -> memref<1x80xi32, #tpu.memory_space<vmem>>
      %dma_wait3A_133 = tpu.memref_squeeze %dma_wait3A_132 : memref<1x80xi32, #tpu.memory_space<vmem>> -> memref<80xi32, #tpu.memory_space<vmem>>
      %dma_wait3A_134 = arith.constant 0 : i32
      %dma_wait3A_135 = arith.constant 0 : i32
      %dma_wait3A_136 = tpu.memref_slice %arg2[%dma_wait3A_134, %dma_wait3A_135] : memref<10000x64xf32, #tpu.memory_space<hbm>> -> memref<10000x64xf32, #tpu.memory_space<hbm>>
      tpu.wait_indirect_dma semaphore(%arg13 : memref<!tpu.dma_semaphore, #tpu.memory_space<semaphore_mem>>) src(%dma_wait3A_136 : memref<10000x64xf32, #tpu.memory_space<hbm>>) dst(%arg10 : memref<80x64xf32, #tpu.memory_space<vmem>>)
      %dma_start3A_137 = arith.constant 0 : i32
      %dma_start3A_138 = tpu.memref_slice %arg8[%add3A_130, %dma_start3A_137] : memref<125x80xi32, #tpu.memory_space<vmem>> -> memref<1x80xi32, #tpu.memory_space<vmem>>
      %dma_start3A_139 = tpu.memref_squeeze %dma_start3A_138 : memref<1x80xi32, #tpu.memory_space<vmem>> -> memref<80xi32, #tpu.memory_space<vmem>>
      %dma_start3A_140 = arith.constant 0 : i32
      %dma_start3A_141 = arith.constant 0 : i32
      %dma_start3A_142 = tpu.memref_slice %arg11[%dma_start3A_140, %dma_start3A_141] : memref<10000x64xf32, #tpu.memory_space<vmem_shared>> -> memref<10000x64xf32, #tpu.memory_space<vmem_shared>>
      tpu.enqueue_indirect_dma source(%arg10 : memref<80x64xf32, #tpu.memory_space<vmem>>) target(%dma_start3A_142 : memref<10000x64xf32, #tpu.memory_space<vmem_shared>>) offsets(%dma_start3A_139 : memref<80xi32, #tpu.memory_space<vmem>>) semaphore(%arg15 : memref<!tpu.dma_semaphore, #tpu.memory_space<semaphore_mem>>) {add = true}
      %dma_wait3A_143 = arith.constant 0 : i32
      %dma_wait3A_144 = tpu.memref_slice %arg8[%add3A_130, %dma_wait3A_143] : memref<125x80xi32, #tpu.memory_space<vmem>> -> memref<1x80xi32, #tpu.memory_space<vmem>>
      %dma_wait3A_145 = tpu.memref_squeeze %dma_wait3A_144 : memref<1x80xi32, #tpu.memory_space<vmem>> -> memref<80xi32, #tpu.memory_space<vmem>>
      %dma_wait3A_146 = arith.constant 0 : i32
      %dma_wait3A_147 = arith.constant 0 : i32
      %dma_wait3A_148 = tpu.memref_slice %arg11[%dma_wait3A_146, %dma_wait3A_147] : memref<10000x64xf32, #tpu.memory_space<vmem_shared>> -> memref<10000x64xf32, #tpu.memory_space<vmem_shared>>
      tpu.wait_indirect_dma semaphore(%arg15 : memref<!tpu.dma_semaphore, #tpu.memory_space<semaphore_mem>>) src(%arg10 : memref<80x64xf32, #tpu.memory_space<vmem>>) dst(%dma_wait3A_148 : memref<10000x64xf32, #tpu.memory_space<vmem_shared>>)
      %add3A_149 = arith.constant 2 : i32
      %add3A_150 = arith.addi %add3A_130, %add3A_149 : i32
      %dma_start3A_151 = arith.constant 0 : i32
      %dma_start3A_152 = tpu.memref_slice %arg7[%add3A_150, %dma_start3A_151] : memref<125x80xi32, #tpu.memory_space<vmem>> -> memref<1x80xi32, #tpu.memory_space<vmem>>
      %dma_start3A_153 = tpu.memref_squeeze %dma_start3A_152 : memref<1x80xi32, #tpu.memory_space<vmem>> -> memref<80xi32, #tpu.memory_space<vmem>>
      %dma_start3A_154 = arith.constant 0 : i32
      %dma_start3A_155 = arith.constant 0 : i32
      %dma_start3A_156 = tpu.memref_slice %arg2[%dma_start3A_154, %dma_start3A_155] : memref<10000x64xf32, #tpu.memory_space<hbm>> -> memref<10000x64xf32, #tpu.memory_space<hbm>>
      tpu.enqueue_indirect_dma source(%dma_start3A_156 : memref<10000x64xf32, #tpu.memory_space<hbm>>) target(%arg10 : memref<80x64xf32, #tpu.memory_space<vmem>>) offsets(%dma_start3A_153 : memref<80xi32, #tpu.memory_space<vmem>>) semaphore(%arg13 : memref<!tpu.dma_semaphore, #tpu.memory_space<semaphore_mem>>)
    }
    %scan3A_21 = arith.constant 61 : i32
    %dma_wait3A = arith.constant 122 : i32
    %dma_wait3A_22 = arith.constant 0 : i32
    %dma_wait3A_23 = tpu.memref_slice %arg7[%dma_wait3A, %dma_wait3A_22] : memref<125x80xi32, #tpu.memory_space<vmem>> -> memref<1x80xi32, #tpu.memory_space<vmem>>
    %dma_wait3A_24 = tpu.memref_squeeze %dma_wait3A_23 : memref<1x80xi32, #tpu.memory_space<vmem>> -> memref<80xi32, #tpu.memory_space<vmem>>
    %dma_wait3A_25 = arith.constant 0 : i32
    %dma_wait3A_26 = arith.constant 0 : i32
    %dma_wait3A_27 = tpu.memref_slice %arg2[%dma_wait3A_25, %dma_wait3A_26] : memref<10000x64xf32, #tpu.memory_space<hbm>> -> memref<10000x64xf32, #tpu.memory_space<hbm>>
    tpu.wait_indirect_dma semaphore(%arg12 : memref<!tpu.dma_semaphore, #tpu.memory_space<semaphore_mem>>) src(%dma_wait3A_27 : memref<10000x64xf32, #tpu.memory_space<hbm>>) dst(%arg9 : memref<80x64xf32, #tpu.memory_space<vmem>>)
    %dma_start3A_28 = arith.constant 122 : i32
    %dma_start3A_29 = arith.constant 0 : i32
    %dma_start3A_30 = tpu.memref_slice %arg8[%dma_start3A_28, %dma_start3A_29] : memref<125x80xi32, #tpu.memory_space<vmem>> -> memref<1x80xi32, #tpu.memory_space<vmem>>
    %dma_start3A_31 = tpu.memref_squeeze %dma_start3A_30 : memref<1x80xi32, #tpu.memory_space<vmem>> -> memref<80xi32, #tpu.memory_space<vmem>>
    %dma_start3A_32 = arith.constant 0 : i32
    %dma_start3A_33 = arith.constant 0 : i32
    %dma_start3A_34 = tpu.memref_slice %arg11[%dma_start3A_32, %dma_start3A_33] : memref<10000x64xf32, #tpu.memory_space<vmem_shared>> -> memref<10000x64xf32, #tpu.memory_space<vmem_shared>>
    tpu.enqueue_indirect_dma source(%arg9 : memref<80x64xf32, #tpu.memory_space<vmem>>) target(%dma_start3A_34 : memref<10000x64xf32, #tpu.memory_space<vmem_shared>>) offsets(%dma_start3A_31 : memref<80xi32, #tpu.memory_space<vmem>>) semaphore(%arg14 : memref<!tpu.dma_semaphore, #tpu.memory_space<semaphore_mem>>) {add = true}
    %dma_wait3A_35 = arith.constant 122 : i32
    %dma_wait3A_36 = arith.constant 0 : i32
    %dma_wait3A_37 = tpu.memref_slice %arg8[%dma_wait3A_35, %dma_wait3A_36] : memref<125x80xi32, #tpu.memory_space<vmem>> -> memref<1x80xi32, #tpu.memory_space<vmem>>
    %dma_wait3A_38 = tpu.memref_squeeze %dma_wait3A_37 : memref<1x80xi32, #tpu.memory_space<vmem>> -> memref<80xi32, #tpu.memory_space<vmem>>
    %dma_wait3A_39 = arith.constant 0 : i32
    %dma_wait3A_40 = arith.constant 0 : i32
    %dma_wait3A_41 = tpu.memref_slice %arg11[%dma_wait3A_39, %dma_wait3A_40] : memref<10000x64xf32, #tpu.memory_space<vmem_shared>> -> memref<10000x64xf32, #tpu.memory_space<vmem_shared>>
    tpu.wait_indirect_dma semaphore(%arg14 : memref<!tpu.dma_semaphore, #tpu.memory_space<semaphore_mem>>) src(%arg9 : memref<80x64xf32, #tpu.memory_space<vmem>>) dst(%dma_wait3A_41 : memref<10000x64xf32, #tpu.memory_space<vmem_shared>>)
    %dma_start3A_42 = arith.constant 124 : i32
    %dma_start3A_43 = arith.constant 0 : i32
    %dma_start3A_44 = tpu.memref_slice %arg7[%dma_start3A_42, %dma_start3A_43] : memref<125x80xi32, #tpu.memory_space<vmem>> -> memref<1x80xi32, #tpu.memory_space<vmem>>
    %dma_start3A_45 = tpu.memref_squeeze %dma_start3A_44 : memref<1x80xi32, #tpu.memory_space<vmem>> -> memref<80xi32, #tpu.memory_space<vmem>>
    %dma_start3A_46 = arith.constant 0 : i32
    %dma_start3A_47 = arith.constant 0 : i32
    %dma_start3A_48 = tpu.memref_slice %arg2[%dma_start3A_46, %dma_start3A_47] : memref<10000x64xf32, #tpu.memory_space<hbm>> -> memref<10000x64xf32, #tpu.memory_space<hbm>>
    tpu.enqueue_indirect_dma source(%dma_start3A_48 : memref<10000x64xf32, #tpu.memory_space<hbm>>) target(%arg9 : memref<80x64xf32, #tpu.memory_space<vmem>>) offsets(%dma_start3A_45 : memref<80xi32, #tpu.memory_space<vmem>>) semaphore(%arg12 : memref<!tpu.dma_semaphore, #tpu.memory_space<semaphore_mem>>)
    %dma_wait3A_49 = arith.constant 123 : i32
    %dma_wait3A_50 = arith.constant 0 : i32
    %dma_wait3A_51 = tpu.memref_slice %arg7[%dma_wait3A_49, %dma_wait3A_50] : memref<125x80xi32, #tpu.memory_space<vmem>> -> memref<1x80xi32, #tpu.memory_space<vmem>>
    %dma_wait3A_52 = tpu.memref_squeeze %dma_wait3A_51 : memref<1x80xi32, #tpu.memory_space<vmem>> -> memref<80xi32, #tpu.memory_space<vmem>>
    %dma_wait3A_53 = arith.constant 0 : i32
    %dma_wait3A_54 = arith.constant 0 : i32
    %dma_wait3A_55 = tpu.memref_slice %arg2[%dma_wait3A_53, %dma_wait3A_54] : memref<10000x64xf32, #tpu.memory_space<hbm>> -> memref<10000x64xf32, #tpu.memory_space<hbm>>
    tpu.wait_indirect_dma semaphore(%arg13 : memref<!tpu.dma_semaphore, #tpu.memory_space<semaphore_mem>>) src(%dma_wait3A_55 : memref<10000x64xf32, #tpu.memory_space<hbm>>) dst(%arg10 : memref<80x64xf32, #tpu.memory_space<vmem>>)
    %dma_start3A_56 = arith.constant 123 : i32
    %dma_start3A_57 = arith.constant 0 : i32
    %dma_start3A_58 = tpu.memref_slice %arg8[%dma_start3A_56, %dma_start3A_57] : memref<125x80xi32, #tpu.memory_space<vmem>> -> memref<1x80xi32, #tpu.memory_space<vmem>>
    %dma_start3A_59 = tpu.memref_squeeze %dma_start3A_58 : memref<1x80xi32, #tpu.memory_space<vmem>> -> memref<80xi32, #tpu.memory_space<vmem>>
    %dma_start3A_60 = arith.constant 0 : i32
    %dma_start3A_61 = arith.constant 0 : i32
    %dma_start3A_62 = tpu.memref_slice %arg11[%dma_start3A_60, %dma_start3A_61] : memref<10000x64xf32, #tpu.memory_space<vmem_shared>> -> memref<10000x64xf32, #tpu.memory_space<vmem_shared>>
    tpu.enqueue_indirect_dma source(%arg10 : memref<80x64xf32, #tpu.memory_space<vmem>>) target(%dma_start3A_62 : memref<10000x64xf32, #tpu.memory_space<vmem_shared>>) offsets(%dma_start3A_59 : memref<80xi32, #tpu.memory_space<vmem>>) semaphore(%arg15 : memref<!tpu.dma_semaphore, #tpu.memory_space<semaphore_mem>>) {add = true}
    %dma_wait3A_63 = arith.constant 123 : i32
    %dma_wait3A_64 = arith.constant 0 : i32
    %dma_wait3A_65 = tpu.memref_slice %arg8[%dma_wait3A_63, %dma_wait3A_64] : memref<125x80xi32, #tpu.memory_space<vmem>> -> memref<1x80xi32, #tpu.memory_space<vmem>>
    %dma_wait3A_66 = tpu.memref_squeeze %dma_wait3A_65 : memref<1x80xi32, #tpu.memory_space<vmem>> -> memref<80xi32, #tpu.memory_space<vmem>>
    %dma_wait3A_67 = arith.constant 0 : i32
    %dma_wait3A_68 = arith.constant 0 : i32
    %dma_wait3A_69 = tpu.memref_slice %arg11[%dma_wait3A_67, %dma_wait3A_68] : memref<10000x64xf32, #tpu.memory_space<vmem_shared>> -> memref<10000x64xf32, #tpu.memory_space<vmem_shared>>
    tpu.wait_indirect_dma semaphore(%arg15 : memref<!tpu.dma_semaphore, #tpu.memory_space<semaphore_mem>>) src(%arg10 : memref<80x64xf32, #tpu.memory_space<vmem>>) dst(%dma_wait3A_69 : memref<10000x64xf32, #tpu.memory_space<vmem_shared>>)
    %dma_wait3A_70 = arith.constant 124 : i32
    %dma_wait3A_71 = arith.constant 0 : i32
    %dma_wait3A_72 = tpu.memref_slice %arg7[%dma_wait3A_70, %dma_wait3A_71] : memref<125x80xi32, #tpu.memory_space<vmem>> -> memref<1x80xi32, #tpu.memory_space<vmem>>
    %dma_wait3A_73 = tpu.memref_squeeze %dma_wait3A_72 : memref<1x80xi32, #tpu.memory_space<vmem>> -> memref<80xi32, #tpu.memory_space<vmem>>
    %dma_wait3A_74 = arith.constant 0 : i32
    %dma_wait3A_75 = arith.constant 0 : i32
    %dma_wait3A_76 = tpu.memref_slice %arg2[%dma_wait3A_74, %dma_wait3A_75] : memref<10000x64xf32, #tpu.memory_space<hbm>> -> memref<10000x64xf32, #tpu.memory_space<hbm>>
    tpu.wait_indirect_dma semaphore(%arg12 : memref<!tpu.dma_semaphore, #tpu.memory_space<semaphore_mem>>) src(%dma_wait3A_76 : memref<10000x64xf32, #tpu.memory_space<hbm>>) dst(%arg9 : memref<80x64xf32, #tpu.memory_space<vmem>>)
    %dma_start3A_77 = arith.constant 124 : i32
    %dma_start3A_78 = arith.constant 0 : i32
    %dma_start3A_79 = tpu.memref_slice %arg8[%dma_start3A_77, %dma_start3A_78] : memref<125x80xi32, #tpu.memory_space<vmem>> -> memref<1x80xi32, #tpu.memory_space<vmem>>
    %dma_start3A_80 = tpu.memref_squeeze %dma_start3A_79 : memref<1x80xi32, #tpu.memory_space<vmem>> -> memref<80xi32, #tpu.memory_space<vmem>>
    %dma_start3A_81 = arith.constant 0 : i32
    %dma_start3A_82 = arith.constant 0 : i32
    %dma_start3A_83 = tpu.memref_slice %arg11[%dma_start3A_81, %dma_start3A_82] : memref<10000x64xf32, #tpu.memory_space<vmem_shared>> -> memref<10000x64xf32, #tpu.memory_space<vmem_shared>>
    tpu.enqueue_indirect_dma source(%arg9 : memref<80x64xf32, #tpu.memory_space<vmem>>) target(%dma_start3A_83 : memref<10000x64xf32, #tpu.memory_space<vmem_shared>>) offsets(%dma_start3A_80 : memref<80xi32, #tpu.memory_space<vmem>>) semaphore(%arg14 : memref<!tpu.dma_semaphore, #tpu.memory_space<semaphore_mem>>) {add = true}
    %dma_wait3A_84 = arith.constant 124 : i32
    %dma_wait3A_85 = arith.constant 0 : i32
    %dma_wait3A_86 = tpu.memref_slice %arg8[%dma_wait3A_84, %dma_wait3A_85] : memref<125x80xi32, #tpu.memory_space<vmem>> -> memref<1x80xi32, #tpu.memory_space<vmem>>
    %dma_wait3A_87 = tpu.memref_squeeze %dma_wait3A_86 : memref<1x80xi32, #tpu.memory_space<vmem>> -> memref<80xi32, #tpu.memory_space<vmem>>
    %dma_wait3A_88 = arith.constant 0 : i32
    %dma_wait3A_89 = arith.constant 0 : i32
    %dma_wait3A_90 = tpu.memref_slice %arg11[%dma_wait3A_88, %dma_wait3A_89] : memref<10000x64xf32, #tpu.memory_space<vmem_shared>> -> memref<10000x64xf32, #tpu.memory_space<vmem_shared>>
    tpu.wait_indirect_dma semaphore(%arg14 : memref<!tpu.dma_semaphore, #tpu.memory_space<semaphore_mem>>) src(%arg9 : memref<80x64xf32, #tpu.memory_space<vmem>>) dst(%dma_wait3A_90 : memref<10000x64xf32, #tpu.memory_space<vmem_shared>>)
    %barrier3A_91 = arith.constant 0 : index
    tpu.barrier barrier_id(%barrier3A_91)
    %mul3A_92 = arith.constant 625 : i32
    %mul3A_93 = arith.muli %arg1, %mul3A_92 : i32
    %mul3A_94 = arith.constant 625 : i32
    %mul3A_95 = arith.muli %arg1, %mul3A_94 : i32
    "tpu.region"() ({
      %run_scoped3A = tpu.sem_alloc : memref<!tpu.dma_semaphore, #tpu.memory_space<semaphore_mem>>
      %dma_start3A_96 = arith.constant 0 : i32
      %dma_start3A_97 = arith.constant 0 : i32
      %dma_start3A_98 = tpu.memref_slice %arg6[%arg0, %dma_start3A_96, %dma_start3A_97] : memref<2x10000x64xf32, #tpu.memory_space<hbm>> -> memref<1x10000x64xf32, #tpu.memory_space<hbm>>
      %dma_start3A_99 = tpu.memref_squeeze %dma_start3A_98 : memref<1x10000x64xf32, #tpu.memory_space<hbm>> -> memref<10000x64xf32, #tpu.memory_space<hbm>>
      %dma_start3A_100 = arith.constant 0 : i32
      %dma_start3A_101 = tpu.memref_slice %dma_start3A_99[%mul3A_95, %dma_start3A_100] : memref<10000x64xf32, #tpu.memory_space<hbm>> -> memref<625x64xf32, #tpu.memory_space<hbm>>
      %dma_start3A_102 = arith.constant 0 : i32
      %dma_start3A_103 = tpu.memref_slice %arg11[%mul3A_93, %dma_start3A_102] : memref<10000x64xf32, #tpu.memory_space<vmem_shared>> -> memref<625x64xf32, #tpu.memory_space<vmem_shared>>
      tpu.enqueue_dma source(%dma_start3A_103 : memref<625x64xf32, #tpu.memory_space<vmem_shared>>) target(%dma_start3A_101 : memref<625x64xf32, #tpu.memory_space<hbm>>) target_semaphore(%run_scoped3A : memref<!tpu.dma_semaphore, #tpu.memory_space<semaphore_mem>>)
      %dma_wait3A_104 = arith.constant 0 : i32
      %dma_wait3A_105 = arith.constant 0 : i32
      %dma_wait3A_106 = tpu.memref_slice %arg6[%arg0, %dma_wait3A_104, %dma_wait3A_105] : memref<2x10000x64xf32, #tpu.memory_space<hbm>> -> memref<1x10000x64xf32, #tpu.memory_space<hbm>>
      %dma_wait3A_107 = tpu.memref_squeeze %dma_wait3A_106 : memref<1x10000x64xf32, #tpu.memory_space<hbm>> -> memref<10000x64xf32, #tpu.memory_space<hbm>>
      %dma_wait3A_108 = arith.constant 0 : i32
      %dma_wait3A_109 = tpu.memref_slice %dma_wait3A_107[%mul3A_95, %dma_wait3A_108] : memref<10000x64xf32, #tpu.memory_space<hbm>> -> memref<625x64xf32, #tpu.memory_space<hbm>>
      %dma_wait3A_110 = arith.constant 0 : i32
      %dma_wait3A_111 = tpu.memref_slice %arg11[%mul3A_93, %dma_wait3A_110] : memref<10000x64xf32, #tpu.memory_space<vmem_shared>> -> memref<625x64xf32, #tpu.memory_space<vmem_shared>>
      tpu.wait_dma2 semaphore(%run_scoped3A : memref<!tpu.dma_semaphore, #tpu.memory_space<semaphore_mem>>) src(%dma_wait3A_111 : memref<625x64xf32, #tpu.memory_space<vmem_shared>>) dst(%dma_wait3A_109 : memref<625x64xf32, #tpu.memory_space<hbm>>)
      tpu.yield
    }) : () -> ()
    return
  }
}

#map = affine_map<(d0, d1) -> (0, 0)>
#map1 = affine_map<(d0, d1) -> (0, 0, 0)>
module attributes {stable_mosaic.version = 14 : i64} {
  func.func @k(%arg0: i32, %arg1: i32, %arg2: memref<10000x128xf32, #tpu.memory_space<hbm>>, %arg3: memref<32x125x80xi32, #tpu.memory_space<hbm>>, %arg4: memref<32x125x80xi32, #tpu.memory_space<hbm>>, %arg5: memref<10000x128xf32, #tpu.memory_space<hbm>>, %arg6: memref<2x10000x128xf32, #tpu.memory_space<hbm>>, %arg7: memref<125x80xi32, #tpu.memory_space<vmem>>, %arg8: memref<125x80xi32, #tpu.memory_space<vmem>>, %arg9: memref<80x128xf32, #tpu.memory_space<vmem>>, %arg10: memref<80x128xf32, #tpu.memory_space<vmem>>, %arg11: memref<10000x128xf32, #tpu.memory_space<vmem_shared>>, %arg12: memref<!tpu.dma_semaphore, #tpu.memory_space<semaphore_mem>>, %arg13: memref<!tpu.dma_semaphore, #tpu.memory_space<semaphore_mem>>, %arg14: memref<!tpu.dma_semaphore, #tpu.memory_space<semaphore_mem>>, %arg15: memref<!tpu.dma_semaphore, #tpu.memory_space<semaphore_mem>>) attributes {dimension_semantics = [#tpu.dimension_semantics<core_parallel>, #tpu.dimension_semantics<subcore_parallel>], iteration_bounds = array<i64: 2, 16>, scalar_prefetch = 0 : i64, scratch_operands = 9 : i64, tpu.core_type = #tpu.core_type<sc_vector_subcore>, window_params = [{transform_indices = #map}, {transform_indices = #map1}, {transform_indices = #map1}, {transform_indices = #map}, {transform_indices = #map1}]} {
    %mul3A = arith.constant 16 : i32
    %mul3A_0 = arith.muli %arg0, %mul3A : i32
    %add3A = arith.addi %mul3A_0, %arg1 : i32
    %mul3A_1 = arith.constant 625 : i32
    %mul3A_2 = arith.muli %arg1, %mul3A_1 : i32
    %mul3A_3 = arith.constant 625 : i32
    %mul3A_4 = arith.muli %arg1, %mul3A_3 : i32
    "tpu.region"() ({
      %run_scoped3A = tpu.sem_alloc : memref<!tpu.dma_semaphore, #tpu.memory_space<semaphore_mem>>
      %dma_start3A_96 = arith.constant 0 : i32
      %dma_start3A_97 = tpu.memref_slice %arg11[%mul3A_4, %dma_start3A_96] : memref<10000x128xf32, #tpu.memory_space<vmem_shared>> -> memref<625x128xf32, #tpu.memory_space<vmem_shared>>
      %dma_start3A_98 = arith.constant 0 : i32
      %dma_start3A_99 = tpu.memref_slice %arg5[%mul3A_2, %dma_start3A_98] : memref<10000x128xf32, #tpu.memory_space<hbm>> -> memref<625x128xf32, #tpu.memory_space<hbm>>
      tpu.enqueue_dma source(%dma_start3A_99 : memref<625x128xf32, #tpu.memory_space<hbm>>) target(%dma_start3A_97 : memref<625x128xf32, #tpu.memory_space<vmem_shared>>) target_semaphore(%run_scoped3A : memref<!tpu.dma_semaphore, #tpu.memory_space<semaphore_mem>>)
      %dma_wait3A_100 = arith.constant 0 : i32
      %dma_wait3A_101 = tpu.memref_slice %arg11[%mul3A_4, %dma_wait3A_100] : memref<10000x128xf32, #tpu.memory_space<vmem_shared>> -> memref<625x128xf32, #tpu.memory_space<vmem_shared>>
      %dma_wait3A_102 = arith.constant 0 : i32
      %dma_wait3A_103 = tpu.memref_slice %arg5[%mul3A_2, %dma_wait3A_102] : memref<10000x128xf32, #tpu.memory_space<hbm>> -> memref<625x128xf32, #tpu.memory_space<hbm>>
      tpu.wait_dma2 semaphore(%run_scoped3A : memref<!tpu.dma_semaphore, #tpu.memory_space<semaphore_mem>>) src(%dma_wait3A_103 : memref<625x128xf32, #tpu.memory_space<hbm>>) dst(%dma_wait3A_101 : memref<625x128xf32, #tpu.memory_space<vmem_shared>>)
      tpu.yield
    }) : () -> ()
    "tpu.region"() ({
      %run_scoped3A = tpu.sem_alloc : memref<!tpu.dma_semaphore, #tpu.memory_space<semaphore_mem>>
      %dma_start3A_96 = arith.constant 0 : i32
      %dma_start3A_97 = arith.constant 0 : i32
      %dma_start3A_98 = tpu.memref_slice %arg3[%add3A, %dma_start3A_96, %dma_start3A_97] : memref<32x125x80xi32, #tpu.memory_space<hbm>> -> memref<1x125x80xi32, #tpu.memory_space<hbm>>
      %dma_start3A_99 = tpu.memref_squeeze %dma_start3A_98 : memref<1x125x80xi32, #tpu.memory_space<hbm>> -> memref<125x80xi32, #tpu.memory_space<hbm>>
      %dma_start3A_100 = arith.constant 0 : i32
      %dma_start3A_101 = arith.constant 0 : i32
      %dma_start3A_102 = tpu.memref_slice %arg3[%add3A, %dma_start3A_100, %dma_start3A_101] : memref<32x125x80xi32, #tpu.memory_space<hbm>> -> memref<1x125x80xi32, #tpu.memory_space<hbm>>
      %dma_start3A_103 = tpu.memref_squeeze %dma_start3A_102 : memref<1x125x80xi32, #tpu.memory_space<hbm>> -> memref<125x80xi32, #tpu.memory_space<hbm>>
      tpu.enqueue_dma source(%dma_start3A_103 : memref<125x80xi32, #tpu.memory_space<hbm>>) target(%arg7 : memref<125x80xi32, #tpu.memory_space<vmem>>) target_semaphore(%run_scoped3A : memref<!tpu.dma_semaphore, #tpu.memory_space<semaphore_mem>>)
      %dma_wait3A_104 = arith.constant 0 : i32
      %dma_wait3A_105 = arith.constant 0 : i32
      %dma_wait3A_106 = tpu.memref_slice %arg3[%add3A, %dma_wait3A_104, %dma_wait3A_105] : memref<32x125x80xi32, #tpu.memory_space<hbm>> -> memref<1x125x80xi32, #tpu.memory_space<hbm>>
      %dma_wait3A_107 = tpu.memref_squeeze %dma_wait3A_106 : memref<1x125x80xi32, #tpu.memory_space<hbm>> -> memref<125x80xi32, #tpu.memory_space<hbm>>
      %dma_wait3A_108 = arith.constant 0 : i32
      %dma_wait3A_109 = arith.constant 0 : i32
      %dma_wait3A_110 = tpu.memref_slice %arg3[%add3A, %dma_wait3A_108, %dma_wait3A_109] : memref<32x125x80xi32, #tpu.memory_space<hbm>> -> memref<1x125x80xi32, #tpu.memory_space<hbm>>
      %dma_wait3A_111 = tpu.memref_squeeze %dma_wait3A_110 : memref<1x125x80xi32, #tpu.memory_space<hbm>> -> memref<125x80xi32, #tpu.memory_space<hbm>>
      tpu.wait_dma2 semaphore(%run_scoped3A : memref<!tpu.dma_semaphore, #tpu.memory_space<semaphore_mem>>) src(%dma_wait3A_111 : memref<125x80xi32, #tpu.memory_space<hbm>>) dst(%arg7 : memref<125x80xi32, #tpu.memory_space<vmem>>)
      tpu.yield
    }) : () -> ()
    "tpu.region"() ({
      %run_scoped3A = tpu.sem_alloc : memref<!tpu.dma_semaphore, #tpu.memory_space<semaphore_mem>>
      %dma_start3A_96 = arith.constant 0 : i32
      %dma_start3A_97 = arith.constant 0 : i32
      %dma_start3A_98 = tpu.memref_slice %arg4[%add3A, %dma_start3A_96, %dma_start3A_97] : memref<32x125x80xi32, #tpu.memory_space<hbm>> -> memref<1x125x80xi32, #tpu.memory_space<hbm>>
      %dma_start3A_99 = tpu.memref_squeeze %dma_start3A_98 : memref<1x125x80xi32, #tpu.memory_space<hbm>> -> memref<125x80xi32, #tpu.memory_space<hbm>>
      %dma_start3A_100 = arith.constant 0 : i32
      %dma_start3A_101 = arith.constant 0 : i32
      %dma_start3A_102 = tpu.memref_slice %arg4[%add3A, %dma_start3A_100, %dma_start3A_101] : memref<32x125x80xi32, #tpu.memory_space<hbm>> -> memref<1x125x80xi32, #tpu.memory_space<hbm>>
      %dma_start3A_103 = tpu.memref_squeeze %dma_start3A_102 : memref<1x125x80xi32, #tpu.memory_space<hbm>> -> memref<125x80xi32, #tpu.memory_space<hbm>>
      tpu.enqueue_dma source(%dma_start3A_103 : memref<125x80xi32, #tpu.memory_space<hbm>>) target(%arg8 : memref<125x80xi32, #tpu.memory_space<vmem>>) target_semaphore(%run_scoped3A : memref<!tpu.dma_semaphore, #tpu.memory_space<semaphore_mem>>)
      %dma_wait3A_104 = arith.constant 0 : i32
      %dma_wait3A_105 = arith.constant 0 : i32
      %dma_wait3A_106 = tpu.memref_slice %arg4[%add3A, %dma_wait3A_104, %dma_wait3A_105] : memref<32x125x80xi32, #tpu.memory_space<hbm>> -> memref<1x125x80xi32, #tpu.memory_space<hbm>>
      %dma_wait3A_107 = tpu.memref_squeeze %dma_wait3A_106 : memref<1x125x80xi32, #tpu.memory_space<hbm>> -> memref<125x80xi32, #tpu.memory_space<hbm>>
      %dma_wait3A_108 = arith.constant 0 : i32
      %dma_wait3A_109 = arith.constant 0 : i32
      %dma_wait3A_110 = tpu.memref_slice %arg4[%add3A, %dma_wait3A_108, %dma_wait3A_109] : memref<32x125x80xi32, #tpu.memory_space<hbm>> -> memref<1x125x80xi32, #tpu.memory_space<hbm>>
      %dma_wait3A_111 = tpu.memref_squeeze %dma_wait3A_110 : memref<1x125x80xi32, #tpu.memory_space<hbm>> -> memref<125x80xi32, #tpu.memory_space<hbm>>
      tpu.wait_dma2 semaphore(%run_scoped3A : memref<!tpu.dma_semaphore, #tpu.memory_space<semaphore_mem>>) src(%dma_wait3A_111 : memref<125x80xi32, #tpu.memory_space<hbm>>) dst(%arg8 : memref<125x80xi32, #tpu.memory_space<vmem>>)
      tpu.yield
    }) : () -> ()
    %barrier3A = arith.constant 0 : index
    tpu.barrier barrier_id(%barrier3A)
    %dma_start3A = arith.constant 0 : i32
    %dma_start3A_5 = arith.constant 0 : i32
    %dma_start3A_6 = tpu.memref_slice %arg7[%dma_start3A, %dma_start3A_5] : memref<125x80xi32, #tpu.memory_space<vmem>> -> memref<1x80xi32, #tpu.memory_space<vmem>>
    %dma_start3A_7 = tpu.memref_squeeze %dma_start3A_6 : memref<1x80xi32, #tpu.memory_space<vmem>> -> memref<80xi32, #tpu.memory_space<vmem>>
    %dma_start3A_8 = arith.constant 0 : i32
    %dma_start3A_9 = arith.constant 0 : i32
    %dma_start3A_10 = tpu.memref_slice %arg2[%dma_start3A_8, %dma_start3A_9] : memref<10000x128xf32, #tpu.memory_space<hbm>> -> memref<10000x128xf32, #tpu.memory_space<hbm>>
    tpu.enqueue_indirect_dma source(%dma_start3A_10 : memref<10000x128xf32, #tpu.memory_space<hbm>>) target(%arg9 : memref<80x128xf32, #tpu.memory_space<vmem>>) offsets(%dma_start3A_7 : memref<80xi32, #tpu.memory_space<vmem>>) semaphore(%arg12 : memref<!tpu.dma_semaphore, #tpu.memory_space<semaphore_mem>>)
    %dma_start3A_11 = arith.constant 1 : i32
    %dma_start3A_12 = arith.constant 0 : i32
    %dma_start3A_13 = tpu.memref_slice %arg7[%dma_start3A_11, %dma_start3A_12] : memref<125x80xi32, #tpu.memory_space<vmem>> -> memref<1x80xi32, #tpu.memory_space<vmem>>
    %dma_start3A_14 = tpu.memref_squeeze %dma_start3A_13 : memref<1x80xi32, #tpu.memory_space<vmem>> -> memref<80xi32, #tpu.memory_space<vmem>>
    %dma_start3A_15 = arith.constant 0 : i32
    %dma_start3A_16 = arith.constant 0 : i32
    %dma_start3A_17 = tpu.memref_slice %arg2[%dma_start3A_15, %dma_start3A_16] : memref<10000x128xf32, #tpu.memory_space<hbm>> -> memref<10000x128xf32, #tpu.memory_space<hbm>>
    tpu.enqueue_indirect_dma source(%dma_start3A_17 : memref<10000x128xf32, #tpu.memory_space<hbm>>) target(%arg10 : memref<80x128xf32, #tpu.memory_space<vmem>>) offsets(%dma_start3A_14 : memref<80xi32, #tpu.memory_space<vmem>>) semaphore(%arg13 : memref<!tpu.dma_semaphore, #tpu.memory_space<semaphore_mem>>)
    %scan3A = arith.constant 0 : i32
    %scan3A_18 = arith.constant 61 : i32
    %scan3A_19 = arith.addi %scan3A, %scan3A_18 : i32
    %scan3A_20 = arith.constant 1 : i32
    scf.for %scan3A_96 = %scan3A to %scan3A_19 step %scan3A_20  : i32 {
      %mul3A_97 = arith.constant 2 : i32
      %mul3A_98 = arith.muli %scan3A_96, %mul3A_97 : i32
      %add3A_99 = arith.constant 0 : i32
      %add3A_100 = arith.addi %add3A_99, %mul3A_98 : i32
      %add3A_101 = arith.constant 0 : i32
      %add3A_102 = arith.addi %add3A_100, %add3A_101 : i32
      %dma_wait3A_103 = arith.constant 0 : i32
      %dma_wait3A_104 = tpu.memref_slice %arg7[%add3A_102, %dma_wait3A_103] : memref<125x80xi32, #tpu.memory_space<vmem>> -> memref<1x80xi32, #tpu.memory_space<vmem>>
      %dma_wait3A_105 = tpu.memref_squeeze %dma_wait3A_104 : memref<1x80xi32, #tpu.memory_space<vmem>> -> memref<80xi32, #tpu.memory_space<vmem>>
      %dma_wait3A_106 = arith.constant 0 : i32
      %dma_wait3A_107 = arith.constant 0 : i32
      %dma_wait3A_108 = tpu.memref_slice %arg2[%dma_wait3A_106, %dma_wait3A_107] : memref<10000x128xf32, #tpu.memory_space<hbm>> -> memref<10000x128xf32, #tpu.memory_space<hbm>>
      tpu.wait_indirect_dma semaphore(%arg12 : memref<!tpu.dma_semaphore, #tpu.memory_space<semaphore_mem>>) src(%dma_wait3A_108 : memref<10000x128xf32, #tpu.memory_space<hbm>>) dst(%arg9 : memref<80x128xf32, #tpu.memory_space<vmem>>)
      %dma_start3A_109 = arith.constant 0 : i32
      %dma_start3A_110 = tpu.memref_slice %arg8[%add3A_102, %dma_start3A_109] : memref<125x80xi32, #tpu.memory_space<vmem>> -> memref<1x80xi32, #tpu.memory_space<vmem>>
      %dma_start3A_111 = tpu.memref_squeeze %dma_start3A_110 : memref<1x80xi32, #tpu.memory_space<vmem>> -> memref<80xi32, #tpu.memory_space<vmem>>
      %dma_start3A_112 = arith.constant 0 : i32
      %dma_start3A_113 = arith.constant 0 : i32
      %dma_start3A_114 = tpu.memref_slice %arg11[%dma_start3A_112, %dma_start3A_113] : memref<10000x128xf32, #tpu.memory_space<vmem_shared>> -> memref<10000x128xf32, #tpu.memory_space<vmem_shared>>
      tpu.enqueue_indirect_dma source(%arg9 : memref<80x128xf32, #tpu.memory_space<vmem>>) target(%dma_start3A_114 : memref<10000x128xf32, #tpu.memory_space<vmem_shared>>) offsets(%dma_start3A_111 : memref<80xi32, #tpu.memory_space<vmem>>) semaphore(%arg14 : memref<!tpu.dma_semaphore, #tpu.memory_space<semaphore_mem>>) {add = true}
      %dma_wait3A_115 = arith.constant 0 : i32
      %dma_wait3A_116 = tpu.memref_slice %arg8[%add3A_102, %dma_wait3A_115] : memref<125x80xi32, #tpu.memory_space<vmem>> -> memref<1x80xi32, #tpu.memory_space<vmem>>
      %dma_wait3A_117 = tpu.memref_squeeze %dma_wait3A_116 : memref<1x80xi32, #tpu.memory_space<vmem>> -> memref<80xi32, #tpu.memory_space<vmem>>
      %dma_wait3A_118 = arith.constant 0 : i32
      %dma_wait3A_119 = arith.constant 0 : i32
      %dma_wait3A_120 = tpu.memref_slice %arg11[%dma_wait3A_118, %dma_wait3A_119] : memref<10000x128xf32, #tpu.memory_space<vmem_shared>> -> memref<10000x128xf32, #tpu.memory_space<vmem_shared>>
      tpu.wait_indirect_dma semaphore(%arg14 : memref<!tpu.dma_semaphore, #tpu.memory_space<semaphore_mem>>) src(%arg9 : memref<80x128xf32, #tpu.memory_space<vmem>>) dst(%dma_wait3A_120 : memref<10000x128xf32, #tpu.memory_space<vmem_shared>>)
      %add3A_121 = arith.constant 2 : i32
      %add3A_122 = arith.addi %add3A_102, %add3A_121 : i32
      %dma_start3A_123 = arith.constant 0 : i32
      %dma_start3A_124 = tpu.memref_slice %arg7[%add3A_122, %dma_start3A_123] : memref<125x80xi32, #tpu.memory_space<vmem>> -> memref<1x80xi32, #tpu.memory_space<vmem>>
      %dma_start3A_125 = tpu.memref_squeeze %dma_start3A_124 : memref<1x80xi32, #tpu.memory_space<vmem>> -> memref<80xi32, #tpu.memory_space<vmem>>
      %dma_start3A_126 = arith.constant 0 : i32
      %dma_start3A_127 = arith.constant 0 : i32
      %dma_start3A_128 = tpu.memref_slice %arg2[%dma_start3A_126, %dma_start3A_127] : memref<10000x128xf32, #tpu.memory_space<hbm>> -> memref<10000x128xf32, #tpu.memory_space<hbm>>
      tpu.enqueue_indirect_dma source(%dma_start3A_128 : memref<10000x128xf32, #tpu.memory_space<hbm>>) target(%arg9 : memref<80x128xf32, #tpu.memory_space<vmem>>) offsets(%dma_start3A_125 : memref<80xi32, #tpu.memory_space<vmem>>) semaphore(%arg12 : memref<!tpu.dma_semaphore, #tpu.memory_space<semaphore_mem>>)
      %add3A_129 = arith.constant 1 : i32
      %add3A_130 = arith.addi %add3A_100, %add3A_129 : i32
      %dma_wait3A_131 = arith.constant 0 : i32
      %dma_wait3A_132 = tpu.memref_slice %arg7[%add3A_130, %dma_wait3A_131] : memref<125x80xi32, #tpu.memory_space<vmem>> -> memref<1x80xi32, #tpu.memory_space<vmem>>
      %dma_wait3A_133 = tpu.memref_squeeze %dma_wait3A_132 : memref<1x80xi32, #tpu.memory_space<vmem>> -> memref<80xi32, #tpu.memory_space<vmem>>
      %dma_wait3A_134 = arith.constant 0 : i32
      %dma_wait3A_135 = arith.constant 0 : i32
      %dma_wait3A_136 = tpu.memref_slice %arg2[%dma_wait3A_134, %dma_wait3A_135] : memref<10000x128xf32, #tpu.memory_space<hbm>> -> memref<10000x128xf32, #tpu.memory_space<hbm>>
      tpu.wait_indirect_dma semaphore(%arg13 : memref<!tpu.dma_semaphore, #tpu.memory_space<semaphore_mem>>) src(%dma_wait3A_136 : memref<10000x128xf32, #tpu.memory_space<hbm>>) dst(%arg10 : memref<80x128xf32, #tpu.memory_space<vmem>>)
      %dma_start3A_137 = arith.constant 0 : i32
      %dma_start3A_138 = tpu.memref_slice %arg8[%add3A_130, %dma_start3A_137] : memref<125x80xi32, #tpu.memory_space<vmem>> -> memref<1x80xi32, #tpu.memory_space<vmem>>
      %dma_start3A_139 = tpu.memref_squeeze %dma_start3A_138 : memref<1x80xi32, #tpu.memory_space<vmem>> -> memref<80xi32, #tpu.memory_space<vmem>>
      %dma_start3A_140 = arith.constant 0 : i32
      %dma_start3A_141 = arith.constant 0 : i32
      %dma_start3A_142 = tpu.memref_slice %arg11[%dma_start3A_140, %dma_start3A_141] : memref<10000x128xf32, #tpu.memory_space<vmem_shared>> -> memref<10000x128xf32, #tpu.memory_space<vmem_shared>>
      tpu.enqueue_indirect_dma source(%arg10 : memref<80x128xf32, #tpu.memory_space<vmem>>) target(%dma_start3A_142 : memref<10000x128xf32, #tpu.memory_space<vmem_shared>>) offsets(%dma_start3A_139 : memref<80xi32, #tpu.memory_space<vmem>>) semaphore(%arg15 : memref<!tpu.dma_semaphore, #tpu.memory_space<semaphore_mem>>) {add = true}
      %dma_wait3A_143 = arith.constant 0 : i32
      %dma_wait3A_144 = tpu.memref_slice %arg8[%add3A_130, %dma_wait3A_143] : memref<125x80xi32, #tpu.memory_space<vmem>> -> memref<1x80xi32, #tpu.memory_space<vmem>>
      %dma_wait3A_145 = tpu.memref_squeeze %dma_wait3A_144 : memref<1x80xi32, #tpu.memory_space<vmem>> -> memref<80xi32, #tpu.memory_space<vmem>>
      %dma_wait3A_146 = arith.constant 0 : i32
      %dma_wait3A_147 = arith.constant 0 : i32
      %dma_wait3A_148 = tpu.memref_slice %arg11[%dma_wait3A_146, %dma_wait3A_147] : memref<10000x128xf32, #tpu.memory_space<vmem_shared>> -> memref<10000x128xf32, #tpu.memory_space<vmem_shared>>
      tpu.wait_indirect_dma semaphore(%arg15 : memref<!tpu.dma_semaphore, #tpu.memory_space<semaphore_mem>>) src(%arg10 : memref<80x128xf32, #tpu.memory_space<vmem>>) dst(%dma_wait3A_148 : memref<10000x128xf32, #tpu.memory_space<vmem_shared>>)
      %add3A_149 = arith.constant 2 : i32
      %add3A_150 = arith.addi %add3A_130, %add3A_149 : i32
      %dma_start3A_151 = arith.constant 0 : i32
      %dma_start3A_152 = tpu.memref_slice %arg7[%add3A_150, %dma_start3A_151] : memref<125x80xi32, #tpu.memory_space<vmem>> -> memref<1x80xi32, #tpu.memory_space<vmem>>
      %dma_start3A_153 = tpu.memref_squeeze %dma_start3A_152 : memref<1x80xi32, #tpu.memory_space<vmem>> -> memref<80xi32, #tpu.memory_space<vmem>>
      %dma_start3A_154 = arith.constant 0 : i32
      %dma_start3A_155 = arith.constant 0 : i32
      %dma_start3A_156 = tpu.memref_slice %arg2[%dma_start3A_154, %dma_start3A_155] : memref<10000x128xf32, #tpu.memory_space<hbm>> -> memref<10000x128xf32, #tpu.memory_space<hbm>>
      tpu.enqueue_indirect_dma source(%dma_start3A_156 : memref<10000x128xf32, #tpu.memory_space<hbm>>) target(%arg10 : memref<80x128xf32, #tpu.memory_space<vmem>>) offsets(%dma_start3A_153 : memref<80xi32, #tpu.memory_space<vmem>>) semaphore(%arg13 : memref<!tpu.dma_semaphore, #tpu.memory_space<semaphore_mem>>)
    }
    %scan3A_21 = arith.constant 61 : i32
    %dma_wait3A = arith.constant 122 : i32
    %dma_wait3A_22 = arith.constant 0 : i32
    %dma_wait3A_23 = tpu.memref_slice %arg7[%dma_wait3A, %dma_wait3A_22] : memref<125x80xi32, #tpu.memory_space<vmem>> -> memref<1x80xi32, #tpu.memory_space<vmem>>
    %dma_wait3A_24 = tpu.memref_squeeze %dma_wait3A_23 : memref<1x80xi32, #tpu.memory_space<vmem>> -> memref<80xi32, #tpu.memory_space<vmem>>
    %dma_wait3A_25 = arith.constant 0 : i32
    %dma_wait3A_26 = arith.constant 0 : i32
    %dma_wait3A_27 = tpu.memref_slice %arg2[%dma_wait3A_25, %dma_wait3A_26] : memref<10000x128xf32, #tpu.memory_space<hbm>> -> memref<10000x128xf32, #tpu.memory_space<hbm>>
    tpu.wait_indirect_dma semaphore(%arg12 : memref<!tpu.dma_semaphore, #tpu.memory_space<semaphore_mem>>) src(%dma_wait3A_27 : memref<10000x128xf32, #tpu.memory_space<hbm>>) dst(%arg9 : memref<80x128xf32, #tpu.memory_space<vmem>>)
    %dma_start3A_28 = arith.constant 122 : i32
    %dma_start3A_29 = arith.constant 0 : i32
    %dma_start3A_30 = tpu.memref_slice %arg8[%dma_start3A_28, %dma_start3A_29] : memref<125x80xi32, #tpu.memory_space<vmem>> -> memref<1x80xi32, #tpu.memory_space<vmem>>
    %dma_start3A_31 = tpu.memref_squeeze %dma_start3A_30 : memref<1x80xi32, #tpu.memory_space<vmem>> -> memref<80xi32, #tpu.memory_space<vmem>>
    %dma_start3A_32 = arith.constant 0 : i32
    %dma_start3A_33 = arith.constant 0 : i32
    %dma_start3A_34 = tpu.memref_slice %arg11[%dma_start3A_32, %dma_start3A_33] : memref<10000x128xf32, #tpu.memory_space<vmem_shared>> -> memref<10000x128xf32, #tpu.memory_space<vmem_shared>>
    tpu.enqueue_indirect_dma source(%arg9 : memref<80x128xf32, #tpu.memory_space<vmem>>) target(%dma_start3A_34 : memref<10000x128xf32, #tpu.memory_space<vmem_shared>>) offsets(%dma_start3A_31 : memref<80xi32, #tpu.memory_space<vmem>>) semaphore(%arg14 : memref<!tpu.dma_semaphore, #tpu.memory_space<semaphore_mem>>) {add = true}
    %dma_wait3A_35 = arith.constant 122 : i32
    %dma_wait3A_36 = arith.constant 0 : i32
    %dma_wait3A_37 = tpu.memref_slice %arg8[%dma_wait3A_35, %dma_wait3A_36] : memref<125x80xi32, #tpu.memory_space<vmem>> -> memref<1x80xi32, #tpu.memory_space<vmem>>
    %dma_wait3A_38 = tpu.memref_squeeze %dma_wait3A_37 : memref<1x80xi32, #tpu.memory_space<vmem>> -> memref<80xi32, #tpu.memory_space<vmem>>
    %dma_wait3A_39 = arith.constant 0 : i32
    %dma_wait3A_40 = arith.constant 0 : i32
    %dma_wait3A_41 = tpu.memref_slice %arg11[%dma_wait3A_39, %dma_wait3A_40] : memref<10000x128xf32, #tpu.memory_space<vmem_shared>> -> memref<10000x128xf32, #tpu.memory_space<vmem_shared>>
    tpu.wait_indirect_dma semaphore(%arg14 : memref<!tpu.dma_semaphore, #tpu.memory_space<semaphore_mem>>) src(%arg9 : memref<80x128xf32, #tpu.memory_space<vmem>>) dst(%dma_wait3A_41 : memref<10000x128xf32, #tpu.memory_space<vmem_shared>>)
    %dma_start3A_42 = arith.constant 124 : i32
    %dma_start3A_43 = arith.constant 0 : i32
    %dma_start3A_44 = tpu.memref_slice %arg7[%dma_start3A_42, %dma_start3A_43] : memref<125x80xi32, #tpu.memory_space<vmem>> -> memref<1x80xi32, #tpu.memory_space<vmem>>
    %dma_start3A_45 = tpu.memref_squeeze %dma_start3A_44 : memref<1x80xi32, #tpu.memory_space<vmem>> -> memref<80xi32, #tpu.memory_space<vmem>>
    %dma_start3A_46 = arith.constant 0 : i32
    %dma_start3A_47 = arith.constant 0 : i32
    %dma_start3A_48 = tpu.memref_slice %arg2[%dma_start3A_46, %dma_start3A_47] : memref<10000x128xf32, #tpu.memory_space<hbm>> -> memref<10000x128xf32, #tpu.memory_space<hbm>>
    tpu.enqueue_indirect_dma source(%dma_start3A_48 : memref<10000x128xf32, #tpu.memory_space<hbm>>) target(%arg9 : memref<80x128xf32, #tpu.memory_space<vmem>>) offsets(%dma_start3A_45 : memref<80xi32, #tpu.memory_space<vmem>>) semaphore(%arg12 : memref<!tpu.dma_semaphore, #tpu.memory_space<semaphore_mem>>)
    %dma_wait3A_49 = arith.constant 123 : i32
    %dma_wait3A_50 = arith.constant 0 : i32
    %dma_wait3A_51 = tpu.memref_slice %arg7[%dma_wait3A_49, %dma_wait3A_50] : memref<125x80xi32, #tpu.memory_space<vmem>> -> memref<1x80xi32, #tpu.memory_space<vmem>>
    %dma_wait3A_52 = tpu.memref_squeeze %dma_wait3A_51 : memref<1x80xi32, #tpu.memory_space<vmem>> -> memref<80xi32, #tpu.memory_space<vmem>>
    %dma_wait3A_53 = arith.constant 0 : i32
    %dma_wait3A_54 = arith.constant 0 : i32
    %dma_wait3A_55 = tpu.memref_slice %arg2[%dma_wait3A_53, %dma_wait3A_54] : memref<10000x128xf32, #tpu.memory_space<hbm>> -> memref<10000x128xf32, #tpu.memory_space<hbm>>
    tpu.wait_indirect_dma semaphore(%arg13 : memref<!tpu.dma_semaphore, #tpu.memory_space<semaphore_mem>>) src(%dma_wait3A_55 : memref<10000x128xf32, #tpu.memory_space<hbm>>) dst(%arg10 : memref<80x128xf32, #tpu.memory_space<vmem>>)
    %dma_start3A_56 = arith.constant 123 : i32
    %dma_start3A_57 = arith.constant 0 : i32
    %dma_start3A_58 = tpu.memref_slice %arg8[%dma_start3A_56, %dma_start3A_57] : memref<125x80xi32, #tpu.memory_space<vmem>> -> memref<1x80xi32, #tpu.memory_space<vmem>>
    %dma_start3A_59 = tpu.memref_squeeze %dma_start3A_58 : memref<1x80xi32, #tpu.memory_space<vmem>> -> memref<80xi32, #tpu.memory_space<vmem>>
    %dma_start3A_60 = arith.constant 0 : i32
    %dma_start3A_61 = arith.constant 0 : i32
    %dma_start3A_62 = tpu.memref_slice %arg11[%dma_start3A_60, %dma_start3A_61] : memref<10000x128xf32, #tpu.memory_space<vmem_shared>> -> memref<10000x128xf32, #tpu.memory_space<vmem_shared>>
    tpu.enqueue_indirect_dma source(%arg10 : memref<80x128xf32, #tpu.memory_space<vmem>>) target(%dma_start3A_62 : memref<10000x128xf32, #tpu.memory_space<vmem_shared>>) offsets(%dma_start3A_59 : memref<80xi32, #tpu.memory_space<vmem>>) semaphore(%arg15 : memref<!tpu.dma_semaphore, #tpu.memory_space<semaphore_mem>>) {add = true}
    %dma_wait3A_63 = arith.constant 123 : i32
    %dma_wait3A_64 = arith.constant 0 : i32
    %dma_wait3A_65 = tpu.memref_slice %arg8[%dma_wait3A_63, %dma_wait3A_64] : memref<125x80xi32, #tpu.memory_space<vmem>> -> memref<1x80xi32, #tpu.memory_space<vmem>>
    %dma_wait3A_66 = tpu.memref_squeeze %dma_wait3A_65 : memref<1x80xi32, #tpu.memory_space<vmem>> -> memref<80xi32, #tpu.memory_space<vmem>>
    %dma_wait3A_67 = arith.constant 0 : i32
    %dma_wait3A_68 = arith.constant 0 : i32
    %dma_wait3A_69 = tpu.memref_slice %arg11[%dma_wait3A_67, %dma_wait3A_68] : memref<10000x128xf32, #tpu.memory_space<vmem_shared>> -> memref<10000x128xf32, #tpu.memory_space<vmem_shared>>
    tpu.wait_indirect_dma semaphore(%arg15 : memref<!tpu.dma_semaphore, #tpu.memory_space<semaphore_mem>>) src(%arg10 : memref<80x128xf32, #tpu.memory_space<vmem>>) dst(%dma_wait3A_69 : memref<10000x128xf32, #tpu.memory_space<vmem_shared>>)
    %dma_wait3A_70 = arith.constant 124 : i32
    %dma_wait3A_71 = arith.constant 0 : i32
    %dma_wait3A_72 = tpu.memref_slice %arg7[%dma_wait3A_70, %dma_wait3A_71] : memref<125x80xi32, #tpu.memory_space<vmem>> -> memref<1x80xi32, #tpu.memory_space<vmem>>
    %dma_wait3A_73 = tpu.memref_squeeze %dma_wait3A_72 : memref<1x80xi32, #tpu.memory_space<vmem>> -> memref<80xi32, #tpu.memory_space<vmem>>
    %dma_wait3A_74 = arith.constant 0 : i32
    %dma_wait3A_75 = arith.constant 0 : i32
    %dma_wait3A_76 = tpu.memref_slice %arg2[%dma_wait3A_74, %dma_wait3A_75] : memref<10000x128xf32, #tpu.memory_space<hbm>> -> memref<10000x128xf32, #tpu.memory_space<hbm>>
    tpu.wait_indirect_dma semaphore(%arg12 : memref<!tpu.dma_semaphore, #tpu.memory_space<semaphore_mem>>) src(%dma_wait3A_76 : memref<10000x128xf32, #tpu.memory_space<hbm>>) dst(%arg9 : memref<80x128xf32, #tpu.memory_space<vmem>>)
    %dma_start3A_77 = arith.constant 124 : i32
    %dma_start3A_78 = arith.constant 0 : i32
    %dma_start3A_79 = tpu.memref_slice %arg8[%dma_start3A_77, %dma_start3A_78] : memref<125x80xi32, #tpu.memory_space<vmem>> -> memref<1x80xi32, #tpu.memory_space<vmem>>
    %dma_start3A_80 = tpu.memref_squeeze %dma_start3A_79 : memref<1x80xi32, #tpu.memory_space<vmem>> -> memref<80xi32, #tpu.memory_space<vmem>>
    %dma_start3A_81 = arith.constant 0 : i32
    %dma_start3A_82 = arith.constant 0 : i32
    %dma_start3A_83 = tpu.memref_slice %arg11[%dma_start3A_81, %dma_start3A_82] : memref<10000x128xf32, #tpu.memory_space<vmem_shared>> -> memref<10000x128xf32, #tpu.memory_space<vmem_shared>>
    tpu.enqueue_indirect_dma source(%arg9 : memref<80x128xf32, #tpu.memory_space<vmem>>) target(%dma_start3A_83 : memref<10000x128xf32, #tpu.memory_space<vmem_shared>>) offsets(%dma_start3A_80 : memref<80xi32, #tpu.memory_space<vmem>>) semaphore(%arg14 : memref<!tpu.dma_semaphore, #tpu.memory_space<semaphore_mem>>) {add = true}
    %dma_wait3A_84 = arith.constant 124 : i32
    %dma_wait3A_85 = arith.constant 0 : i32
    %dma_wait3A_86 = tpu.memref_slice %arg8[%dma_wait3A_84, %dma_wait3A_85] : memref<125x80xi32, #tpu.memory_space<vmem>> -> memref<1x80xi32, #tpu.memory_space<vmem>>
    %dma_wait3A_87 = tpu.memref_squeeze %dma_wait3A_86 : memref<1x80xi32, #tpu.memory_space<vmem>> -> memref<80xi32, #tpu.memory_space<vmem>>
    %dma_wait3A_88 = arith.constant 0 : i32
    %dma_wait3A_89 = arith.constant 0 : i32
    %dma_wait3A_90 = tpu.memref_slice %arg11[%dma_wait3A_88, %dma_wait3A_89] : memref<10000x128xf32, #tpu.memory_space<vmem_shared>> -> memref<10000x128xf32, #tpu.memory_space<vmem_shared>>
    tpu.wait_indirect_dma semaphore(%arg14 : memref<!tpu.dma_semaphore, #tpu.memory_space<semaphore_mem>>) src(%arg9 : memref<80x128xf32, #tpu.memory_space<vmem>>) dst(%dma_wait3A_90 : memref<10000x128xf32, #tpu.memory_space<vmem_shared>>)
    %barrier3A_91 = arith.constant 0 : index
    tpu.barrier barrier_id(%barrier3A_91)
    %mul3A_92 = arith.constant 625 : i32
    %mul3A_93 = arith.muli %arg1, %mul3A_92 : i32
    %mul3A_94 = arith.constant 625 : i32
    %mul3A_95 = arith.muli %arg1, %mul3A_94 : i32
    "tpu.region"() ({
      %run_scoped3A = tpu.sem_alloc : memref<!tpu.dma_semaphore, #tpu.memory_space<semaphore_mem>>
      %dma_start3A_96 = arith.constant 0 : i32
      %dma_start3A_97 = arith.constant 0 : i32
      %dma_start3A_98 = tpu.memref_slice %arg6[%arg0, %dma_start3A_96, %dma_start3A_97] : memref<2x10000x128xf32, #tpu.memory_space<hbm>> -> memref<1x10000x128xf32, #tpu.memory_space<hbm>>
      %dma_start3A_99 = tpu.memref_squeeze %dma_start3A_98 : memref<1x10000x128xf32, #tpu.memory_space<hbm>> -> memref<10000x128xf32, #tpu.memory_space<hbm>>
      %dma_start3A_100 = arith.constant 0 : i32
      %dma_start3A_101 = tpu.memref_slice %dma_start3A_99[%mul3A_95, %dma_start3A_100] : memref<10000x128xf32, #tpu.memory_space<hbm>> -> memref<625x128xf32, #tpu.memory_space<hbm>>
      %dma_start3A_102 = arith.constant 0 : i32
      %dma_start3A_103 = tpu.memref_slice %arg11[%mul3A_93, %dma_start3A_102] : memref<10000x128xf32, #tpu.memory_space<vmem_shared>> -> memref<625x128xf32, #tpu.memory_space<vmem_shared>>
      tpu.enqueue_dma source(%dma_start3A_103 : memref<625x128xf32, #tpu.memory_space<vmem_shared>>) target(%dma_start3A_101 : memref<625x128xf32, #tpu.memory_space<hbm>>) target_semaphore(%run_scoped3A : memref<!tpu.dma_semaphore, #tpu.memory_space<semaphore_mem>>)
      %dma_wait3A_104 = arith.constant 0 : i32
      %dma_wait3A_105 = arith.constant 0 : i32
      %dma_wait3A_106 = tpu.memref_slice %arg6[%arg0, %dma_wait3A_104, %dma_wait3A_105] : memref<2x10000x128xf32, #tpu.memory_space<hbm>> -> memref<1x10000x128xf32, #tpu.memory_space<hbm>>
      %dma_wait3A_107 = tpu.memref_squeeze %dma_wait3A_106 : memref<1x10000x128xf32, #tpu.memory_space<hbm>> -> memref<10000x128xf32, #tpu.memory_space<hbm>>
      %dma_wait3A_108 = arith.constant 0 : i32
      %dma_wait3A_109 = tpu.memref_slice %dma_wait3A_107[%mul3A_95, %dma_wait3A_108] : memref<10000x128xf32, #tpu.memory_space<hbm>> -> memref<625x128xf32, #tpu.memory_space<hbm>>
      %dma_wait3A_110 = arith.constant 0 : i32
      %dma_wait3A_111 = tpu.memref_slice %arg11[%mul3A_93, %dma_wait3A_110] : memref<10000x128xf32, #tpu.memory_space<vmem_shared>> -> memref<625x128xf32, #tpu.memory_space<vmem_shared>>
      tpu.wait_dma2 semaphore(%run_scoped3A : memref<!tpu.dma_semaphore, #tpu.memory_space<semaphore_mem>>) src(%dma_wait3A_111 : memref<625x128xf32, #tpu.memory_space<vmem_shared>>) dst(%dma_wait3A_109 : memref<625x128xf32, #tpu.memory_space<hbm>>)
      tpu.yield
    }) : () -> ()
    return
  }
}

#map = affine_map<(d0, d1) -> (0, 0)>
#map1 = affine_map<(d0, d1) -> (0, 0, 0)>
module attributes {stable_mosaic.version = 14 : i64} {
  func.func @k(%arg0: i32, %arg1: i32, %arg2: memref<10000x128xf32, #tpu.memory_space<hbm>>, %arg3: memref<32x125x80xi32, #tpu.memory_space<hbm>>, %arg4: memref<32x125x80xi32, #tpu.memory_space<hbm>>, %arg5: memref<10000x128xf32, #tpu.memory_space<hbm>>, %arg6: memref<2x10000x128xf32, #tpu.memory_space<hbm>>, %arg7: memref<125x80xi32, #tpu.memory_space<vmem>>, %arg8: memref<125x80xi32, #tpu.memory_space<vmem>>, %arg9: memref<80x128xf32, #tpu.memory_space<vmem>>, %arg10: memref<80x128xf32, #tpu.memory_space<vmem>>, %arg11: memref<10000x128xf32, #tpu.memory_space<vmem_shared>>, %arg12: memref<!tpu.dma_semaphore, #tpu.memory_space<semaphore_mem>>, %arg13: memref<!tpu.dma_semaphore, #tpu.memory_space<semaphore_mem>>, %arg14: memref<!tpu.dma_semaphore, #tpu.memory_space<semaphore_mem>>, %arg15: memref<!tpu.dma_semaphore, #tpu.memory_space<semaphore_mem>>) attributes {dimension_semantics = [#tpu.dimension_semantics<core_parallel>, #tpu.dimension_semantics<subcore_parallel>], iteration_bounds = array<i64: 2, 16>, scalar_prefetch = 0 : i64, scratch_operands = 9 : i64, tpu.core_type = #tpu.core_type<sc_vector_subcore>, window_params = [{transform_indices = #map}, {transform_indices = #map1}, {transform_indices = #map1}, {transform_indices = #map}, {transform_indices = #map1}]} {
    %mul3A = arith.constant 16 : i32
    %mul3A_0 = arith.muli %arg0, %mul3A : i32
    %add3A = arith.addi %mul3A_0, %arg1 : i32
    %mul3A_1 = arith.constant 625 : i32
    %mul3A_2 = arith.muli %arg1, %mul3A_1 : i32
    %mul3A_3 = arith.constant 625 : i32
    %mul3A_4 = arith.muli %arg1, %mul3A_3 : i32
    "tpu.region"() ({
      %run_scoped3A = tpu.sem_alloc : memref<!tpu.dma_semaphore, #tpu.memory_space<semaphore_mem>>
      %dma_start3A_96 = arith.constant 0 : i32
      %dma_start3A_97 = tpu.memref_slice %arg11[%mul3A_4, %dma_start3A_96] : memref<10000x128xf32, #tpu.memory_space<vmem_shared>> -> memref<625x128xf32, #tpu.memory_space<vmem_shared>>
      %dma_start3A_98 = arith.constant 0 : i32
      %dma_start3A_99 = tpu.memref_slice %arg5[%mul3A_2, %dma_start3A_98] : memref<10000x128xf32, #tpu.memory_space<hbm>> -> memref<625x128xf32, #tpu.memory_space<hbm>>
      tpu.enqueue_dma source(%dma_start3A_99 : memref<625x128xf32, #tpu.memory_space<hbm>>) target(%dma_start3A_97 : memref<625x128xf32, #tpu.memory_space<vmem_shared>>) target_semaphore(%run_scoped3A : memref<!tpu.dma_semaphore, #tpu.memory_space<semaphore_mem>>)
      %dma_wait3A_100 = arith.constant 0 : i32
      %dma_wait3A_101 = tpu.memref_slice %arg11[%mul3A_4, %dma_wait3A_100] : memref<10000x128xf32, #tpu.memory_space<vmem_shared>> -> memref<625x128xf32, #tpu.memory_space<vmem_shared>>
      %dma_wait3A_102 = arith.constant 0 : i32
      %dma_wait3A_103 = tpu.memref_slice %arg5[%mul3A_2, %dma_wait3A_102] : memref<10000x128xf32, #tpu.memory_space<hbm>> -> memref<625x128xf32, #tpu.memory_space<hbm>>
      tpu.wait_dma2 semaphore(%run_scoped3A : memref<!tpu.dma_semaphore, #tpu.memory_space<semaphore_mem>>) src(%dma_wait3A_103 : memref<625x128xf32, #tpu.memory_space<hbm>>) dst(%dma_wait3A_101 : memref<625x128xf32, #tpu.memory_space<vmem_shared>>)
      tpu.yield
    }) : () -> ()
    "tpu.region"() ({
      %run_scoped3A = tpu.sem_alloc : memref<!tpu.dma_semaphore, #tpu.memory_space<semaphore_mem>>
      %dma_start3A_96 = arith.constant 0 : i32
      %dma_start3A_97 = arith.constant 0 : i32
      %dma_start3A_98 = tpu.memref_slice %arg3[%add3A, %dma_start3A_96, %dma_start3A_97] : memref<32x125x80xi32, #tpu.memory_space<hbm>> -> memref<1x125x80xi32, #tpu.memory_space<hbm>>
      %dma_start3A_99 = tpu.memref_squeeze %dma_start3A_98 : memref<1x125x80xi32, #tpu.memory_space<hbm>> -> memref<125x80xi32, #tpu.memory_space<hbm>>
      %dma_start3A_100 = arith.constant 0 : i32
      %dma_start3A_101 = arith.constant 0 : i32
      %dma_start3A_102 = tpu.memref_slice %arg3[%add3A, %dma_start3A_100, %dma_start3A_101] : memref<32x125x80xi32, #tpu.memory_space<hbm>> -> memref<1x125x80xi32, #tpu.memory_space<hbm>>
      %dma_start3A_103 = tpu.memref_squeeze %dma_start3A_102 : memref<1x125x80xi32, #tpu.memory_space<hbm>> -> memref<125x80xi32, #tpu.memory_space<hbm>>
      tpu.enqueue_dma source(%dma_start3A_103 : memref<125x80xi32, #tpu.memory_space<hbm>>) target(%arg7 : memref<125x80xi32, #tpu.memory_space<vmem>>) target_semaphore(%run_scoped3A : memref<!tpu.dma_semaphore, #tpu.memory_space<semaphore_mem>>)
      %dma_wait3A_104 = arith.constant 0 : i32
      %dma_wait3A_105 = arith.constant 0 : i32
      %dma_wait3A_106 = tpu.memref_slice %arg3[%add3A, %dma_wait3A_104, %dma_wait3A_105] : memref<32x125x80xi32, #tpu.memory_space<hbm>> -> memref<1x125x80xi32, #tpu.memory_space<hbm>>
      %dma_wait3A_107 = tpu.memref_squeeze %dma_wait3A_106 : memref<1x125x80xi32, #tpu.memory_space<hbm>> -> memref<125x80xi32, #tpu.memory_space<hbm>>
      %dma_wait3A_108 = arith.constant 0 : i32
      %dma_wait3A_109 = arith.constant 0 : i32
      %dma_wait3A_110 = tpu.memref_slice %arg3[%add3A, %dma_wait3A_108, %dma_wait3A_109] : memref<32x125x80xi32, #tpu.memory_space<hbm>> -> memref<1x125x80xi32, #tpu.memory_space<hbm>>
      %dma_wait3A_111 = tpu.memref_squeeze %dma_wait3A_110 : memref<1x125x80xi32, #tpu.memory_space<hbm>> -> memref<125x80xi32, #tpu.memory_space<hbm>>
      tpu.wait_dma2 semaphore(%run_scoped3A : memref<!tpu.dma_semaphore, #tpu.memory_space<semaphore_mem>>) src(%dma_wait3A_111 : memref<125x80xi32, #tpu.memory_space<hbm>>) dst(%arg7 : memref<125x80xi32, #tpu.memory_space<vmem>>)
      tpu.yield
    }) : () -> ()
    "tpu.region"() ({
      %run_scoped3A = tpu.sem_alloc : memref<!tpu.dma_semaphore, #tpu.memory_space<semaphore_mem>>
      %dma_start3A_96 = arith.constant 0 : i32
      %dma_start3A_97 = arith.constant 0 : i32
      %dma_start3A_98 = tpu.memref_slice %arg4[%add3A, %dma_start3A_96, %dma_start3A_97] : memref<32x125x80xi32, #tpu.memory_space<hbm>> -> memref<1x125x80xi32, #tpu.memory_space<hbm>>
      %dma_start3A_99 = tpu.memref_squeeze %dma_start3A_98 : memref<1x125x80xi32, #tpu.memory_space<hbm>> -> memref<125x80xi32, #tpu.memory_space<hbm>>
      %dma_start3A_100 = arith.constant 0 : i32
      %dma_start3A_101 = arith.constant 0 : i32
      %dma_start3A_102 = tpu.memref_slice %arg4[%add3A, %dma_start3A_100, %dma_start3A_101] : memref<32x125x80xi32, #tpu.memory_space<hbm>> -> memref<1x125x80xi32, #tpu.memory_space<hbm>>
      %dma_start3A_103 = tpu.memref_squeeze %dma_start3A_102 : memref<1x125x80xi32, #tpu.memory_space<hbm>> -> memref<125x80xi32, #tpu.memory_space<hbm>>
      tpu.enqueue_dma source(%dma_start3A_103 : memref<125x80xi32, #tpu.memory_space<hbm>>) target(%arg8 : memref<125x80xi32, #tpu.memory_space<vmem>>) target_semaphore(%run_scoped3A : memref<!tpu.dma_semaphore, #tpu.memory_space<semaphore_mem>>)
      %dma_wait3A_104 = arith.constant 0 : i32
      %dma_wait3A_105 = arith.constant 0 : i32
      %dma_wait3A_106 = tpu.memref_slice %arg4[%add3A, %dma_wait3A_104, %dma_wait3A_105] : memref<32x125x80xi32, #tpu.memory_space<hbm>> -> memref<1x125x80xi32, #tpu.memory_space<hbm>>
      %dma_wait3A_107 = tpu.memref_squeeze %dma_wait3A_106 : memref<1x125x80xi32, #tpu.memory_space<hbm>> -> memref<125x80xi32, #tpu.memory_space<hbm>>
      %dma_wait3A_108 = arith.constant 0 : i32
      %dma_wait3A_109 = arith.constant 0 : i32
      %dma_wait3A_110 = tpu.memref_slice %arg4[%add3A, %dma_wait3A_108, %dma_wait3A_109] : memref<32x125x80xi32, #tpu.memory_space<hbm>> -> memref<1x125x80xi32, #tpu.memory_space<hbm>>
      %dma_wait3A_111 = tpu.memref_squeeze %dma_wait3A_110 : memref<1x125x80xi32, #tpu.memory_space<hbm>> -> memref<125x80xi32, #tpu.memory_space<hbm>>
      tpu.wait_dma2 semaphore(%run_scoped3A : memref<!tpu.dma_semaphore, #tpu.memory_space<semaphore_mem>>) src(%dma_wait3A_111 : memref<125x80xi32, #tpu.memory_space<hbm>>) dst(%arg8 : memref<125x80xi32, #tpu.memory_space<vmem>>)
      tpu.yield
    }) : () -> ()
    %barrier3A = arith.constant 0 : index
    tpu.barrier barrier_id(%barrier3A)
    %dma_start3A = arith.constant 0 : i32
    %dma_start3A_5 = arith.constant 0 : i32
    %dma_start3A_6 = tpu.memref_slice %arg7[%dma_start3A, %dma_start3A_5] : memref<125x80xi32, #tpu.memory_space<vmem>> -> memref<1x80xi32, #tpu.memory_space<vmem>>
    %dma_start3A_7 = tpu.memref_squeeze %dma_start3A_6 : memref<1x80xi32, #tpu.memory_space<vmem>> -> memref<80xi32, #tpu.memory_space<vmem>>
    %dma_start3A_8 = arith.constant 0 : i32
    %dma_start3A_9 = arith.constant 0 : i32
    %dma_start3A_10 = tpu.memref_slice %arg2[%dma_start3A_8, %dma_start3A_9] : memref<10000x128xf32, #tpu.memory_space<hbm>> -> memref<10000x128xf32, #tpu.memory_space<hbm>>
    tpu.enqueue_indirect_dma source(%dma_start3A_10 : memref<10000x128xf32, #tpu.memory_space<hbm>>) target(%arg9 : memref<80x128xf32, #tpu.memory_space<vmem>>) offsets(%dma_start3A_7 : memref<80xi32, #tpu.memory_space<vmem>>) semaphore(%arg12 : memref<!tpu.dma_semaphore, #tpu.memory_space<semaphore_mem>>)
    %dma_start3A_11 = arith.constant 1 : i32
    %dma_start3A_12 = arith.constant 0 : i32
    %dma_start3A_13 = tpu.memref_slice %arg7[%dma_start3A_11, %dma_start3A_12] : memref<125x80xi32, #tpu.memory_space<vmem>> -> memref<1x80xi32, #tpu.memory_space<vmem>>
    %dma_start3A_14 = tpu.memref_squeeze %dma_start3A_13 : memref<1x80xi32, #tpu.memory_space<vmem>> -> memref<80xi32, #tpu.memory_space<vmem>>
    %dma_start3A_15 = arith.constant 0 : i32
    %dma_start3A_16 = arith.constant 0 : i32
    %dma_start3A_17 = tpu.memref_slice %arg2[%dma_start3A_15, %dma_start3A_16] : memref<10000x128xf32, #tpu.memory_space<hbm>> -> memref<10000x128xf32, #tpu.memory_space<hbm>>
    tpu.enqueue_indirect_dma source(%dma_start3A_17 : memref<10000x128xf32, #tpu.memory_space<hbm>>) target(%arg10 : memref<80x128xf32, #tpu.memory_space<vmem>>) offsets(%dma_start3A_14 : memref<80xi32, #tpu.memory_space<vmem>>) semaphore(%arg13 : memref<!tpu.dma_semaphore, #tpu.memory_space<semaphore_mem>>)
    %scan3A = arith.constant 0 : i32
    %scan3A_18 = arith.constant 61 : i32
    %scan3A_19 = arith.addi %scan3A, %scan3A_18 : i32
    %scan3A_20 = arith.constant 1 : i32
    scf.for %scan3A_96 = %scan3A to %scan3A_19 step %scan3A_20  : i32 {
      %mul3A_97 = arith.constant 2 : i32
      %mul3A_98 = arith.muli %scan3A_96, %mul3A_97 : i32
      %add3A_99 = arith.constant 0 : i32
      %add3A_100 = arith.addi %add3A_99, %mul3A_98 : i32
      %add3A_101 = arith.constant 0 : i32
      %add3A_102 = arith.addi %add3A_100, %add3A_101 : i32
      %dma_wait3A_103 = arith.constant 0 : i32
      %dma_wait3A_104 = tpu.memref_slice %arg7[%add3A_102, %dma_wait3A_103] : memref<125x80xi32, #tpu.memory_space<vmem>> -> memref<1x80xi32, #tpu.memory_space<vmem>>
      %dma_wait3A_105 = tpu.memref_squeeze %dma_wait3A_104 : memref<1x80xi32, #tpu.memory_space<vmem>> -> memref<80xi32, #tpu.memory_space<vmem>>
      %dma_wait3A_106 = arith.constant 0 : i32
      %dma_wait3A_107 = arith.constant 0 : i32
      %dma_wait3A_108 = tpu.memref_slice %arg2[%dma_wait3A_106, %dma_wait3A_107] : memref<10000x128xf32, #tpu.memory_space<hbm>> -> memref<10000x128xf32, #tpu.memory_space<hbm>>
      tpu.wait_indirect_dma semaphore(%arg12 : memref<!tpu.dma_semaphore, #tpu.memory_space<semaphore_mem>>) src(%dma_wait3A_108 : memref<10000x128xf32, #tpu.memory_space<hbm>>) dst(%arg9 : memref<80x128xf32, #tpu.memory_space<vmem>>)
      %dma_start3A_109 = arith.constant 0 : i32
      %dma_start3A_110 = tpu.memref_slice %arg8[%add3A_102, %dma_start3A_109] : memref<125x80xi32, #tpu.memory_space<vmem>> -> memref<1x80xi32, #tpu.memory_space<vmem>>
      %dma_start3A_111 = tpu.memref_squeeze %dma_start3A_110 : memref<1x80xi32, #tpu.memory_space<vmem>> -> memref<80xi32, #tpu.memory_space<vmem>>
      %dma_start3A_112 = arith.constant 0 : i32
      %dma_start3A_113 = arith.constant 0 : i32
      %dma_start3A_114 = tpu.memref_slice %arg11[%dma_start3A_112, %dma_start3A_113] : memref<10000x128xf32, #tpu.memory_space<vmem_shared>> -> memref<10000x128xf32, #tpu.memory_space<vmem_shared>>
      tpu.enqueue_indirect_dma source(%arg9 : memref<80x128xf32, #tpu.memory_space<vmem>>) target(%dma_start3A_114 : memref<10000x128xf32, #tpu.memory_space<vmem_shared>>) offsets(%dma_start3A_111 : memref<80xi32, #tpu.memory_space<vmem>>) semaphore(%arg14 : memref<!tpu.dma_semaphore, #tpu.memory_space<semaphore_mem>>) {add = true}
      %dma_wait3A_115 = arith.constant 0 : i32
      %dma_wait3A_116 = tpu.memref_slice %arg8[%add3A_102, %dma_wait3A_115] : memref<125x80xi32, #tpu.memory_space<vmem>> -> memref<1x80xi32, #tpu.memory_space<vmem>>
      %dma_wait3A_117 = tpu.memref_squeeze %dma_wait3A_116 : memref<1x80xi32, #tpu.memory_space<vmem>> -> memref<80xi32, #tpu.memory_space<vmem>>
      %dma_wait3A_118 = arith.constant 0 : i32
      %dma_wait3A_119 = arith.constant 0 : i32
      %dma_wait3A_120 = tpu.memref_slice %arg11[%dma_wait3A_118, %dma_wait3A_119] : memref<10000x128xf32, #tpu.memory_space<vmem_shared>> -> memref<10000x128xf32, #tpu.memory_space<vmem_shared>>
      tpu.wait_indirect_dma semaphore(%arg14 : memref<!tpu.dma_semaphore, #tpu.memory_space<semaphore_mem>>) src(%arg9 : memref<80x128xf32, #tpu.memory_space<vmem>>) dst(%dma_wait3A_120 : memref<10000x128xf32, #tpu.memory_space<vmem_shared>>)
      %add3A_121 = arith.constant 2 : i32
      %add3A_122 = arith.addi %add3A_102, %add3A_121 : i32
      %dma_start3A_123 = arith.constant 0 : i32
      %dma_start3A_124 = tpu.memref_slice %arg7[%add3A_122, %dma_start3A_123] : memref<125x80xi32, #tpu.memory_space<vmem>> -> memref<1x80xi32, #tpu.memory_space<vmem>>
      %dma_start3A_125 = tpu.memref_squeeze %dma_start3A_124 : memref<1x80xi32, #tpu.memory_space<vmem>> -> memref<80xi32, #tpu.memory_space<vmem>>
      %dma_start3A_126 = arith.constant 0 : i32
      %dma_start3A_127 = arith.constant 0 : i32
      %dma_start3A_128 = tpu.memref_slice %arg2[%dma_start3A_126, %dma_start3A_127] : memref<10000x128xf32, #tpu.memory_space<hbm>> -> memref<10000x128xf32, #tpu.memory_space<hbm>>
      tpu.enqueue_indirect_dma source(%dma_start3A_128 : memref<10000x128xf32, #tpu.memory_space<hbm>>) target(%arg9 : memref<80x128xf32, #tpu.memory_space<vmem>>) offsets(%dma_start3A_125 : memref<80xi32, #tpu.memory_space<vmem>>) semaphore(%arg12 : memref<!tpu.dma_semaphore, #tpu.memory_space<semaphore_mem>>)
      %add3A_129 = arith.constant 1 : i32
      %add3A_130 = arith.addi %add3A_100, %add3A_129 : i32
      %dma_wait3A_131 = arith.constant 0 : i32
      %dma_wait3A_132 = tpu.memref_slice %arg7[%add3A_130, %dma_wait3A_131] : memref<125x80xi32, #tpu.memory_space<vmem>> -> memref<1x80xi32, #tpu.memory_space<vmem>>
      %dma_wait3A_133 = tpu.memref_squeeze %dma_wait3A_132 : memref<1x80xi32, #tpu.memory_space<vmem>> -> memref<80xi32, #tpu.memory_space<vmem>>
      %dma_wait3A_134 = arith.constant 0 : i32
      %dma_wait3A_135 = arith.constant 0 : i32
      %dma_wait3A_136 = tpu.memref_slice %arg2[%dma_wait3A_134, %dma_wait3A_135] : memref<10000x128xf32, #tpu.memory_space<hbm>> -> memref<10000x128xf32, #tpu.memory_space<hbm>>
      tpu.wait_indirect_dma semaphore(%arg13 : memref<!tpu.dma_semaphore, #tpu.memory_space<semaphore_mem>>) src(%dma_wait3A_136 : memref<10000x128xf32, #tpu.memory_space<hbm>>) dst(%arg10 : memref<80x128xf32, #tpu.memory_space<vmem>>)
      %dma_start3A_137 = arith.constant 0 : i32
      %dma_start3A_138 = tpu.memref_slice %arg8[%add3A_130, %dma_start3A_137] : memref<125x80xi32, #tpu.memory_space<vmem>> -> memref<1x80xi32, #tpu.memory_space<vmem>>
      %dma_start3A_139 = tpu.memref_squeeze %dma_start3A_138 : memref<1x80xi32, #tpu.memory_space<vmem>> -> memref<80xi32, #tpu.memory_space<vmem>>
      %dma_start3A_140 = arith.constant 0 : i32
      %dma_start3A_141 = arith.constant 0 : i32
      %dma_start3A_142 = tpu.memref_slice %arg11[%dma_start3A_140, %dma_start3A_141] : memref<10000x128xf32, #tpu.memory_space<vmem_shared>> -> memref<10000x128xf32, #tpu.memory_space<vmem_shared>>
      tpu.enqueue_indirect_dma source(%arg10 : memref<80x128xf32, #tpu.memory_space<vmem>>) target(%dma_start3A_142 : memref<10000x128xf32, #tpu.memory_space<vmem_shared>>) offsets(%dma_start3A_139 : memref<80xi32, #tpu.memory_space<vmem>>) semaphore(%arg15 : memref<!tpu.dma_semaphore, #tpu.memory_space<semaphore_mem>>) {add = true}
      %dma_wait3A_143 = arith.constant 0 : i32
      %dma_wait3A_144 = tpu.memref_slice %arg8[%add3A_130, %dma_wait3A_143] : memref<125x80xi32, #tpu.memory_space<vmem>> -> memref<1x80xi32, #tpu.memory_space<vmem>>
      %dma_wait3A_145 = tpu.memref_squeeze %dma_wait3A_144 : memref<1x80xi32, #tpu.memory_space<vmem>> -> memref<80xi32, #tpu.memory_space<vmem>>
      %dma_wait3A_146 = arith.constant 0 : i32
      %dma_wait3A_147 = arith.constant 0 : i32
      %dma_wait3A_148 = tpu.memref_slice %arg11[%dma_wait3A_146, %dma_wait3A_147] : memref<10000x128xf32, #tpu.memory_space<vmem_shared>> -> memref<10000x128xf32, #tpu.memory_space<vmem_shared>>
      tpu.wait_indirect_dma semaphore(%arg15 : memref<!tpu.dma_semaphore, #tpu.memory_space<semaphore_mem>>) src(%arg10 : memref<80x128xf32, #tpu.memory_space<vmem>>) dst(%dma_wait3A_148 : memref<10000x128xf32, #tpu.memory_space<vmem_shared>>)
      %add3A_149 = arith.constant 2 : i32
      %add3A_150 = arith.addi %add3A_130, %add3A_149 : i32
      %dma_start3A_151 = arith.constant 0 : i32
      %dma_start3A_152 = tpu.memref_slice %arg7[%add3A_150, %dma_start3A_151] : memref<125x80xi32, #tpu.memory_space<vmem>> -> memref<1x80xi32, #tpu.memory_space<vmem>>
      %dma_start3A_153 = tpu.memref_squeeze %dma_start3A_152 : memref<1x80xi32, #tpu.memory_space<vmem>> -> memref<80xi32, #tpu.memory_space<vmem>>
      %dma_start3A_154 = arith.constant 0 : i32
      %dma_start3A_155 = arith.constant 0 : i32
      %dma_start3A_156 = tpu.memref_slice %arg2[%dma_start3A_154, %dma_start3A_155] : memref<10000x128xf32, #tpu.memory_space<hbm>> -> memref<10000x128xf32, #tpu.memory_space<hbm>>
      tpu.enqueue_indirect_dma source(%dma_start3A_156 : memref<10000x128xf32, #tpu.memory_space<hbm>>) target(%arg10 : memref<80x128xf32, #tpu.memory_space<vmem>>) offsets(%dma_start3A_153 : memref<80xi32, #tpu.memory_space<vmem>>) semaphore(%arg13 : memref<!tpu.dma_semaphore, #tpu.memory_space<semaphore_mem>>)
    }
    %scan3A_21 = arith.constant 61 : i32
    %dma_wait3A = arith.constant 122 : i32
    %dma_wait3A_22 = arith.constant 0 : i32
    %dma_wait3A_23 = tpu.memref_slice %arg7[%dma_wait3A, %dma_wait3A_22] : memref<125x80xi32, #tpu.memory_space<vmem>> -> memref<1x80xi32, #tpu.memory_space<vmem>>
    %dma_wait3A_24 = tpu.memref_squeeze %dma_wait3A_23 : memref<1x80xi32, #tpu.memory_space<vmem>> -> memref<80xi32, #tpu.memory_space<vmem>>
    %dma_wait3A_25 = arith.constant 0 : i32
    %dma_wait3A_26 = arith.constant 0 : i32
    %dma_wait3A_27 = tpu.memref_slice %arg2[%dma_wait3A_25, %dma_wait3A_26] : memref<10000x128xf32, #tpu.memory_space<hbm>> -> memref<10000x128xf32, #tpu.memory_space<hbm>>
    tpu.wait_indirect_dma semaphore(%arg12 : memref<!tpu.dma_semaphore, #tpu.memory_space<semaphore_mem>>) src(%dma_wait3A_27 : memref<10000x128xf32, #tpu.memory_space<hbm>>) dst(%arg9 : memref<80x128xf32, #tpu.memory_space<vmem>>)
    %dma_start3A_28 = arith.constant 122 : i32
    %dma_start3A_29 = arith.constant 0 : i32
    %dma_start3A_30 = tpu.memref_slice %arg8[%dma_start3A_28, %dma_start3A_29] : memref<125x80xi32, #tpu.memory_space<vmem>> -> memref<1x80xi32, #tpu.memory_space<vmem>>
    %dma_start3A_31 = tpu.memref_squeeze %dma_start3A_30 : memref<1x80xi32, #tpu.memory_space<vmem>> -> memref<80xi32, #tpu.memory_space<vmem>>
    %dma_start3A_32 = arith.constant 0 : i32
    %dma_start3A_33 = arith.constant 0 : i32
    %dma_start3A_34 = tpu.memref_slice %arg11[%dma_start3A_32, %dma_start3A_33] : memref<10000x128xf32, #tpu.memory_space<vmem_shared>> -> memref<10000x128xf32, #tpu.memory_space<vmem_shared>>
    tpu.enqueue_indirect_dma source(%arg9 : memref<80x128xf32, #tpu.memory_space<vmem>>) target(%dma_start3A_34 : memref<10000x128xf32, #tpu.memory_space<vmem_shared>>) offsets(%dma_start3A_31 : memref<80xi32, #tpu.memory_space<vmem>>) semaphore(%arg14 : memref<!tpu.dma_semaphore, #tpu.memory_space<semaphore_mem>>) {add = true}
    %dma_wait3A_35 = arith.constant 122 : i32
    %dma_wait3A_36 = arith.constant 0 : i32
    %dma_wait3A_37 = tpu.memref_slice %arg8[%dma_wait3A_35, %dma_wait3A_36] : memref<125x80xi32, #tpu.memory_space<vmem>> -> memref<1x80xi32, #tpu.memory_space<vmem>>
    %dma_wait3A_38 = tpu.memref_squeeze %dma_wait3A_37 : memref<1x80xi32, #tpu.memory_space<vmem>> -> memref<80xi32, #tpu.memory_space<vmem>>
    %dma_wait3A_39 = arith.constant 0 : i32
    %dma_wait3A_40 = arith.constant 0 : i32
    %dma_wait3A_41 = tpu.memref_slice %arg11[%dma_wait3A_39, %dma_wait3A_40] : memref<10000x128xf32, #tpu.memory_space<vmem_shared>> -> memref<10000x128xf32, #tpu.memory_space<vmem_shared>>
    tpu.wait_indirect_dma semaphore(%arg14 : memref<!tpu.dma_semaphore, #tpu.memory_space<semaphore_mem>>) src(%arg9 : memref<80x128xf32, #tpu.memory_space<vmem>>) dst(%dma_wait3A_41 : memref<10000x128xf32, #tpu.memory_space<vmem_shared>>)
    %dma_start3A_42 = arith.constant 124 : i32
    %dma_start3A_43 = arith.constant 0 : i32
    %dma_start3A_44 = tpu.memref_slice %arg7[%dma_start3A_42, %dma_start3A_43] : memref<125x80xi32, #tpu.memory_space<vmem>> -> memref<1x80xi32, #tpu.memory_space<vmem>>
    %dma_start3A_45 = tpu.memref_squeeze %dma_start3A_44 : memref<1x80xi32, #tpu.memory_space<vmem>> -> memref<80xi32, #tpu.memory_space<vmem>>
    %dma_start3A_46 = arith.constant 0 : i32
    %dma_start3A_47 = arith.constant 0 : i32
    %dma_start3A_48 = tpu.memref_slice %arg2[%dma_start3A_46, %dma_start3A_47] : memref<10000x128xf32, #tpu.memory_space<hbm>> -> memref<10000x128xf32, #tpu.memory_space<hbm>>
    tpu.enqueue_indirect_dma source(%dma_start3A_48 : memref<10000x128xf32, #tpu.memory_space<hbm>>) target(%arg9 : memref<80x128xf32, #tpu.memory_space<vmem>>) offsets(%dma_start3A_45 : memref<80xi32, #tpu.memory_space<vmem>>) semaphore(%arg12 : memref<!tpu.dma_semaphore, #tpu.memory_space<semaphore_mem>>)
    %dma_wait3A_49 = arith.constant 123 : i32
    %dma_wait3A_50 = arith.constant 0 : i32
    %dma_wait3A_51 = tpu.memref_slice %arg7[%dma_wait3A_49, %dma_wait3A_50] : memref<125x80xi32, #tpu.memory_space<vmem>> -> memref<1x80xi32, #tpu.memory_space<vmem>>
    %dma_wait3A_52 = tpu.memref_squeeze %dma_wait3A_51 : memref<1x80xi32, #tpu.memory_space<vmem>> -> memref<80xi32, #tpu.memory_space<vmem>>
    %dma_wait3A_53 = arith.constant 0 : i32
    %dma_wait3A_54 = arith.constant 0 : i32
    %dma_wait3A_55 = tpu.memref_slice %arg2[%dma_wait3A_53, %dma_wait3A_54] : memref<10000x128xf32, #tpu.memory_space<hbm>> -> memref<10000x128xf32, #tpu.memory_space<hbm>>
    tpu.wait_indirect_dma semaphore(%arg13 : memref<!tpu.dma_semaphore, #tpu.memory_space<semaphore_mem>>) src(%dma_wait3A_55 : memref<10000x128xf32, #tpu.memory_space<hbm>>) dst(%arg10 : memref<80x128xf32, #tpu.memory_space<vmem>>)
    %dma_start3A_56 = arith.constant 123 : i32
    %dma_start3A_57 = arith.constant 0 : i32
    %dma_start3A_58 = tpu.memref_slice %arg8[%dma_start3A_56, %dma_start3A_57] : memref<125x80xi32, #tpu.memory_space<vmem>> -> memref<1x80xi32, #tpu.memory_space<vmem>>
    %dma_start3A_59 = tpu.memref_squeeze %dma_start3A_58 : memref<1x80xi32, #tpu.memory_space<vmem>> -> memref<80xi32, #tpu.memory_space<vmem>>
    %dma_start3A_60 = arith.constant 0 : i32
    %dma_start3A_61 = arith.constant 0 : i32
    %dma_start3A_62 = tpu.memref_slice %arg11[%dma_start3A_60, %dma_start3A_61] : memref<10000x128xf32, #tpu.memory_space<vmem_shared>> -> memref<10000x128xf32, #tpu.memory_space<vmem_shared>>
    tpu.enqueue_indirect_dma source(%arg10 : memref<80x128xf32, #tpu.memory_space<vmem>>) target(%dma_start3A_62 : memref<10000x128xf32, #tpu.memory_space<vmem_shared>>) offsets(%dma_start3A_59 : memref<80xi32, #tpu.memory_space<vmem>>) semaphore(%arg15 : memref<!tpu.dma_semaphore, #tpu.memory_space<semaphore_mem>>) {add = true}
    %dma_wait3A_63 = arith.constant 123 : i32
    %dma_wait3A_64 = arith.constant 0 : i32
    %dma_wait3A_65 = tpu.memref_slice %arg8[%dma_wait3A_63, %dma_wait3A_64] : memref<125x80xi32, #tpu.memory_space<vmem>> -> memref<1x80xi32, #tpu.memory_space<vmem>>
    %dma_wait3A_66 = tpu.memref_squeeze %dma_wait3A_65 : memref<1x80xi32, #tpu.memory_space<vmem>> -> memref<80xi32, #tpu.memory_space<vmem>>
    %dma_wait3A_67 = arith.constant 0 : i32
    %dma_wait3A_68 = arith.constant 0 : i32
    %dma_wait3A_69 = tpu.memref_slice %arg11[%dma_wait3A_67, %dma_wait3A_68] : memref<10000x128xf32, #tpu.memory_space<vmem_shared>> -> memref<10000x128xf32, #tpu.memory_space<vmem_shared>>
    tpu.wait_indirect_dma semaphore(%arg15 : memref<!tpu.dma_semaphore, #tpu.memory_space<semaphore_mem>>) src(%arg10 : memref<80x128xf32, #tpu.memory_space<vmem>>) dst(%dma_wait3A_69 : memref<10000x128xf32, #tpu.memory_space<vmem_shared>>)
    %dma_wait3A_70 = arith.constant 124 : i32
    %dma_wait3A_71 = arith.constant 0 : i32
    %dma_wait3A_72 = tpu.memref_slice %arg7[%dma_wait3A_70, %dma_wait3A_71] : memref<125x80xi32, #tpu.memory_space<vmem>> -> memref<1x80xi32, #tpu.memory_space<vmem>>
    %dma_wait3A_73 = tpu.memref_squeeze %dma_wait3A_72 : memref<1x80xi32, #tpu.memory_space<vmem>> -> memref<80xi32, #tpu.memory_space<vmem>>
    %dma_wait3A_74 = arith.constant 0 : i32
    %dma_wait3A_75 = arith.constant 0 : i32
    %dma_wait3A_76 = tpu.memref_slice %arg2[%dma_wait3A_74, %dma_wait3A_75] : memref<10000x128xf32, #tpu.memory_space<hbm>> -> memref<10000x128xf32, #tpu.memory_space<hbm>>
    tpu.wait_indirect_dma semaphore(%arg12 : memref<!tpu.dma_semaphore, #tpu.memory_space<semaphore_mem>>) src(%dma_wait3A_76 : memref<10000x128xf32, #tpu.memory_space<hbm>>) dst(%arg9 : memref<80x128xf32, #tpu.memory_space<vmem>>)
    %dma_start3A_77 = arith.constant 124 : i32
    %dma_start3A_78 = arith.constant 0 : i32
    %dma_start3A_79 = tpu.memref_slice %arg8[%dma_start3A_77, %dma_start3A_78] : memref<125x80xi32, #tpu.memory_space<vmem>> -> memref<1x80xi32, #tpu.memory_space<vmem>>
    %dma_start3A_80 = tpu.memref_squeeze %dma_start3A_79 : memref<1x80xi32, #tpu.memory_space<vmem>> -> memref<80xi32, #tpu.memory_space<vmem>>
    %dma_start3A_81 = arith.constant 0 : i32
    %dma_start3A_82 = arith.constant 0 : i32
    %dma_start3A_83 = tpu.memref_slice %arg11[%dma_start3A_81, %dma_start3A_82] : memref<10000x128xf32, #tpu.memory_space<vmem_shared>> -> memref<10000x128xf32, #tpu.memory_space<vmem_shared>>
    tpu.enqueue_indirect_dma source(%arg9 : memref<80x128xf32, #tpu.memory_space<vmem>>) target(%dma_start3A_83 : memref<10000x128xf32, #tpu.memory_space<vmem_shared>>) offsets(%dma_start3A_80 : memref<80xi32, #tpu.memory_space<vmem>>) semaphore(%arg14 : memref<!tpu.dma_semaphore, #tpu.memory_space<semaphore_mem>>) {add = true}
    %dma_wait3A_84 = arith.constant 124 : i32
    %dma_wait3A_85 = arith.constant 0 : i32
    %dma_wait3A_86 = tpu.memref_slice %arg8[%dma_wait3A_84, %dma_wait3A_85] : memref<125x80xi32, #tpu.memory_space<vmem>> -> memref<1x80xi32, #tpu.memory_space<vmem>>
    %dma_wait3A_87 = tpu.memref_squeeze %dma_wait3A_86 : memref<1x80xi32, #tpu.memory_space<vmem>> -> memref<80xi32, #tpu.memory_space<vmem>>
    %dma_wait3A_88 = arith.constant 0 : i32
    %dma_wait3A_89 = arith.constant 0 : i32
    %dma_wait3A_90 = tpu.memref_slice %arg11[%dma_wait3A_88, %dma_wait3A_89] : memref<10000x128xf32, #tpu.memory_space<vmem_shared>> -> memref<10000x128xf32, #tpu.memory_space<vmem_shared>>
    tpu.wait_indirect_dma semaphore(%arg14 : memref<!tpu.dma_semaphore, #tpu.memory_space<semaphore_mem>>) src(%arg9 : memref<80x128xf32, #tpu.memory_space<vmem>>) dst(%dma_wait3A_90 : memref<10000x128xf32, #tpu.memory_space<vmem_shared>>)
    %barrier3A_91 = arith.constant 0 : index
    tpu.barrier barrier_id(%barrier3A_91)
    %mul3A_92 = arith.constant 625 : i32
    %mul3A_93 = arith.muli %arg1, %mul3A_92 : i32
    %mul3A_94 = arith.constant 625 : i32
    %mul3A_95 = arith.muli %arg1, %mul3A_94 : i32
    "tpu.region"() ({
      %run_scoped3A = tpu.sem_alloc : memref<!tpu.dma_semaphore, #tpu.memory_space<semaphore_mem>>
      %dma_start3A_96 = arith.constant 0 : i32
      %dma_start3A_97 = arith.constant 0 : i32
      %dma_start3A_98 = tpu.memref_slice %arg6[%arg0, %dma_start3A_96, %dma_start3A_97] : memref<2x10000x128xf32, #tpu.memory_space<hbm>> -> memref<1x10000x128xf32, #tpu.memory_space<hbm>>
      %dma_start3A_99 = tpu.memref_squeeze %dma_start3A_98 : memref<1x10000x128xf32, #tpu.memory_space<hbm>> -> memref<10000x128xf32, #tpu.memory_space<hbm>>
      %dma_start3A_100 = arith.constant 0 : i32
      %dma_start3A_101 = tpu.memref_slice %dma_start3A_99[%mul3A_95, %dma_start3A_100] : memref<10000x128xf32, #tpu.memory_space<hbm>> -> memref<625x128xf32, #tpu.memory_space<hbm>>
      %dma_start3A_102 = arith.constant 0 : i32
      %dma_start3A_103 = tpu.memref_slice %arg11[%mul3A_93, %dma_start3A_102] : memref<10000x128xf32, #tpu.memory_space<vmem_shared>> -> memref<625x128xf32, #tpu.memory_space<vmem_shared>>
      tpu.enqueue_dma source(%dma_start3A_103 : memref<625x128xf32, #tpu.memory_space<vmem_shared>>) target(%dma_start3A_101 : memref<625x128xf32, #tpu.memory_space<hbm>>) target_semaphore(%run_scoped3A : memref<!tpu.dma_semaphore, #tpu.memory_space<semaphore_mem>>)
      %dma_wait3A_104 = arith.constant 0 : i32
      %dma_wait3A_105 = arith.constant 0 : i32
      %dma_wait3A_106 = tpu.memref_slice %arg6[%arg0, %dma_wait3A_104, %dma_wait3A_105] : memref<2x10000x128xf32, #tpu.memory_space<hbm>> -> memref<1x10000x128xf32, #tpu.memory_space<hbm>>
      %dma_wait3A_107 = tpu.memref_squeeze %dma_wait3A_106 : memref<1x10000x128xf32, #tpu.memory_space<hbm>> -> memref<10000x128xf32, #tpu.memory_space<hbm>>
      %dma_wait3A_108 = arith.constant 0 : i32
      %dma_wait3A_109 = tpu.memref_slice %dma_wait3A_107[%mul3A_95, %dma_wait3A_108] : memref<10000x128xf32, #tpu.memory_space<hbm>> -> memref<625x128xf32, #tpu.memory_space<hbm>>
      %dma_wait3A_110 = arith.constant 0 : i32
      %dma_wait3A_111 = tpu.memref_slice %arg11[%mul3A_93, %dma_wait3A_110] : memref<10000x128xf32, #tpu.memory_space<vmem_shared>> -> memref<625x128xf32, #tpu.memory_space<vmem_shared>>
      tpu.wait_dma2 semaphore(%run_scoped3A : memref<!tpu.dma_semaphore, #tpu.memory_space<semaphore_mem>>) src(%dma_wait3A_111 : memref<625x128xf32, #tpu.memory_space<vmem_shared>>) dst(%dma_wait3A_109 : memref<625x128xf32, #tpu.memory_space<hbm>>)
      tpu.yield
    }) : () -> ()
    return
  }
}

#map = affine_map<(d0, d1) -> (0, 0)>
#map1 = affine_map<(d0, d1) -> (0, 0, 0)>
module attributes {stable_mosaic.version = 14 : i64} {
  func.func @k(%arg0: i32, %arg1: i32, %arg2: memref<10000x128xf32, #tpu.memory_space<hbm>>, %arg3: memref<32x125x80xi32, #tpu.memory_space<hbm>>, %arg4: memref<32x125x80xi32, #tpu.memory_space<hbm>>, %arg5: memref<10000x128xf32, #tpu.memory_space<hbm>>, %arg6: memref<2x10000x128xf32, #tpu.memory_space<hbm>>, %arg7: memref<125x80xi32, #tpu.memory_space<vmem>>, %arg8: memref<125x80xi32, #tpu.memory_space<vmem>>, %arg9: memref<80x128xf32, #tpu.memory_space<vmem>>, %arg10: memref<80x128xf32, #tpu.memory_space<vmem>>, %arg11: memref<10000x128xf32, #tpu.memory_space<vmem_shared>>, %arg12: memref<!tpu.dma_semaphore, #tpu.memory_space<semaphore_mem>>, %arg13: memref<!tpu.dma_semaphore, #tpu.memory_space<semaphore_mem>>, %arg14: memref<!tpu.dma_semaphore, #tpu.memory_space<semaphore_mem>>, %arg15: memref<!tpu.dma_semaphore, #tpu.memory_space<semaphore_mem>>) attributes {dimension_semantics = [#tpu.dimension_semantics<core_parallel>, #tpu.dimension_semantics<subcore_parallel>], iteration_bounds = array<i64: 2, 16>, scalar_prefetch = 0 : i64, scratch_operands = 9 : i64, tpu.core_type = #tpu.core_type<sc_vector_subcore>, window_params = [{transform_indices = #map}, {transform_indices = #map1}, {transform_indices = #map1}, {transform_indices = #map}, {transform_indices = #map1}]} {
    %mul3A = arith.constant 16 : i32
    %mul3A_0 = arith.muli %arg0, %mul3A : i32
    %add3A = arith.addi %mul3A_0, %arg1 : i32
    %mul3A_1 = arith.constant 625 : i32
    %mul3A_2 = arith.muli %arg1, %mul3A_1 : i32
    %mul3A_3 = arith.constant 625 : i32
    %mul3A_4 = arith.muli %arg1, %mul3A_3 : i32
    "tpu.region"() ({
      %run_scoped3A = tpu.sem_alloc : memref<!tpu.dma_semaphore, #tpu.memory_space<semaphore_mem>>
      %dma_start3A_96 = arith.constant 0 : i32
      %dma_start3A_97 = tpu.memref_slice %arg11[%mul3A_4, %dma_start3A_96] : memref<10000x128xf32, #tpu.memory_space<vmem_shared>> -> memref<625x128xf32, #tpu.memory_space<vmem_shared>>
      %dma_start3A_98 = arith.constant 0 : i32
      %dma_start3A_99 = tpu.memref_slice %arg5[%mul3A_2, %dma_start3A_98] : memref<10000x128xf32, #tpu.memory_space<hbm>> -> memref<625x128xf32, #tpu.memory_space<hbm>>
      tpu.enqueue_dma source(%dma_start3A_99 : memref<625x128xf32, #tpu.memory_space<hbm>>) target(%dma_start3A_97 : memref<625x128xf32, #tpu.memory_space<vmem_shared>>) target_semaphore(%run_scoped3A : memref<!tpu.dma_semaphore, #tpu.memory_space<semaphore_mem>>)
      %dma_wait3A_100 = arith.constant 0 : i32
      %dma_wait3A_101 = tpu.memref_slice %arg11[%mul3A_4, %dma_wait3A_100] : memref<10000x128xf32, #tpu.memory_space<vmem_shared>> -> memref<625x128xf32, #tpu.memory_space<vmem_shared>>
      %dma_wait3A_102 = arith.constant 0 : i32
      %dma_wait3A_103 = tpu.memref_slice %arg5[%mul3A_2, %dma_wait3A_102] : memref<10000x128xf32, #tpu.memory_space<hbm>> -> memref<625x128xf32, #tpu.memory_space<hbm>>
      tpu.wait_dma2 semaphore(%run_scoped3A : memref<!tpu.dma_semaphore, #tpu.memory_space<semaphore_mem>>) src(%dma_wait3A_103 : memref<625x128xf32, #tpu.memory_space<hbm>>) dst(%dma_wait3A_101 : memref<625x128xf32, #tpu.memory_space<vmem_shared>>)
      tpu.yield
    }) : () -> ()
    "tpu.region"() ({
      %run_scoped3A = tpu.sem_alloc : memref<!tpu.dma_semaphore, #tpu.memory_space<semaphore_mem>>
      %dma_start3A_96 = arith.constant 0 : i32
      %dma_start3A_97 = arith.constant 0 : i32
      %dma_start3A_98 = tpu.memref_slice %arg3[%add3A, %dma_start3A_96, %dma_start3A_97] : memref<32x125x80xi32, #tpu.memory_space<hbm>> -> memref<1x125x80xi32, #tpu.memory_space<hbm>>
      %dma_start3A_99 = tpu.memref_squeeze %dma_start3A_98 : memref<1x125x80xi32, #tpu.memory_space<hbm>> -> memref<125x80xi32, #tpu.memory_space<hbm>>
      %dma_start3A_100 = arith.constant 0 : i32
      %dma_start3A_101 = arith.constant 0 : i32
      %dma_start3A_102 = tpu.memref_slice %arg3[%add3A, %dma_start3A_100, %dma_start3A_101] : memref<32x125x80xi32, #tpu.memory_space<hbm>> -> memref<1x125x80xi32, #tpu.memory_space<hbm>>
      %dma_start3A_103 = tpu.memref_squeeze %dma_start3A_102 : memref<1x125x80xi32, #tpu.memory_space<hbm>> -> memref<125x80xi32, #tpu.memory_space<hbm>>
      tpu.enqueue_dma source(%dma_start3A_103 : memref<125x80xi32, #tpu.memory_space<hbm>>) target(%arg7 : memref<125x80xi32, #tpu.memory_space<vmem>>) target_semaphore(%run_scoped3A : memref<!tpu.dma_semaphore, #tpu.memory_space<semaphore_mem>>)
      %dma_wait3A_104 = arith.constant 0 : i32
      %dma_wait3A_105 = arith.constant 0 : i32
      %dma_wait3A_106 = tpu.memref_slice %arg3[%add3A, %dma_wait3A_104, %dma_wait3A_105] : memref<32x125x80xi32, #tpu.memory_space<hbm>> -> memref<1x125x80xi32, #tpu.memory_space<hbm>>
      %dma_wait3A_107 = tpu.memref_squeeze %dma_wait3A_106 : memref<1x125x80xi32, #tpu.memory_space<hbm>> -> memref<125x80xi32, #tpu.memory_space<hbm>>
      %dma_wait3A_108 = arith.constant 0 : i32
      %dma_wait3A_109 = arith.constant 0 : i32
      %dma_wait3A_110 = tpu.memref_slice %arg3[%add3A, %dma_wait3A_108, %dma_wait3A_109] : memref<32x125x80xi32, #tpu.memory_space<hbm>> -> memref<1x125x80xi32, #tpu.memory_space<hbm>>
      %dma_wait3A_111 = tpu.memref_squeeze %dma_wait3A_110 : memref<1x125x80xi32, #tpu.memory_space<hbm>> -> memref<125x80xi32, #tpu.memory_space<hbm>>
      tpu.wait_dma2 semaphore(%run_scoped3A : memref<!tpu.dma_semaphore, #tpu.memory_space<semaphore_mem>>) src(%dma_wait3A_111 : memref<125x80xi32, #tpu.memory_space<hbm>>) dst(%arg7 : memref<125x80xi32, #tpu.memory_space<vmem>>)
      tpu.yield
    }) : () -> ()
    "tpu.region"() ({
      %run_scoped3A = tpu.sem_alloc : memref<!tpu.dma_semaphore, #tpu.memory_space<semaphore_mem>>
      %dma_start3A_96 = arith.constant 0 : i32
      %dma_start3A_97 = arith.constant 0 : i32
      %dma_start3A_98 = tpu.memref_slice %arg4[%add3A, %dma_start3A_96, %dma_start3A_97] : memref<32x125x80xi32, #tpu.memory_space<hbm>> -> memref<1x125x80xi32, #tpu.memory_space<hbm>>
      %dma_start3A_99 = tpu.memref_squeeze %dma_start3A_98 : memref<1x125x80xi32, #tpu.memory_space<hbm>> -> memref<125x80xi32, #tpu.memory_space<hbm>>
      %dma_start3A_100 = arith.constant 0 : i32
      %dma_start3A_101 = arith.constant 0 : i32
      %dma_start3A_102 = tpu.memref_slice %arg4[%add3A, %dma_start3A_100, %dma_start3A_101] : memref<32x125x80xi32, #tpu.memory_space<hbm>> -> memref<1x125x80xi32, #tpu.memory_space<hbm>>
      %dma_start3A_103 = tpu.memref_squeeze %dma_start3A_102 : memref<1x125x80xi32, #tpu.memory_space<hbm>> -> memref<125x80xi32, #tpu.memory_space<hbm>>
      tpu.enqueue_dma source(%dma_start3A_103 : memref<125x80xi32, #tpu.memory_space<hbm>>) target(%arg8 : memref<125x80xi32, #tpu.memory_space<vmem>>) target_semaphore(%run_scoped3A : memref<!tpu.dma_semaphore, #tpu.memory_space<semaphore_mem>>)
      %dma_wait3A_104 = arith.constant 0 : i32
      %dma_wait3A_105 = arith.constant 0 : i32
      %dma_wait3A_106 = tpu.memref_slice %arg4[%add3A, %dma_wait3A_104, %dma_wait3A_105] : memref<32x125x80xi32, #tpu.memory_space<hbm>> -> memref<1x125x80xi32, #tpu.memory_space<hbm>>
      %dma_wait3A_107 = tpu.memref_squeeze %dma_wait3A_106 : memref<1x125x80xi32, #tpu.memory_space<hbm>> -> memref<125x80xi32, #tpu.memory_space<hbm>>
      %dma_wait3A_108 = arith.constant 0 : i32
      %dma_wait3A_109 = arith.constant 0 : i32
      %dma_wait3A_110 = tpu.memref_slice %arg4[%add3A, %dma_wait3A_108, %dma_wait3A_109] : memref<32x125x80xi32, #tpu.memory_space<hbm>> -> memref<1x125x80xi32, #tpu.memory_space<hbm>>
      %dma_wait3A_111 = tpu.memref_squeeze %dma_wait3A_110 : memref<1x125x80xi32, #tpu.memory_space<hbm>> -> memref<125x80xi32, #tpu.memory_space<hbm>>
      tpu.wait_dma2 semaphore(%run_scoped3A : memref<!tpu.dma_semaphore, #tpu.memory_space<semaphore_mem>>) src(%dma_wait3A_111 : memref<125x80xi32, #tpu.memory_space<hbm>>) dst(%arg8 : memref<125x80xi32, #tpu.memory_space<vmem>>)
      tpu.yield
    }) : () -> ()
    %barrier3A = arith.constant 0 : index
    tpu.barrier barrier_id(%barrier3A)
    %dma_start3A = arith.constant 0 : i32
    %dma_start3A_5 = arith.constant 0 : i32
    %dma_start3A_6 = tpu.memref_slice %arg7[%dma_start3A, %dma_start3A_5] : memref<125x80xi32, #tpu.memory_space<vmem>> -> memref<1x80xi32, #tpu.memory_space<vmem>>
    %dma_start3A_7 = tpu.memref_squeeze %dma_start3A_6 : memref<1x80xi32, #tpu.memory_space<vmem>> -> memref<80xi32, #tpu.memory_space<vmem>>
    %dma_start3A_8 = arith.constant 0 : i32
    %dma_start3A_9 = arith.constant 0 : i32
    %dma_start3A_10 = tpu.memref_slice %arg2[%dma_start3A_8, %dma_start3A_9] : memref<10000x128xf32, #tpu.memory_space<hbm>> -> memref<10000x128xf32, #tpu.memory_space<hbm>>
    tpu.enqueue_indirect_dma source(%dma_start3A_10 : memref<10000x128xf32, #tpu.memory_space<hbm>>) target(%arg9 : memref<80x128xf32, #tpu.memory_space<vmem>>) offsets(%dma_start3A_7 : memref<80xi32, #tpu.memory_space<vmem>>) semaphore(%arg12 : memref<!tpu.dma_semaphore, #tpu.memory_space<semaphore_mem>>)
    %dma_start3A_11 = arith.constant 1 : i32
    %dma_start3A_12 = arith.constant 0 : i32
    %dma_start3A_13 = tpu.memref_slice %arg7[%dma_start3A_11, %dma_start3A_12] : memref<125x80xi32, #tpu.memory_space<vmem>> -> memref<1x80xi32, #tpu.memory_space<vmem>>
    %dma_start3A_14 = tpu.memref_squeeze %dma_start3A_13 : memref<1x80xi32, #tpu.memory_space<vmem>> -> memref<80xi32, #tpu.memory_space<vmem>>
    %dma_start3A_15 = arith.constant 0 : i32
    %dma_start3A_16 = arith.constant 0 : i32
    %dma_start3A_17 = tpu.memref_slice %arg2[%dma_start3A_15, %dma_start3A_16] : memref<10000x128xf32, #tpu.memory_space<hbm>> -> memref<10000x128xf32, #tpu.memory_space<hbm>>
    tpu.enqueue_indirect_dma source(%dma_start3A_17 : memref<10000x128xf32, #tpu.memory_space<hbm>>) target(%arg10 : memref<80x128xf32, #tpu.memory_space<vmem>>) offsets(%dma_start3A_14 : memref<80xi32, #tpu.memory_space<vmem>>) semaphore(%arg13 : memref<!tpu.dma_semaphore, #tpu.memory_space<semaphore_mem>>)
    %scan3A = arith.constant 0 : i32
    %scan3A_18 = arith.constant 61 : i32
    %scan3A_19 = arith.addi %scan3A, %scan3A_18 : i32
    %scan3A_20 = arith.constant 1 : i32
    scf.for %scan3A_96 = %scan3A to %scan3A_19 step %scan3A_20  : i32 {
      %mul3A_97 = arith.constant 2 : i32
      %mul3A_98 = arith.muli %scan3A_96, %mul3A_97 : i32
      %add3A_99 = arith.constant 0 : i32
      %add3A_100 = arith.addi %add3A_99, %mul3A_98 : i32
      %add3A_101 = arith.constant 0 : i32
      %add3A_102 = arith.addi %add3A_100, %add3A_101 : i32
      %dma_wait3A_103 = arith.constant 0 : i32
      %dma_wait3A_104 = tpu.memref_slice %arg7[%add3A_102, %dma_wait3A_103] : memref<125x80xi32, #tpu.memory_space<vmem>> -> memref<1x80xi32, #tpu.memory_space<vmem>>
      %dma_wait3A_105 = tpu.memref_squeeze %dma_wait3A_104 : memref<1x80xi32, #tpu.memory_space<vmem>> -> memref<80xi32, #tpu.memory_space<vmem>>
      %dma_wait3A_106 = arith.constant 0 : i32
      %dma_wait3A_107 = arith.constant 0 : i32
      %dma_wait3A_108 = tpu.memref_slice %arg2[%dma_wait3A_106, %dma_wait3A_107] : memref<10000x128xf32, #tpu.memory_space<hbm>> -> memref<10000x128xf32, #tpu.memory_space<hbm>>
      tpu.wait_indirect_dma semaphore(%arg12 : memref<!tpu.dma_semaphore, #tpu.memory_space<semaphore_mem>>) src(%dma_wait3A_108 : memref<10000x128xf32, #tpu.memory_space<hbm>>) dst(%arg9 : memref<80x128xf32, #tpu.memory_space<vmem>>)
      %dma_start3A_109 = arith.constant 0 : i32
      %dma_start3A_110 = tpu.memref_slice %arg8[%add3A_102, %dma_start3A_109] : memref<125x80xi32, #tpu.memory_space<vmem>> -> memref<1x80xi32, #tpu.memory_space<vmem>>
      %dma_start3A_111 = tpu.memref_squeeze %dma_start3A_110 : memref<1x80xi32, #tpu.memory_space<vmem>> -> memref<80xi32, #tpu.memory_space<vmem>>
      %dma_start3A_112 = arith.constant 0 : i32
      %dma_start3A_113 = arith.constant 0 : i32
      %dma_start3A_114 = tpu.memref_slice %arg11[%dma_start3A_112, %dma_start3A_113] : memref<10000x128xf32, #tpu.memory_space<vmem_shared>> -> memref<10000x128xf32, #tpu.memory_space<vmem_shared>>
      tpu.enqueue_indirect_dma source(%arg9 : memref<80x128xf32, #tpu.memory_space<vmem>>) target(%dma_start3A_114 : memref<10000x128xf32, #tpu.memory_space<vmem_shared>>) offsets(%dma_start3A_111 : memref<80xi32, #tpu.memory_space<vmem>>) semaphore(%arg14 : memref<!tpu.dma_semaphore, #tpu.memory_space<semaphore_mem>>) {add = true}
      %dma_wait3A_115 = arith.constant 0 : i32
      %dma_wait3A_116 = tpu.memref_slice %arg8[%add3A_102, %dma_wait3A_115] : memref<125x80xi32, #tpu.memory_space<vmem>> -> memref<1x80xi32, #tpu.memory_space<vmem>>
      %dma_wait3A_117 = tpu.memref_squeeze %dma_wait3A_116 : memref<1x80xi32, #tpu.memory_space<vmem>> -> memref<80xi32, #tpu.memory_space<vmem>>
      %dma_wait3A_118 = arith.constant 0 : i32
      %dma_wait3A_119 = arith.constant 0 : i32
      %dma_wait3A_120 = tpu.memref_slice %arg11[%dma_wait3A_118, %dma_wait3A_119] : memref<10000x128xf32, #tpu.memory_space<vmem_shared>> -> memref<10000x128xf32, #tpu.memory_space<vmem_shared>>
      tpu.wait_indirect_dma semaphore(%arg14 : memref<!tpu.dma_semaphore, #tpu.memory_space<semaphore_mem>>) src(%arg9 : memref<80x128xf32, #tpu.memory_space<vmem>>) dst(%dma_wait3A_120 : memref<10000x128xf32, #tpu.memory_space<vmem_shared>>)
      %add3A_121 = arith.constant 2 : i32
      %add3A_122 = arith.addi %add3A_102, %add3A_121 : i32
      %dma_start3A_123 = arith.constant 0 : i32
      %dma_start3A_124 = tpu.memref_slice %arg7[%add3A_122, %dma_start3A_123] : memref<125x80xi32, #tpu.memory_space<vmem>> -> memref<1x80xi32, #tpu.memory_space<vmem>>
      %dma_start3A_125 = tpu.memref_squeeze %dma_start3A_124 : memref<1x80xi32, #tpu.memory_space<vmem>> -> memref<80xi32, #tpu.memory_space<vmem>>
      %dma_start3A_126 = arith.constant 0 : i32
      %dma_start3A_127 = arith.constant 0 : i32
      %dma_start3A_128 = tpu.memref_slice %arg2[%dma_start3A_126, %dma_start3A_127] : memref<10000x128xf32, #tpu.memory_space<hbm>> -> memref<10000x128xf32, #tpu.memory_space<hbm>>
      tpu.enqueue_indirect_dma source(%dma_start3A_128 : memref<10000x128xf32, #tpu.memory_space<hbm>>) target(%arg9 : memref<80x128xf32, #tpu.memory_space<vmem>>) offsets(%dma_start3A_125 : memref<80xi32, #tpu.memory_space<vmem>>) semaphore(%arg12 : memref<!tpu.dma_semaphore, #tpu.memory_space<semaphore_mem>>)
      %add3A_129 = arith.constant 1 : i32
      %add3A_130 = arith.addi %add3A_100, %add3A_129 : i32
      %dma_wait3A_131 = arith.constant 0 : i32
      %dma_wait3A_132 = tpu.memref_slice %arg7[%add3A_130, %dma_wait3A_131] : memref<125x80xi32, #tpu.memory_space<vmem>> -> memref<1x80xi32, #tpu.memory_space<vmem>>
      %dma_wait3A_133 = tpu.memref_squeeze %dma_wait3A_132 : memref<1x80xi32, #tpu.memory_space<vmem>> -> memref<80xi32, #tpu.memory_space<vmem>>
      %dma_wait3A_134 = arith.constant 0 : i32
      %dma_wait3A_135 = arith.constant 0 : i32
      %dma_wait3A_136 = tpu.memref_slice %arg2[%dma_wait3A_134, %dma_wait3A_135] : memref<10000x128xf32, #tpu.memory_space<hbm>> -> memref<10000x128xf32, #tpu.memory_space<hbm>>
      tpu.wait_indirect_dma semaphore(%arg13 : memref<!tpu.dma_semaphore, #tpu.memory_space<semaphore_mem>>) src(%dma_wait3A_136 : memref<10000x128xf32, #tpu.memory_space<hbm>>) dst(%arg10 : memref<80x128xf32, #tpu.memory_space<vmem>>)
      %dma_start3A_137 = arith.constant 0 : i32
      %dma_start3A_138 = tpu.memref_slice %arg8[%add3A_130, %dma_start3A_137] : memref<125x80xi32, #tpu.memory_space<vmem>> -> memref<1x80xi32, #tpu.memory_space<vmem>>
      %dma_start3A_139 = tpu.memref_squeeze %dma_start3A_138 : memref<1x80xi32, #tpu.memory_space<vmem>> -> memref<80xi32, #tpu.memory_space<vmem>>
      %dma_start3A_140 = arith.constant 0 : i32
      %dma_start3A_141 = arith.constant 0 : i32
      %dma_start3A_142 = tpu.memref_slice %arg11[%dma_start3A_140, %dma_start3A_141] : memref<10000x128xf32, #tpu.memory_space<vmem_shared>> -> memref<10000x128xf32, #tpu.memory_space<vmem_shared>>
      tpu.enqueue_indirect_dma source(%arg10 : memref<80x128xf32, #tpu.memory_space<vmem>>) target(%dma_start3A_142 : memref<10000x128xf32, #tpu.memory_space<vmem_shared>>) offsets(%dma_start3A_139 : memref<80xi32, #tpu.memory_space<vmem>>) semaphore(%arg15 : memref<!tpu.dma_semaphore, #tpu.memory_space<semaphore_mem>>) {add = true}
      %dma_wait3A_143 = arith.constant 0 : i32
      %dma_wait3A_144 = tpu.memref_slice %arg8[%add3A_130, %dma_wait3A_143] : memref<125x80xi32, #tpu.memory_space<vmem>> -> memref<1x80xi32, #tpu.memory_space<vmem>>
      %dma_wait3A_145 = tpu.memref_squeeze %dma_wait3A_144 : memref<1x80xi32, #tpu.memory_space<vmem>> -> memref<80xi32, #tpu.memory_space<vmem>>
      %dma_wait3A_146 = arith.constant 0 : i32
      %dma_wait3A_147 = arith.constant 0 : i32
      %dma_wait3A_148 = tpu.memref_slice %arg11[%dma_wait3A_146, %dma_wait3A_147] : memref<10000x128xf32, #tpu.memory_space<vmem_shared>> -> memref<10000x128xf32, #tpu.memory_space<vmem_shared>>
      tpu.wait_indirect_dma semaphore(%arg15 : memref<!tpu.dma_semaphore, #tpu.memory_space<semaphore_mem>>) src(%arg10 : memref<80x128xf32, #tpu.memory_space<vmem>>) dst(%dma_wait3A_148 : memref<10000x128xf32, #tpu.memory_space<vmem_shared>>)
      %add3A_149 = arith.constant 2 : i32
      %add3A_150 = arith.addi %add3A_130, %add3A_149 : i32
      %dma_start3A_151 = arith.constant 0 : i32
      %dma_start3A_152 = tpu.memref_slice %arg7[%add3A_150, %dma_start3A_151] : memref<125x80xi32, #tpu.memory_space<vmem>> -> memref<1x80xi32, #tpu.memory_space<vmem>>
      %dma_start3A_153 = tpu.memref_squeeze %dma_start3A_152 : memref<1x80xi32, #tpu.memory_space<vmem>> -> memref<80xi32, #tpu.memory_space<vmem>>
      %dma_start3A_154 = arith.constant 0 : i32
      %dma_start3A_155 = arith.constant 0 : i32
      %dma_start3A_156 = tpu.memref_slice %arg2[%dma_start3A_154, %dma_start3A_155] : memref<10000x128xf32, #tpu.memory_space<hbm>> -> memref<10000x128xf32, #tpu.memory_space<hbm>>
      tpu.enqueue_indirect_dma source(%dma_start3A_156 : memref<10000x128xf32, #tpu.memory_space<hbm>>) target(%arg10 : memref<80x128xf32, #tpu.memory_space<vmem>>) offsets(%dma_start3A_153 : memref<80xi32, #tpu.memory_space<vmem>>) semaphore(%arg13 : memref<!tpu.dma_semaphore, #tpu.memory_space<semaphore_mem>>)
    }
    %scan3A_21 = arith.constant 61 : i32
    %dma_wait3A = arith.constant 122 : i32
    %dma_wait3A_22 = arith.constant 0 : i32
    %dma_wait3A_23 = tpu.memref_slice %arg7[%dma_wait3A, %dma_wait3A_22] : memref<125x80xi32, #tpu.memory_space<vmem>> -> memref<1x80xi32, #tpu.memory_space<vmem>>
    %dma_wait3A_24 = tpu.memref_squeeze %dma_wait3A_23 : memref<1x80xi32, #tpu.memory_space<vmem>> -> memref<80xi32, #tpu.memory_space<vmem>>
    %dma_wait3A_25 = arith.constant 0 : i32
    %dma_wait3A_26 = arith.constant 0 : i32
    %dma_wait3A_27 = tpu.memref_slice %arg2[%dma_wait3A_25, %dma_wait3A_26] : memref<10000x128xf32, #tpu.memory_space<hbm>> -> memref<10000x128xf32, #tpu.memory_space<hbm>>
    tpu.wait_indirect_dma semaphore(%arg12 : memref<!tpu.dma_semaphore, #tpu.memory_space<semaphore_mem>>) src(%dma_wait3A_27 : memref<10000x128xf32, #tpu.memory_space<hbm>>) dst(%arg9 : memref<80x128xf32, #tpu.memory_space<vmem>>)
    %dma_start3A_28 = arith.constant 122 : i32
    %dma_start3A_29 = arith.constant 0 : i32
    %dma_start3A_30 = tpu.memref_slice %arg8[%dma_start3A_28, %dma_start3A_29] : memref<125x80xi32, #tpu.memory_space<vmem>> -> memref<1x80xi32, #tpu.memory_space<vmem>>
    %dma_start3A_31 = tpu.memref_squeeze %dma_start3A_30 : memref<1x80xi32, #tpu.memory_space<vmem>> -> memref<80xi32, #tpu.memory_space<vmem>>
    %dma_start3A_32 = arith.constant 0 : i32
    %dma_start3A_33 = arith.constant 0 : i32
    %dma_start3A_34 = tpu.memref_slice %arg11[%dma_start3A_32, %dma_start3A_33] : memref<10000x128xf32, #tpu.memory_space<vmem_shared>> -> memref<10000x128xf32, #tpu.memory_space<vmem_shared>>
    tpu.enqueue_indirect_dma source(%arg9 : memref<80x128xf32, #tpu.memory_space<vmem>>) target(%dma_start3A_34 : memref<10000x128xf32, #tpu.memory_space<vmem_shared>>) offsets(%dma_start3A_31 : memref<80xi32, #tpu.memory_space<vmem>>) semaphore(%arg14 : memref<!tpu.dma_semaphore, #tpu.memory_space<semaphore_mem>>) {add = true}
    %dma_wait3A_35 = arith.constant 122 : i32
    %dma_wait3A_36 = arith.constant 0 : i32
    %dma_wait3A_37 = tpu.memref_slice %arg8[%dma_wait3A_35, %dma_wait3A_36] : memref<125x80xi32, #tpu.memory_space<vmem>> -> memref<1x80xi32, #tpu.memory_space<vmem>>
    %dma_wait3A_38 = tpu.memref_squeeze %dma_wait3A_37 : memref<1x80xi32, #tpu.memory_space<vmem>> -> memref<80xi32, #tpu.memory_space<vmem>>
    %dma_wait3A_39 = arith.constant 0 : i32
    %dma_wait3A_40 = arith.constant 0 : i32
    %dma_wait3A_41 = tpu.memref_slice %arg11[%dma_wait3A_39, %dma_wait3A_40] : memref<10000x128xf32, #tpu.memory_space<vmem_shared>> -> memref<10000x128xf32, #tpu.memory_space<vmem_shared>>
    tpu.wait_indirect_dma semaphore(%arg14 : memref<!tpu.dma_semaphore, #tpu.memory_space<semaphore_mem>>) src(%arg9 : memref<80x128xf32, #tpu.memory_space<vmem>>) dst(%dma_wait3A_41 : memref<10000x128xf32, #tpu.memory_space<vmem_shared>>)
    %dma_start3A_42 = arith.constant 124 : i32
    %dma_start3A_43 = arith.constant 0 : i32
    %dma_start3A_44 = tpu.memref_slice %arg7[%dma_start3A_42, %dma_start3A_43] : memref<125x80xi32, #tpu.memory_space<vmem>> -> memref<1x80xi32, #tpu.memory_space<vmem>>
    %dma_start3A_45 = tpu.memref_squeeze %dma_start3A_44 : memref<1x80xi32, #tpu.memory_space<vmem>> -> memref<80xi32, #tpu.memory_space<vmem>>
    %dma_start3A_46 = arith.constant 0 : i32
    %dma_start3A_47 = arith.constant 0 : i32
    %dma_start3A_48 = tpu.memref_slice %arg2[%dma_start3A_46, %dma_start3A_47] : memref<10000x128xf32, #tpu.memory_space<hbm>> -> memref<10000x128xf32, #tpu.memory_space<hbm>>
    tpu.enqueue_indirect_dma source(%dma_start3A_48 : memref<10000x128xf32, #tpu.memory_space<hbm>>) target(%arg9 : memref<80x128xf32, #tpu.memory_space<vmem>>) offsets(%dma_start3A_45 : memref<80xi32, #tpu.memory_space<vmem>>) semaphore(%arg12 : memref<!tpu.dma_semaphore, #tpu.memory_space<semaphore_mem>>)
    %dma_wait3A_49 = arith.constant 123 : i32
    %dma_wait3A_50 = arith.constant 0 : i32
    %dma_wait3A_51 = tpu.memref_slice %arg7[%dma_wait3A_49, %dma_wait3A_50] : memref<125x80xi32, #tpu.memory_space<vmem>> -> memref<1x80xi32, #tpu.memory_space<vmem>>
    %dma_wait3A_52 = tpu.memref_squeeze %dma_wait3A_51 : memref<1x80xi32, #tpu.memory_space<vmem>> -> memref<80xi32, #tpu.memory_space<vmem>>
    %dma_wait3A_53 = arith.constant 0 : i32
    %dma_wait3A_54 = arith.constant 0 : i32
    %dma_wait3A_55 = tpu.memref_slice %arg2[%dma_wait3A_53, %dma_wait3A_54] : memref<10000x128xf32, #tpu.memory_space<hbm>> -> memref<10000x128xf32, #tpu.memory_space<hbm>>
    tpu.wait_indirect_dma semaphore(%arg13 : memref<!tpu.dma_semaphore, #tpu.memory_space<semaphore_mem>>) src(%dma_wait3A_55 : memref<10000x128xf32, #tpu.memory_space<hbm>>) dst(%arg10 : memref<80x128xf32, #tpu.memory_space<vmem>>)
    %dma_start3A_56 = arith.constant 123 : i32
    %dma_start3A_57 = arith.constant 0 : i32
    %dma_start3A_58 = tpu.memref_slice %arg8[%dma_start3A_56, %dma_start3A_57] : memref<125x80xi32, #tpu.memory_space<vmem>> -> memref<1x80xi32, #tpu.memory_space<vmem>>
    %dma_start3A_59 = tpu.memref_squeeze %dma_start3A_58 : memref<1x80xi32, #tpu.memory_space<vmem>> -> memref<80xi32, #tpu.memory_space<vmem>>
    %dma_start3A_60 = arith.constant 0 : i32
    %dma_start3A_61 = arith.constant 0 : i32
    %dma_start3A_62 = tpu.memref_slice %arg11[%dma_start3A_60, %dma_start3A_61] : memref<10000x128xf32, #tpu.memory_space<vmem_shared>> -> memref<10000x128xf32, #tpu.memory_space<vmem_shared>>
    tpu.enqueue_indirect_dma source(%arg10 : memref<80x128xf32, #tpu.memory_space<vmem>>) target(%dma_start3A_62 : memref<10000x128xf32, #tpu.memory_space<vmem_shared>>) offsets(%dma_start3A_59 : memref<80xi32, #tpu.memory_space<vmem>>) semaphore(%arg15 : memref<!tpu.dma_semaphore, #tpu.memory_space<semaphore_mem>>) {add = true}
    %dma_wait3A_63 = arith.constant 123 : i32
    %dma_wait3A_64 = arith.constant 0 : i32
    %dma_wait3A_65 = tpu.memref_slice %arg8[%dma_wait3A_63, %dma_wait3A_64] : memref<125x80xi32, #tpu.memory_space<vmem>> -> memref<1x80xi32, #tpu.memory_space<vmem>>
    %dma_wait3A_66 = tpu.memref_squeeze %dma_wait3A_65 : memref<1x80xi32, #tpu.memory_space<vmem>> -> memref<80xi32, #tpu.memory_space<vmem>>
    %dma_wait3A_67 = arith.constant 0 : i32
    %dma_wait3A_68 = arith.constant 0 : i32
    %dma_wait3A_69 = tpu.memref_slice %arg11[%dma_wait3A_67, %dma_wait3A_68] : memref<10000x128xf32, #tpu.memory_space<vmem_shared>> -> memref<10000x128xf32, #tpu.memory_space<vmem_shared>>
    tpu.wait_indirect_dma semaphore(%arg15 : memref<!tpu.dma_semaphore, #tpu.memory_space<semaphore_mem>>) src(%arg10 : memref<80x128xf32, #tpu.memory_space<vmem>>) dst(%dma_wait3A_69 : memref<10000x128xf32, #tpu.memory_space<vmem_shared>>)
    %dma_wait3A_70 = arith.constant 124 : i32
    %dma_wait3A_71 = arith.constant 0 : i32
    %dma_wait3A_72 = tpu.memref_slice %arg7[%dma_wait3A_70, %dma_wait3A_71] : memref<125x80xi32, #tpu.memory_space<vmem>> -> memref<1x80xi32, #tpu.memory_space<vmem>>
    %dma_wait3A_73 = tpu.memref_squeeze %dma_wait3A_72 : memref<1x80xi32, #tpu.memory_space<vmem>> -> memref<80xi32, #tpu.memory_space<vmem>>
    %dma_wait3A_74 = arith.constant 0 : i32
    %dma_wait3A_75 = arith.constant 0 : i32
    %dma_wait3A_76 = tpu.memref_slice %arg2[%dma_wait3A_74, %dma_wait3A_75] : memref<10000x128xf32, #tpu.memory_space<hbm>> -> memref<10000x128xf32, #tpu.memory_space<hbm>>
    tpu.wait_indirect_dma semaphore(%arg12 : memref<!tpu.dma_semaphore, #tpu.memory_space<semaphore_mem>>) src(%dma_wait3A_76 : memref<10000x128xf32, #tpu.memory_space<hbm>>) dst(%arg9 : memref<80x128xf32, #tpu.memory_space<vmem>>)
    %dma_start3A_77 = arith.constant 124 : i32
    %dma_start3A_78 = arith.constant 0 : i32
    %dma_start3A_79 = tpu.memref_slice %arg8[%dma_start3A_77, %dma_start3A_78] : memref<125x80xi32, #tpu.memory_space<vmem>> -> memref<1x80xi32, #tpu.memory_space<vmem>>
    %dma_start3A_80 = tpu.memref_squeeze %dma_start3A_79 : memref<1x80xi32, #tpu.memory_space<vmem>> -> memref<80xi32, #tpu.memory_space<vmem>>
    %dma_start3A_81 = arith.constant 0 : i32
    %dma_start3A_82 = arith.constant 0 : i32
    %dma_start3A_83 = tpu.memref_slice %arg11[%dma_start3A_81, %dma_start3A_82] : memref<10000x128xf32, #tpu.memory_space<vmem_shared>> -> memref<10000x128xf32, #tpu.memory_space<vmem_shared>>
    tpu.enqueue_indirect_dma source(%arg9 : memref<80x128xf32, #tpu.memory_space<vmem>>) target(%dma_start3A_83 : memref<10000x128xf32, #tpu.memory_space<vmem_shared>>) offsets(%dma_start3A_80 : memref<80xi32, #tpu.memory_space<vmem>>) semaphore(%arg14 : memref<!tpu.dma_semaphore, #tpu.memory_space<semaphore_mem>>) {add = true}
    %dma_wait3A_84 = arith.constant 124 : i32
    %dma_wait3A_85 = arith.constant 0 : i32
    %dma_wait3A_86 = tpu.memref_slice %arg8[%dma_wait3A_84, %dma_wait3A_85] : memref<125x80xi32, #tpu.memory_space<vmem>> -> memref<1x80xi32, #tpu.memory_space<vmem>>
    %dma_wait3A_87 = tpu.memref_squeeze %dma_wait3A_86 : memref<1x80xi32, #tpu.memory_space<vmem>> -> memref<80xi32, #tpu.memory_space<vmem>>
    %dma_wait3A_88 = arith.constant 0 : i32
    %dma_wait3A_89 = arith.constant 0 : i32
    %dma_wait3A_90 = tpu.memref_slice %arg11[%dma_wait3A_88, %dma_wait3A_89] : memref<10000x128xf32, #tpu.memory_space<vmem_shared>> -> memref<10000x128xf32, #tpu.memory_space<vmem_shared>>
    tpu.wait_indirect_dma semaphore(%arg14 : memref<!tpu.dma_semaphore, #tpu.memory_space<semaphore_mem>>) src(%arg9 : memref<80x128xf32, #tpu.memory_space<vmem>>) dst(%dma_wait3A_90 : memref<10000x128xf32, #tpu.memory_space<vmem_shared>>)
    %barrier3A_91 = arith.constant 0 : index
    tpu.barrier barrier_id(%barrier3A_91)
    %mul3A_92 = arith.constant 625 : i32
    %mul3A_93 = arith.muli %arg1, %mul3A_92 : i32
    %mul3A_94 = arith.constant 625 : i32
    %mul3A_95 = arith.muli %arg1, %mul3A_94 : i32
    "tpu.region"() ({
      %run_scoped3A = tpu.sem_alloc : memref<!tpu.dma_semaphore, #tpu.memory_space<semaphore_mem>>
      %dma_start3A_96 = arith.constant 0 : i32
      %dma_start3A_97 = arith.constant 0 : i32
      %dma_start3A_98 = tpu.memref_slice %arg6[%arg0, %dma_start3A_96, %dma_start3A_97] : memref<2x10000x128xf32, #tpu.memory_space<hbm>> -> memref<1x10000x128xf32, #tpu.memory_space<hbm>>
      %dma_start3A_99 = tpu.memref_squeeze %dma_start3A_98 : memref<1x10000x128xf32, #tpu.memory_space<hbm>> -> memref<10000x128xf32, #tpu.memory_space<hbm>>
      %dma_start3A_100 = arith.constant 0 : i32
      %dma_start3A_101 = tpu.memref_slice %dma_start3A_99[%mul3A_95, %dma_start3A_100] : memref<10000x128xf32, #tpu.memory_space<hbm>> -> memref<625x128xf32, #tpu.memory_space<hbm>>
      %dma_start3A_102 = arith.constant 0 : i32
      %dma_start3A_103 = tpu.memref_slice %arg11[%mul3A_93, %dma_start3A_102] : memref<10000x128xf32, #tpu.memory_space<vmem_shared>> -> memref<625x128xf32, #tpu.memory_space<vmem_shared>>
      tpu.enqueue_dma source(%dma_start3A_103 : memref<625x128xf32, #tpu.memory_space<vmem_shared>>) target(%dma_start3A_101 : memref<625x128xf32, #tpu.memory_space<hbm>>) target_semaphore(%run_scoped3A : memref<!tpu.dma_semaphore, #tpu.memory_space<semaphore_mem>>)
      %dma_wait3A_104 = arith.constant 0 : i32
      %dma_wait3A_105 = arith.constant 0 : i32
      %dma_wait3A_106 = tpu.memref_slice %arg6[%arg0, %dma_wait3A_104, %dma_wait3A_105] : memref<2x10000x128xf32, #tpu.memory_space<hbm>> -> memref<1x10000x128xf32, #tpu.memory_space<hbm>>
      %dma_wait3A_107 = tpu.memref_squeeze %dma_wait3A_106 : memref<1x10000x128xf32, #tpu.memory_space<hbm>> -> memref<10000x128xf32, #tpu.memory_space<hbm>>
      %dma_wait3A_108 = arith.constant 0 : i32
      %dma_wait3A_109 = tpu.memref_slice %dma_wait3A_107[%mul3A_95, %dma_wait3A_108] : memref<10000x128xf32, #tpu.memory_space<hbm>> -> memref<625x128xf32, #tpu.memory_space<hbm>>
      %dma_wait3A_110 = arith.constant 0 : i32
      %dma_wait3A_111 = tpu.memref_slice %arg11[%mul3A_93, %dma_wait3A_110] : memref<10000x128xf32, #tpu.memory_space<vmem_shared>> -> memref<625x128xf32, #tpu.memory_space<vmem_shared>>
      tpu.wait_dma2 semaphore(%run_scoped3A : memref<!tpu.dma_semaphore, #tpu.memory_space<semaphore_mem>>) src(%dma_wait3A_111 : memref<625x128xf32, #tpu.memory_space<vmem_shared>>) dst(%dma_wait3A_109 : memref<625x128xf32, #tpu.memory_space<hbm>>)
      tpu.yield
    }) : () -> ()
    return
  }
}

module attributes {stable_mosaic.version = 14 : i64} {
  func.func @body(%arg0: i32, %arg1: memref<2x1000x16xf32, #tpu.memory_space<vmem>>, %arg2: memref<1000x128xf32, #tpu.memory_space<vmem>>, %arg3: memref<1000x1xf32, #tpu.memory_space<vmem>>, %arg4: memref<1000x128xf32, #tpu.memory_space<vmem>>) attributes {dimension_semantics = [#tpu.dimension_semantics<arbitrary>], iteration_bounds = array<i64: 10>, scalar_prefetch = 0 : i64, scratch_operands = 0 : i64, tpu.core_type = #tpu.core_type<tc>, window_params = [{transform_indices = @transform_0, window_bounds = array<i64: 2, 1000, 16>}, {transform_indices = @transform_1, window_bounds = array<i64: 1000, 128>}, {transform_indices = @transform_2, window_bounds = array<i64: 1000, 1>}, {transform_indices = @transform_3, window_bounds = array<i64: 1000, 128>}]} {
    %get3A = arith.constant 0 : index
    %get3A_0 = arith.constant 0 : index
    %get3A_1 = arith.constant 0 : index
    %get3A_2 = vector.load %arg1[%get3A, %get3A_0, %get3A_1] : memref<2x1000x16xf32, #tpu.memory_space<vmem>>, vector<1x1000x1xf32>
    %get3A_3 = vector.shape_cast %get3A_2 : vector<1x1000x1xf32> to vector<1000x1xf32>
    %get3A_4 = arith.constant 1 : index
    %get3A_5 = arith.constant 0 : index
    %get3A_6 = arith.constant 0 : index
    %get3A_7 = vector.load %arg1[%get3A_4, %get3A_5, %get3A_6] : memref<2x1000x16xf32, #tpu.memory_space<vmem>>, vector<1x1000x1xf32>
    %get3A_8 = vector.shape_cast %get3A_7 : vector<1x1000x1xf32> to vector<1000x1xf32>
    %add3A = arith.addf %get3A_3, %get3A_8 : vector<1000x1xf32>
    %add3A_9 = arith.constant 1.000000e+00 : f32
    %add3A_10 = vector.broadcast %add3A_9 : f32 to vector<1000x1xf32>
    %add3A_11 = arith.addf %add3A, %add3A_10 : vector<1000x1xf32>
    %rsqrt3A = math.rsqrt %add3A_11 : vector<1000x1xf32>
    %swap3A = arith.constant 0 : index
    %swap3A_12 = arith.constant 0 : index
    %swap3A_13 = vector.load %arg3[%swap3A, %swap3A_12] : memref<1000x1xf32, #tpu.memory_space<vmem>>, vector<1000x1xf32>
    tpu.vector_store %arg3[%swap3A, %swap3A_12], %rsqrt3A {strides = array<i32>} : memref<1000x1xf32, #tpu.memory_space<vmem>>, vector<1000x1xf32>,
    %get3A_14 = arith.constant 0 : index
    %get3A_15 = arith.constant 0 : index
    %get3A_16 = vector.load %arg2[%get3A_14, %get3A_15] : memref<1000x128xf32, #tpu.memory_space<vmem>>, vector<1000x128xf32>
    %mul3A = vector.broadcast %rsqrt3A : vector<1000x1xf32> to vector<1000x128xf32>
    %mul3A_17 = arith.mulf %get3A_16, %mul3A : vector<1000x128xf32>
    %swap3A_18 = arith.constant 0 : index
    %swap3A_19 = arith.constant 0 : index
    %swap3A_20 = vector.load %arg4[%swap3A_18, %swap3A_19] : memref<1000x128xf32, #tpu.memory_space<vmem>>, vector<1000x128xf32>
    tpu.vector_store %arg4[%swap3A_18, %swap3A_19], %mul3A_17 {strides = array<i32>} : memref<1000x128xf32, #tpu.memory_space<vmem>>, vector<1000x128xf32>,
    return
  }
  func.func @transform_0(%arg0: i32) -> (i32, i32, i32) {
    %c0_i32 = arith.constant 0 : i32
    %c0_i32_0 = arith.constant 0 : i32
    %c0_i32_1 = arith.constant 0 : i32
    return %c0_i32, %arg0, %c0_i32_0 : i32, i32, i32
  }
  func.func @transform_1(%arg0: i32) -> (i32, i32) {
    %c0_i32 = arith.constant 0 : i32
    %c0_i32_0 = arith.constant 0 : i32
    return %arg0, %c0_i32 : i32, i32
  }
  func.func @transform_2(%arg0: i32) -> (i32, i32) {
    %c0_i32 = arith.constant 0 : i32
    %c0_i32_0 = arith.constant 0 : i32
    return %arg0, %c0_i32 : i32, i32
  }
  func.func @transform_3(%arg0: i32) -> (i32, i32) {
    %c0_i32 = arith.constant 0 : i32
    %c0_i32_0 = arith.constant 0 : i32
    return %arg0, %c0_i32 : i32, i32
  }
}

module attributes {stable_mosaic.version = 14 : i64} {
  func.func @body(%arg0: i32, %arg1: memref<2x1000x128xf32, #tpu.memory_space<vmem>>, %arg2: memref<1000x128xf32, #tpu.memory_space<vmem>>, %arg3: memref<1000x1xf32, #tpu.memory_space<vmem>>, %arg4: memref<128x256xf32, #tpu.memory_space<vmem>>, %arg5: memref<256xf32, #tpu.memory_space<vmem>>, %arg6: memref<256x128xf32, #tpu.memory_space<vmem>>, %arg7: memref<1000x128xf32, #tpu.memory_space<vmem>>) attributes {dimension_semantics = [#tpu.dimension_semantics<arbitrary>], iteration_bounds = array<i64: 10>, scalar_prefetch = 0 : i64, scratch_operands = 0 : i64, tpu.core_type = #tpu.core_type<tc>, window_params = [{transform_indices = @transform_0, window_bounds = array<i64: 2, 1000, 128>}, {transform_indices = @transform_1, window_bounds = array<i64: 1000, 128>}, {transform_indices = @transform_2, window_bounds = array<i64: 1000, 1>}, {pipeline_mode = #tpu.pipeline_mode<synchronous>, transform_indices = @transform_3, window_bounds = array<i64: 128, 256>}, {pipeline_mode = #tpu.pipeline_mode<synchronous>, transform_indices = @transform_4, window_bounds = array<i64: 256>}, {pipeline_mode = #tpu.pipeline_mode<synchronous>, transform_indices = @transform_5, window_bounds = array<i64: 256, 128>}, {transform_indices = @transform_6, window_bounds = array<i64: 1000, 128>}]} {
    %get3A = arith.constant 0 : index
    %get3A_0 = arith.constant 0 : index
    %get3A_1 = arith.constant 0 : index
    %get3A_2 = vector.load %arg1[%get3A, %get3A_0, %get3A_1] : memref<2x1000x128xf32, #tpu.memory_space<vmem>>, vector<1x1000x128xf32>
    %get3A_3 = vector.shape_cast %get3A_2 : vector<1x1000x128xf32> to vector<1000x128xf32>
    %get3A_4 = arith.constant 1 : index
    %get3A_5 = arith.constant 0 : index
    %get3A_6 = arith.constant 0 : index
    %get3A_7 = vector.load %arg1[%get3A_4, %get3A_5, %get3A_6] : memref<2x1000x128xf32, #tpu.memory_space<vmem>>, vector<1x1000x128xf32>
    %get3A_8 = vector.shape_cast %get3A_7 : vector<1x1000x128xf32> to vector<1000x128xf32>
    %add3A = arith.addf %get3A_3, %get3A_8 : vector<1000x128xf32>
    %get3A_9 = arith.constant 0 : index
    %get3A_10 = arith.constant 0 : index
    %get3A_11 = vector.load %arg2[%get3A_9, %get3A_10] : memref<1000x128xf32, #tpu.memory_space<vmem>>, vector<1000x128xf32>
    %add3A_12 = arith.addf %add3A, %get3A_11 : vector<1000x128xf32>
    %get3A_13 = arith.constant 0 : index
    %get3A_14 = arith.constant 0 : index
    %get3A_15 = vector.load %arg3[%get3A_13, %get3A_14] : memref<1000x1xf32, #tpu.memory_space<vmem>>, vector<1000x1xf32>
    %mul3A = vector.broadcast %get3A_15 : vector<1000x1xf32> to vector<1000x128xf32>
    %mul3A_16 = arith.mulf %add3A_12, %mul3A : vector<1000x128xf32>
    %get3A_17 = arith.constant 0 : index
    %get3A_18 = arith.constant 0 : index
    %get3A_19 = vector.load %arg4[%get3A_17, %get3A_18] : memref<128x256xf32, #tpu.memory_space<vmem>>, vector<128x256xf32>
    %dot_general3A = arith.constant dense<0.000000e+00> : vector<1000x256xf32>
    %dot_general3A_20 = tpu.matmul %mul3A_16, %get3A_19, %dot_general3A {dimension_numbers = #tpu.dot_dimension_numbers<[1], [0], [0], [1], [0, 0, 1, 1], [], []>, transpose_lhs_hint = false} : vector<1000x128xf32>, vector<128x256xf32>, vector<1000x256xf32> -> vector<1000x256xf32>
    %get3A_21 = arith.constant 0 : index
    %get3A_22 = vector.load %arg5[%get3A_21] : memref<256xf32, #tpu.memory_space<vmem>>, vector<256xf32>
    %broadcast_in_dim3A = vector.shape_cast %get3A_22 : vector<256xf32> to vector<1x256xf32>
    %add3A_23 = vector.broadcast %broadcast_in_dim3A : vector<1x256xf32> to vector<1000x256xf32>
    %add3A_24 = arith.addf %dot_general3A_20, %add3A_23 : vector<1000x256xf32>
    %max3A = arith.constant 0.000000e+00 : f32
    %max3A_25 = vector.broadcast %max3A : f32 to vector<1000x256xf32>
    %max3A_26 = arith.maximumf %add3A_24, %max3A_25 : vector<1000x256xf32>
    %get3A_27 = arith.constant 0 : index
    %get3A_28 = arith.constant 0 : index
    %get3A_29 = vector.load %arg6[%get3A_27, %get3A_28] : memref<256x128xf32, #tpu.memory_space<vmem>>, vector<256x128xf32>
    %dot_general3A_30 = arith.constant dense<0.000000e+00> : vector<1000x128xf32>
    %dot_general3A_31 = tpu.matmul %max3A_26, %get3A_29, %dot_general3A_30 {dimension_numbers = #tpu.dot_dimension_numbers<[1], [0], [0], [1], [0, 0, 1, 1], [], []>, transpose_lhs_hint = false} : vector<1000x256xf32>, vector<256x128xf32>, vector<1000x128xf32> -> vector<1000x128xf32>
    %get3A_32 = arith.constant 0 : index
    %get3A_33 = arith.constant 0 : index
    %get3A_34 = vector.load %arg3[%get3A_32, %get3A_33] : memref<1000x1xf32, #tpu.memory_space<vmem>>, vector<1000x1xf32>
    %mul3A_35 = vector.broadcast %get3A_34 : vector<1000x1xf32> to vector<1000x128xf32>
    %mul3A_36 = arith.mulf %dot_general3A_31, %mul3A_35 : vector<1000x128xf32>
    %swap3A = arith.constant 0 : index
    %swap3A_37 = arith.constant 0 : index
    %swap3A_38 = vector.load %arg7[%swap3A, %swap3A_37] : memref<1000x128xf32, #tpu.memory_space<vmem>>, vector<1000x128xf32>
    tpu.vector_store %arg7[%swap3A, %swap3A_37], %mul3A_36 {strides = array<i32>} : memref<1000x128xf32, #tpu.memory_space<vmem>>, vector<1000x128xf32>,
    return
  }
  func.func @transform_0(%arg0: i32) -> (i32, i32, i32) {
    %c0_i32 = arith.constant 0 : i32
    %c0_i32_0 = arith.constant 0 : i32
    %c0_i32_1 = arith.constant 0 : i32
    return %c0_i32, %arg0, %c0_i32_0 : i32, i32, i32
  }
  func.func @transform_1(%arg0: i32) -> (i32, i32) {
    %c0_i32 = arith.constant 0 : i32
    %c0_i32_0 = arith.constant 0 : i32
    return %arg0, %c0_i32 : i32, i32
  }
  func.func @transform_2(%arg0: i32) -> (i32, i32) {
    %c0_i32 = arith.constant 0 : i32
    %c0_i32_0 = arith.constant 0 : i32
    return %arg0, %c0_i32 : i32, i32
  }
  func.func @transform_3(%arg0: i32) -> (i32, i32) {
    %c0_i32 = arith.constant 0 : i32
    %c0_i32_0 = arith.constant 0 : i32
    %c0_i32_1 = arith.constant 0 : i32
    return %c0_i32, %c0_i32_0 : i32, i32
  }
  func.func @transform_4(%arg0: i32) -> i32 {
    %c0_i32 = arith.constant 0 : i32
    %c0_i32_0 = arith.constant 0 : i32
    return %c0_i32 : i32
  }
  func.func @transform_5(%arg0: i32) -> (i32, i32) {
    %c0_i32 = arith.constant 0 : i32
    %c0_i32_0 = arith.constant 0 : i32
    %c0_i32_1 = arith.constant 0 : i32
    return %c0_i32, %c0_i32_0 : i32, i32
  }
  func.func @transform_6(%arg0: i32) -> (i32, i32) {
    %c0_i32 = arith.constant 0 : i32
    %c0_i32_0 = arith.constant 0 : i32
    return %arg0, %c0_i32 : i32, i32
  }
}

module attributes {stable_mosaic.version = 14 : i64} {
  func.func @body(%arg0: i32, %arg1: memref<2x1000x128xf32, #tpu.memory_space<vmem>>, %arg2: memref<1000x128xf32, #tpu.memory_space<vmem>>, %arg3: memref<1000x1xf32, #tpu.memory_space<vmem>>, %arg4: memref<128xf32, #tpu.memory_space<vmem>>, %arg5: memref<1000x64xf32, #tpu.memory_space<vmem>>, %arg6: memref<1000x64xf32, #tpu.memory_space<vmem>>, %arg7: memref<1000x64xf32, #tpu.memory_space<vmem>>, %arg8: memref<1000x64xf32, #tpu.memory_space<vmem>>) attributes {dimension_semantics = [#tpu.dimension_semantics<arbitrary>], iteration_bounds = array<i64: 10>, scalar_prefetch = 0 : i64, scratch_operands = 0 : i64, tpu.core_type = #tpu.core_type<tc>, window_params = [{transform_indices = @transform_0, window_bounds = array<i64: 2, 1000, 128>}, {transform_indices = @transform_1, window_bounds = array<i64: 1000, 128>}, {transform_indices = @transform_2, window_bounds = array<i64: 1000, 1>}, {pipeline_mode = #tpu.pipeline_mode<synchronous>, transform_indices = @transform_3, window_bounds = array<i64: 128>}, {transform_indices = @transform_4, window_bounds = array<i64: 1000, 64>}, {transform_indices = @transform_5, window_bounds = array<i64: 1000, 64>}, {transform_indices = @transform_6, window_bounds = array<i64: 1000, 64>}, {transform_indices = @transform_7, window_bounds = array<i64: 1000, 64>}]} {
    %get3A = arith.constant 0 : index
    %get3A_0 = arith.constant 0 : index
    %get3A_1 = arith.constant 0 : index
    %get3A_2 = vector.load %arg1[%get3A, %get3A_0, %get3A_1] : memref<2x1000x128xf32, #tpu.memory_space<vmem>>, vector<1x1000x128xf32>
    %get3A_3 = vector.shape_cast %get3A_2 : vector<1x1000x128xf32> to vector<1000x128xf32>
    %get3A_4 = arith.constant 1 : index
    %get3A_5 = arith.constant 0 : index
    %get3A_6 = arith.constant 0 : index
    %get3A_7 = vector.load %arg1[%get3A_4, %get3A_5, %get3A_6] : memref<2x1000x128xf32, #tpu.memory_space<vmem>>, vector<1x1000x128xf32>
    %get3A_8 = vector.shape_cast %get3A_7 : vector<1x1000x128xf32> to vector<1000x128xf32>
    %add3A = arith.addf %get3A_3, %get3A_8 : vector<1000x128xf32>
    %get3A_9 = arith.constant 0 : index
    %get3A_10 = arith.constant 0 : index
    %get3A_11 = vector.load %arg2[%get3A_9, %get3A_10] : memref<1000x128xf32, #tpu.memory_space<vmem>>, vector<1000x128xf32>
    %add3A_12 = arith.addf %add3A, %get3A_11 : vector<1000x128xf32>
    %get3A_13 = arith.constant 0 : index
    %get3A_14 = arith.constant 0 : index
    %get3A_15 = vector.load %arg3[%get3A_13, %get3A_14] : memref<1000x1xf32, #tpu.memory_space<vmem>>, vector<1000x1xf32>
    %mul3A = vector.broadcast %get3A_15 : vector<1000x1xf32> to vector<1000x128xf32>
    %mul3A_16 = arith.mulf %add3A_12, %mul3A : vector<1000x128xf32>
    %get3A_17 = arith.constant 0 : index
    %get3A_18 = vector.load %arg4[%get3A_17] : memref<128xf32, #tpu.memory_space<vmem>>, vector<128xf32>
    %broadcast_in_dim3A = vector.shape_cast %get3A_18 : vector<128xf32> to vector<1x128xf32>
    %add3A_19 = vector.broadcast %broadcast_in_dim3A : vector<1x128xf32> to vector<1000x128xf32>
    %add3A_20 = arith.addf %mul3A_16, %add3A_19 : vector<1000x128xf32>
    %slice3A = vector.extract_strided_slice %add3A_20 {offsets = [0, 0], sizes = [1000, 64], strides = [1, 1]} : vector<1000x128xf32> to vector<1000x64xf32>
    %slice3A_21 = vector.extract_strided_slice %add3A_20 {offsets = [0, 64], sizes = [1000, 64], strides = [1, 1]} : vector<1000x128xf32> to vector<1000x64xf32>
    %swap3A = arith.constant 0 : index
    %swap3A_22 = arith.constant 0 : index
    %swap3A_23 = vector.load %arg6[%swap3A, %swap3A_22] : memref<1000x64xf32, #tpu.memory_space<vmem>>, vector<1000x64xf32>
    tpu.vector_store %arg6[%swap3A, %swap3A_22], %slice3A {strides = array<i32>} : memref<1000x64xf32, #tpu.memory_space<vmem>>, vector<1000x64xf32>,
    %swap3A_24 = arith.constant 0 : index
    %swap3A_25 = arith.constant 0 : index
    %swap3A_26 = vector.load %arg7[%swap3A_24, %swap3A_25] : memref<1000x64xf32, #tpu.memory_space<vmem>>, vector<1000x64xf32>
    tpu.vector_store %arg7[%swap3A_24, %swap3A_25], %slice3A_21 {strides = array<i32>} : memref<1000x64xf32, #tpu.memory_space<vmem>>, vector<1000x64xf32>,
    %get3A_27 = arith.constant 0 : index
    %get3A_28 = arith.constant 0 : index
    %get3A_29 = vector.load %arg5[%get3A_27, %get3A_28] : memref<1000x64xf32, #tpu.memory_space<vmem>>, vector<1000x64xf32>
    %mul3A_30 = arith.constant 5.000000e-01 : f32
    %mul3A_31 = vector.broadcast %mul3A_30 : f32 to vector<1000x64xf32>
    %mul3A_32 = arith.mulf %mul3A_31, %slice3A_21 : vector<1000x64xf32>
    %exp3A = math.exp %mul3A_32 : vector<1000x64xf32>
    %mul3A_33 = arith.mulf %get3A_29, %exp3A : vector<1000x64xf32>
    %add3A_34 = arith.addf %slice3A, %mul3A_33 : vector<1000x64xf32>
    %get3A_35 = arith.constant 0 : index
    %get3A_36 = arith.constant 0 : index
    %get3A_37 = vector.load %arg3[%get3A_35, %get3A_36] : memref<1000x1xf32, #tpu.memory_space<vmem>>, vector<1000x1xf32>
    %mul3A_38 = vector.broadcast %get3A_37 : vector<1000x1xf32> to vector<1000x64xf32>
    %mul3A_39 = arith.mulf %add3A_34, %mul3A_38 : vector<1000x64xf32>
    %swap3A_40 = arith.constant 0 : index
    %swap3A_41 = arith.constant 0 : index
    %swap3A_42 = vector.load %arg8[%swap3A_40, %swap3A_41] : memref<1000x64xf32, #tpu.memory_space<vmem>>, vector<1000x64xf32>
    tpu.vector_store %arg8[%swap3A_40, %swap3A_41], %mul3A_39 {strides = array<i32>} : memref<1000x64xf32, #tpu.memory_space<vmem>>, vector<1000x64xf32>,
    return
  }
  func.func @transform_0(%arg0: i32) -> (i32, i32, i32) {
    %c0_i32 = arith.constant 0 : i32
    %c0_i32_0 = arith.constant 0 : i32
    %c0_i32_1 = arith.constant 0 : i32
    return %c0_i32, %arg0, %c0_i32_0 : i32, i32, i32
  }
  func.func @transform_1(%arg0: i32) -> (i32, i32) {
    %c0_i32 = arith.constant 0 : i32
    %c0_i32_0 = arith.constant 0 : i32
    return %arg0, %c0_i32 : i32, i32
  }
  func.func @transform_2(%arg0: i32) -> (i32, i32) {
    %c0_i32 = arith.constant 0 : i32
    %c0_i32_0 = arith.constant 0 : i32
    return %arg0, %c0_i32 : i32, i32
  }
  func.func @transform_3(%arg0: i32) -> i32 {
    %c0_i32 = arith.constant 0 : i32
    %c0_i32_0 = arith.constant 0 : i32
    return %c0_i32 : i32
  }
  func.func @transform_4(%arg0: i32) -> (i32, i32) {
    %c0_i32 = arith.constant 0 : i32
    %c0_i32_0 = arith.constant 0 : i32
    return %arg0, %c0_i32 : i32, i32
  }
  func.func @transform_5(%arg0: i32) -> (i32, i32) {
    %c0_i32 = arith.constant 0 : i32
    %c0_i32_0 = arith.constant 0 : i32
    return %arg0, %c0_i32 : i32, i32
  }
  func.func @transform_6(%arg0: i32) -> (i32, i32) {
    %c0_i32 = arith.constant 0 : i32
    %c0_i32_0 = arith.constant 0 : i32
    return %arg0, %c0_i32 : i32, i32
  }
  func.func @transform_7(%arg0: i32) -> (i32, i32) {
    %c0_i32 = arith.constant 0 : i32
    %c0_i32_0 = arith.constant 0 : i32
    return %arg0, %c0_i32 : i32, i32
  }
}

module attributes {stable_mosaic.version = 14 : i64} {
  func.func @body(%arg0: i32, %arg1: memref<2x1000x64xf32, #tpu.memory_space<vmem>>, %arg2: memref<1000x64xf32, #tpu.memory_space<vmem>>, %arg3: memref<1000x1xf32, #tpu.memory_space<vmem>>, %arg4: memref<64x256xf32, #tpu.memory_space<vmem>>, %arg5: memref<256xf32, #tpu.memory_space<vmem>>, %arg6: memref<256x128xf32, #tpu.memory_space<vmem>>, %arg7: memref<1000x128xf32, #tpu.memory_space<vmem>>) attributes {dimension_semantics = [#tpu.dimension_semantics<arbitrary>], iteration_bounds = array<i64: 10>, scalar_prefetch = 0 : i64, scratch_operands = 0 : i64, tpu.core_type = #tpu.core_type<tc>, window_params = [{transform_indices = @transform_0, window_bounds = array<i64: 2, 1000, 64>}, {transform_indices = @transform_1, window_bounds = array<i64: 1000, 64>}, {transform_indices = @transform_2, window_bounds = array<i64: 1000, 1>}, {pipeline_mode = #tpu.pipeline_mode<synchronous>, transform_indices = @transform_3, window_bounds = array<i64: 64, 256>}, {pipeline_mode = #tpu.pipeline_mode<synchronous>, transform_indices = @transform_4, window_bounds = array<i64: 256>}, {pipeline_mode = #tpu.pipeline_mode<synchronous>, transform_indices = @transform_5, window_bounds = array<i64: 256, 128>}, {transform_indices = @transform_6, window_bounds = array<i64: 1000, 128>}]} {
    %get3A = arith.constant 0 : index
    %get3A_0 = arith.constant 0 : index
    %get3A_1 = arith.constant 0 : index
    %get3A_2 = vector.load %arg1[%get3A, %get3A_0, %get3A_1] : memref<2x1000x64xf32, #tpu.memory_space<vmem>>, vector<1x1000x64xf32>
    %get3A_3 = vector.shape_cast %get3A_2 : vector<1x1000x64xf32> to vector<1000x64xf32>
    %get3A_4 = arith.constant 1 : index
    %get3A_5 = arith.constant 0 : index
    %get3A_6 = arith.constant 0 : index
    %get3A_7 = vector.load %arg1[%get3A_4, %get3A_5, %get3A_6] : memref<2x1000x64xf32, #tpu.memory_space<vmem>>, vector<1x1000x64xf32>
    %get3A_8 = vector.shape_cast %get3A_7 : vector<1x1000x64xf32> to vector<1000x64xf32>
    %add3A = arith.addf %get3A_3, %get3A_8 : vector<1000x64xf32>
    %get3A_9 = arith.constant 0 : index
    %get3A_10 = arith.constant 0 : index
    %get3A_11 = vector.load %arg2[%get3A_9, %get3A_10] : memref<1000x64xf32, #tpu.memory_space<vmem>>, vector<1000x64xf32>
    %add3A_12 = arith.addf %add3A, %get3A_11 : vector<1000x64xf32>
    %get3A_13 = arith.constant 0 : index
    %get3A_14 = arith.constant 0 : index
    %get3A_15 = vector.load %arg3[%get3A_13, %get3A_14] : memref<1000x1xf32, #tpu.memory_space<vmem>>, vector<1000x1xf32>
    %mul3A = vector.broadcast %get3A_15 : vector<1000x1xf32> to vector<1000x64xf32>
    %mul3A_16 = arith.mulf %add3A_12, %mul3A : vector<1000x64xf32>
    %get3A_17 = arith.constant 0 : index
    %get3A_18 = arith.constant 0 : index
    %get3A_19 = vector.load %arg4[%get3A_17, %get3A_18] : memref<64x256xf32, #tpu.memory_space<vmem>>, vector<64x256xf32>
    %dot_general3A = arith.constant dense<0.000000e+00> : vector<1000x256xf32>
    %dot_general3A_20 = tpu.matmul %mul3A_16, %get3A_19, %dot_general3A {dimension_numbers = #tpu.dot_dimension_numbers<[1], [0], [0], [1], [0, 0, 1, 1], [], []>, transpose_lhs_hint = false} : vector<1000x64xf32>, vector<64x256xf32>, vector<1000x256xf32> -> vector<1000x256xf32>
    %get3A_21 = arith.constant 0 : index
    %get3A_22 = vector.load %arg5[%get3A_21] : memref<256xf32, #tpu.memory_space<vmem>>, vector<256xf32>
    %broadcast_in_dim3A = vector.shape_cast %get3A_22 : vector<256xf32> to vector<1x256xf32>
    %add3A_23 = vector.broadcast %broadcast_in_dim3A : vector<1x256xf32> to vector<1000x256xf32>
    %add3A_24 = arith.addf %dot_general3A_20, %add3A_23 : vector<1000x256xf32>
    %max3A = arith.constant 0.000000e+00 : f32
    %max3A_25 = vector.broadcast %max3A : f32 to vector<1000x256xf32>
    %max3A_26 = arith.maximumf %add3A_24, %max3A_25 : vector<1000x256xf32>
    %get3A_27 = arith.constant 0 : index
    %get3A_28 = arith.constant 0 : index
    %get3A_29 = vector.load %arg6[%get3A_27, %get3A_28] : memref<256x128xf32, #tpu.memory_space<vmem>>, vector<256x128xf32>
    %dot_general3A_30 = arith.constant dense<0.000000e+00> : vector<1000x128xf32>
    %dot_general3A_31 = tpu.matmul %max3A_26, %get3A_29, %dot_general3A_30 {dimension_numbers = #tpu.dot_dimension_numbers<[1], [0], [0], [1], [0, 0, 1, 1], [], []>, transpose_lhs_hint = false} : vector<1000x256xf32>, vector<256x128xf32>, vector<1000x128xf32> -> vector<1000x128xf32>
    %get3A_32 = arith.constant 0 : index
    %get3A_33 = arith.constant 0 : index
    %get3A_34 = vector.load %arg3[%get3A_32, %get3A_33] : memref<1000x1xf32, #tpu.memory_space<vmem>>, vector<1000x1xf32>
    %mul3A_35 = vector.broadcast %get3A_34 : vector<1000x1xf32> to vector<1000x128xf32>
    %mul3A_36 = arith.mulf %dot_general3A_31, %mul3A_35 : vector<1000x128xf32>
    %swap3A = arith.constant 0 : index
    %swap3A_37 = arith.constant 0 : index
    %swap3A_38 = vector.load %arg7[%swap3A, %swap3A_37] : memref<1000x128xf32, #tpu.memory_space<vmem>>, vector<1000x128xf32>
    tpu.vector_store %arg7[%swap3A, %swap3A_37], %mul3A_36 {strides = array<i32>} : memref<1000x128xf32, #tpu.memory_space<vmem>>, vector<1000x128xf32>,
    return
  }
  func.func @transform_0(%arg0: i32) -> (i32, i32, i32) {
    %c0_i32 = arith.constant 0 : i32
    %c0_i32_0 = arith.constant 0 : i32
    %c0_i32_1 = arith.constant 0 : i32
    return %c0_i32, %arg0, %c0_i32_0 : i32, i32, i32
  }
  func.func @transform_1(%arg0: i32) -> (i32, i32) {
    %c0_i32 = arith.constant 0 : i32
    %c0_i32_0 = arith.constant 0 : i32
    return %arg0, %c0_i32 : i32, i32
  }
  func.func @transform_2(%arg0: i32) -> (i32, i32) {
    %c0_i32 = arith.constant 0 : i32
    %c0_i32_0 = arith.constant 0 : i32
    return %arg0, %c0_i32 : i32, i32
  }
  func.func @transform_3(%arg0: i32) -> (i32, i32) {
    %c0_i32 = arith.constant 0 : i32
    %c0_i32_0 = arith.constant 0 : i32
    %c0_i32_1 = arith.constant 0 : i32
    return %c0_i32, %c0_i32_0 : i32, i32
  }
  func.func @transform_4(%arg0: i32) -> i32 {
    %c0_i32 = arith.constant 0 : i32
    %c0_i32_0 = arith.constant 0 : i32
    return %c0_i32 : i32
  }
  func.func @transform_5(%arg0: i32) -> (i32, i32) {
    %c0_i32 = arith.constant 0 : i32
    %c0_i32_0 = arith.constant 0 : i32
    %c0_i32_1 = arith.constant 0 : i32
    return %c0_i32, %c0_i32_0 : i32, i32
  }
  func.func @transform_6(%arg0: i32) -> (i32, i32) {
    %c0_i32 = arith.constant 0 : i32
    %c0_i32_0 = arith.constant 0 : i32
    return %arg0, %c0_i32 : i32, i32
  }
}

module attributes {stable_mosaic.version = 14 : i64} {
  func.func @body(%arg0: i32, %arg1: memref<2x1000x128xf32, #tpu.memory_space<vmem>>, %arg2: memref<1000x128xf32, #tpu.memory_space<vmem>>, %arg3: memref<1000x1xf32, #tpu.memory_space<vmem>>, %arg4: memref<128xf32, #tpu.memory_space<vmem>>, %arg5: memref<1000x128xf32, #tpu.memory_space<vmem>>) attributes {dimension_semantics = [#tpu.dimension_semantics<arbitrary>], iteration_bounds = array<i64: 10>, scalar_prefetch = 0 : i64, scratch_operands = 0 : i64, tpu.core_type = #tpu.core_type<tc>, window_params = [{transform_indices = @transform_0, window_bounds = array<i64: 2, 1000, 128>}, {transform_indices = @transform_1, window_bounds = array<i64: 1000, 128>}, {transform_indices = @transform_2, window_bounds = array<i64: 1000, 1>}, {pipeline_mode = #tpu.pipeline_mode<synchronous>, transform_indices = @transform_3, window_bounds = array<i64: 128>}, {transform_indices = @transform_4, window_bounds = array<i64: 1000, 128>}]} {
    %get3A = arith.constant 0 : index
    %get3A_0 = arith.constant 0 : index
    %get3A_1 = arith.constant 0 : index
    %get3A_2 = vector.load %arg1[%get3A, %get3A_0, %get3A_1] : memref<2x1000x128xf32, #tpu.memory_space<vmem>>, vector<1x1000x128xf32>
    %get3A_3 = vector.shape_cast %get3A_2 : vector<1x1000x128xf32> to vector<1000x128xf32>
    %get3A_4 = arith.constant 1 : index
    %get3A_5 = arith.constant 0 : index
    %get3A_6 = arith.constant 0 : index
    %get3A_7 = vector.load %arg1[%get3A_4, %get3A_5, %get3A_6] : memref<2x1000x128xf32, #tpu.memory_space<vmem>>, vector<1x1000x128xf32>
    %get3A_8 = vector.shape_cast %get3A_7 : vector<1x1000x128xf32> to vector<1000x128xf32>
    %add3A = arith.addf %get3A_3, %get3A_8 : vector<1000x128xf32>
    %get3A_9 = arith.constant 0 : index
    %get3A_10 = arith.constant 0 : index
    %get3A_11 = vector.load %arg2[%get3A_9, %get3A_10] : memref<1000x128xf32, #tpu.memory_space<vmem>>, vector<1000x128xf32>
    %add3A_12 = arith.addf %add3A, %get3A_11 : vector<1000x128xf32>
    %get3A_13 = arith.constant 0 : index
    %get3A_14 = arith.constant 0 : index
    %get3A_15 = vector.load %arg3[%get3A_13, %get3A_14] : memref<1000x1xf32, #tpu.memory_space<vmem>>, vector<1000x1xf32>
    %mul3A = vector.broadcast %get3A_15 : vector<1000x1xf32> to vector<1000x128xf32>
    %mul3A_16 = arith.mulf %add3A_12, %mul3A : vector<1000x128xf32>
    %get3A_17 = arith.constant 0 : index
    %get3A_18 = vector.load %arg4[%get3A_17] : memref<128xf32, #tpu.memory_space<vmem>>, vector<128xf32>
    %broadcast_in_dim3A = vector.shape_cast %get3A_18 : vector<128xf32> to vector<1x128xf32>
    %add3A_19 = vector.broadcast %broadcast_in_dim3A : vector<1x128xf32> to vector<1000x128xf32>
    %add3A_20 = arith.addf %mul3A_16, %add3A_19 : vector<1000x128xf32>
    %swap3A = arith.constant 0 : index
    %swap3A_21 = arith.constant 0 : index
    %swap3A_22 = vector.load %arg5[%swap3A, %swap3A_21] : memref<1000x128xf32, #tpu.memory_space<vmem>>, vector<1000x128xf32>
    tpu.vector_store %arg5[%swap3A, %swap3A_21], %add3A_20 {strides = array<i32>} : memref<1000x128xf32, #tpu.memory_space<vmem>>, vector<1000x128xf32>,
    return
  }
  func.func @transform_0(%arg0: i32) -> (i32, i32, i32) {
    %c0_i32 = arith.constant 0 : i32
    %c0_i32_0 = arith.constant 0 : i32
    %c0_i32_1 = arith.constant 0 : i32
    return %c0_i32, %arg0, %c0_i32_0 : i32, i32, i32
  }
  func.func @transform_1(%arg0: i32) -> (i32, i32) {
    %c0_i32 = arith.constant 0 : i32
    %c0_i32_0 = arith.constant 0 : i32
    return %arg0, %c0_i32 : i32, i32
  }
  func.func @transform_2(%arg0: i32) -> (i32, i32) {
    %c0_i32 = arith.constant 0 : i32
    %c0_i32_0 = arith.constant 0 : i32
    return %arg0, %c0_i32 : i32, i32
  }
  func.func @transform_3(%arg0: i32) -> i32 {
    %c0_i32 = arith.constant 0 : i32
    %c0_i32_0 = arith.constant 0 : i32
    return %c0_i32 : i32
  }
  func.func @transform_4(%arg0: i32) -> (i32, i32) {
    %c0_i32 = arith.constant 0 : i32
    %c0_i32_0 = arith.constant 0 : i32
    return %arg0, %c0_i32 : i32, i32
  }
}

</mosaic_0001>

<sc_bundles>
// kernel: kernel.12.cloned.1.call-start
scs
__scs_entry_jumppad:
0x0: {  	(pc) =	sbr.rel $0x88, $3  }
0x1: {  	(tag) =	ssettag $0x0;
	lr =	simm.s32 $0x1  }
0x2: {  	[smem:$0x3F97] =	sst lr;
	_ =	strace $0xD0000000  }
0x3: {  	_ = 	snop  }
0x4: {  	_ = 	snop  }
0x5: {  	_ = 	snop  }
0x6: {  	_ = 	snop  }
0x7: {  	_ = 	snop  }
__scs_overlays_trampoline_lowered:
0x8: {  	[smem:$0x3FA6] =	sst s0  }
0x9: {  	[smem:$0x3FA7] =	sst s1  }
0xa: {  	[smem:$0x3FA8] =	sst s2  }
0xb: {  	[smem:$0x3FA9] =	sst s3  }
0xc: {  	[smem:$0x3FAA] =	sst s4  }
0xd: {  	[smem:$0x3FAB] =	sst s5  }
0xe: {  	[smem:$0x3FAC] =	sst s6  }
0xf: {  	[smem:$0x3FAD] =	sst s7  }
0x10: {  	[smem:$0x3FAE] =	sst s8  }
0x11: {  	[smem:$0x3FAF] =	sst s9;
	s0 =	simm.s32 @!p0 $0x0  }
0x12: {  	s1 =	sld [smem:$0x3F95];
	s0 =	simm.s32 @p0 $0x1  }
0x13: {  	[smem:$0x3FB0] =	sst s0;
	s0 =	simm.s32 @!p1 $0x0  }
0x14: {  	s2 =	sld [smem:$0x3F94];
	s0 =	simm.s32 @p1 $0x1  }
0x15: {  	[smem:$0x3FB1] =	sst s0;
	s0 =	simm.s32 @!p2 $0x0  }
0x16: {  	s3 =	sld [smem:$0x3FDB];
	s0 =	simm.s32 @p2 $0x1  }
0x17: {  	s4 =	simm.s32 $0x1BF5;
	[smem:$0x3FB3] =	sst s0  }
0x18: {  	s0 =	sld [smem:$0x3F96];
	_ =	swait.ge [sflag:s4], $0x0  }
0x19: {  	s7 =	sld [smem:$0x3F97]  }
0x1a: {  	s8 =	sadd.s32 $0xFFFFE003, lr  }
0x1b: {  	s9 =	sadd.s32 $0xFFFFFEF7, lr;
	s5 =	simm.s32 $0xFFFFFFFF;
	p2 =	slt.u32 s8, $0xFFFFF086  }
0x1c: {  	p1 =	slt.u32 s9, $0xF7A;
	s5 =	simm.s32 @!p2 $0x0  }
0x1d: {  	s5 =	simm.s32 @p1 $0x1;
	p0 =	seq.s32 s7, s2  }
0x1e: {  	s7 =	smul.u32 @!p0 $0xF7A, s2;
	p2 =	seq.s32 @!p0 s5, $0x0  }
0x1f: {  	s9 =	smul.u32 $0xF7A, s1;
	s8 =	simm.s32 @!p0 $0x1BF5;
	p2 =	por !p2, p0  }
0x20: {  	[sflag:s8] =	ssyncset.s32 @!p0 $0xFFFFF086;
	s6 =	sadd.s32 @!p0 s3, s7;
	s7 =	simm.s32 @!p0 $0x108  }
0x21: {  	s3 =	sadd.s32 s3, s9;
	s6 =	sadd.s32 @!p0 $0x88, s6;
	s7 =	simm.s32 @p2 $0x1082  }
0x22: {  	[simem:s7], [sflag:s8] =	dma.local @!p0 [hbm:s6], $0xF7A  }
0x23: {  	s9 =	sor.u32 $0xD0000000, s2;
	s6 =	simm.s32 $0x108;
	_ =	swait.ge @!p0 [sflag:s8], $0x0  }
0x24: {  	s3 =	sadd.s32 $0x88, s3;
	s6 =	simm.s32 @!p1 $0x1082;
	[sflag:s4] =	ssyncset.s32 $0xFFFFF086  }
0x25: {  	[simem:s6], [sflag:s4] =	dma.local [hbm:s3], $0xF7A  }
0x26: {  	[smem:$0x3F97] =	sst s1;
	(tag) =	ssettag s2;
	_ =	strace s9  }
0x27: {  	s1 =	sld [smem:$0x3FA7]  }
0x28: {  	s2 =	sld [smem:$0x3FA8]  }
0x29: {  	s4 =	sld [smem:$0x3FAA]  }
0x2a: {  	p0 =	seq.s32 s5, $0x0;
	s5 =	sld [smem:$0x3FAB]  }
0x2b: {  	s6 =	sld [smem:$0x3FAC]  }
0x2c: {  	s7 =	sld [smem:$0x3FAD]  }
0x2d: {  	s3 =	simm.s32 $0x108;
	s8 =	sld [smem:$0x3FAE]  }
0x2e: {  	s3 =	simm.s32 @!p0 $0x1082;
	s9 =	sld [smem:$0x3FAF]  }
0x2f: {  	lr =	sadd.s32 s0, s3;
	s0 =	sld [smem:$0x3FA6]  }
0x30: {  	s3 =	sld [smem:$0x3FA9]  }
0x31: {  	[smem:$0x3FB2] =	sst s10  }
0x32: {  	s10 =	sld [smem:$0x3FB0];
	_ =	sdelay $0x3  }
0x33: {  	p0 =	seq.s32 s10, $0x1;
	s10 =	sld [smem:$0x3FB2];
	_ =	sdelay $0x3  }
0x34: {  	[smem:$0x3FB2] =	sst s10  }
0x35: {  	s10 =	sld [smem:$0x3FB1];
	_ =	sdelay $0x3  }
0x36: {  	p1 =	seq.s32 s10, $0x1;
	s10 =	sld [smem:$0x3FB2];
	_ =	sdelay $0x3  }
0x37: {  	[smem:$0x3FB2] =	sst s10  }
0x38: {  	s10 =	sld [smem:$0x3FB3]  }
0x39: {  	_ = 	snop;
	(pc) =	sbr.ind lr, $3  }
0x3a: {  	_ = 	snop  }
0x3b: {  	_ = 	snop  }
0x3c: {  	p2 =	seq.s32 s10, $0x1;
	s10 =	sld [smem:$0x3FB2]  }
0x3d: {  	_ =	shalt  }
0x3e: {  	_ =	shalt  }
0x3f: {  	_ =	shalt  }
0x40: {  	_ =	shalt  }
0x41: {  	_ =	shalt  }
0x42: {  	_ =	shalt  }
0x43: {  	_ =	shalt  }
0x44: {  	_ =	shalt  }
0x45: {  	_ =	shalt  }
0x46: {  	_ =	shalt  }
0x47: {  	_ =	shalt  }
0x48: {  	_ =	shalt  }
0x49: {  	_ =	shalt  }
0x4a: {  	_ =	shalt  }
0x4b: {  	_ =	shalt  }
0x4c: {  	_ =	shalt  }
0x4d: {  	_ =	shalt  }
0x4e: {  	_ =	shalt  }
0x4f: {  	_ =	shalt  }
0x50: {  	_ =	shalt  }
0x51: {  	_ =	shalt  }
0x52: {  	_ =	shalt  }
0x53: {  	_ =	shalt  }
0x54: {  	_ =	shalt  }
0x55: {  	_ =	shalt  }
0x56: {  	_ =	shalt  }
0x57: {  	_ =	shalt  }
0x58: {  	_ =	shalt  }
0x59: {  	_ =	shalt  }
0x5a: {  	_ =	shalt  }
0x5b: {  	_ =	shalt  }
0x5c: {  	_ =	shalt  }
0x5d: {  	_ =	shalt  }
0x5e: {  	_ =	shalt  }
0x5f: {  	_ =	shalt  }
0x60: {  	_ =	shalt  }
0x61: {  	_ =	shalt  }
0x62: {  	_ =	shalt  }
0x63: {  	_ =	shalt  }
0x64: {  	_ =	shalt  }
0x65: {  	_ =	shalt  }
0x66: {  	_ =	shalt  }
0x67: {  	_ =	shalt  }
0x68: {  	_ =	shalt  }
0x69: {  	_ =	shalt  }
0x6a: {  	_ =	shalt  }
0x6b: {  	_ =	shalt  }
0x6c: {  	_ =	shalt  }
0x6d: {  	_ =	shalt  }
0x6e: {  	_ =	shalt  }
0x6f: {  	_ =	shalt  }
0x70: {  	_ =	shalt  }
0x71: {  	_ =	shalt  }
0x72: {  	_ =	shalt  }
0x73: {  	_ =	shalt  }
0x74: {  	_ =	shalt  }
0x75: {  	_ =	shalt  }
0x76: {  	_ =	shalt  }
0x77: {  	_ =	shalt  }
0x78: {  	_ =	shalt  }
0x79: {  	_ =	shalt  }
0x7a: {  	_ =	shalt  }
0x7b: {  	_ =	shalt  }
0x7c: {  	_ =	shalt  }
0x7d: {  	_ =	shalt  }
0x7e: {  	_ =	shalt  }
0x7f: {  	_ =	shalt  }
0x80: {  	_ =	shalt  }
0x81: {  	_ =	shalt  }
0x82: {  	_ =	shalt  }
0x83: {  	_ =	shalt  }
0x84: {  	_ =	shalt  }
0x85: {  	_ =	shalt  }
0x86: {  	_ =	shalt  }
0x87: {  	_ =	shalt  }
.Lfunc_end0:
.L_simem_size_0:
called_computation_lowered:
.L_overlay_start_0:
0x88: {  	s2 =	sld [smem:$0x3FD9]  }
0x89: {  	s3 =	sld [smem:$0x3FFE];
	_ =	sdelay $0x1  }
0x8a: {  	s1 =	srdreg.scid  }
0x8b: {  	s0 =	sand.u32 $0x1, s1  }
0x8c: {  	s14 =	sshll.u32 s0, $0xA;
	s2 =	sadd.s32 s3, s2  }
0x8d: {  	s2 =	sadd.s32 s2, s14  }
0x8e: {  	[smem:$0x3FBE] =	sst s2  }
0x8f: {  	_ = 	snop  }
0x90: {  	s2 =	sld [smem:$0x3FD0];
	_ =	sdelay $0x2  }
0x91: {  	s15 =	simm.s32 $0xA;
	s4 =	simm.s32 $0x10  }
0x92: {  	[smem:s4], [sflag:s15] =	dma.local [hbm:s2], $0x1  }
0x93: {  	_ =	swait.eq [sflag:s15], $0x1  }
0x94: {  	s16 =	sld [smem:$0x10];
	[sflag:s15] =	ssyncset.done $0x0  }
0x95: {  	s17 =	sld [smem:$0x11];
	[sflag:s15] =	ssyncadd.s32 $0xFFFFFFFF  }
0x96: {  	s18 =	sld [smem:$0x12];
	(tm) =	ssettm $0x1  }
0x97: {  	s5 =	sld [smem:$0x3FFB];
	_ =	sdelay $0x3  }
0x98: {  	_ =	strace s5  }
0x99: {  	s5 =	sld [smem:$0x3FFC];
	_ =	sdelay $0x3  }
0x9a: {  	_ =	strace s5  }
0x9b: {  	s5 =	sld [smem:$0x3FFD];
	_ =	sdelay $0x3  }
0x9c: {  	_ =	strace s5  }
0x9d: {  	_ =	strace $0x8FFFFFFF  }
0x9e: {  	s19 =	sld [smem:$0x3FDB];
	_ =	sdelay $0x1  }
0x9f: {  	s6 =	simm.s32 $_scs_section_size  }
0xa0: {  	s7 =	simm.s32 $_size__tile_overlayer_lowered;
	s8 =	simm.s32 $_tile_overlayer_lowered  }
0xa1: {  	s22 =	simm.s32 $0x1BFF;
	s21 =	sshll.u32 s8, $0x1;
	s5 =	sadd.s32 s6, s19  }
0xa2: {  	s9 =	simm.s32 $0x0;
	s20 =	sshll.u32 s7, $0x1;
	s7 =	sadd.s32 s21, s5  }
0xa3: {  	[timem:s9], [sflag:s22] =	dma.local [hbm:s7], s20  }
0xa4: {  	_ =	swait.ge [sflag:s22], s20  }
0xa5: {  	s6 =	ssub.s32 $0x0, s20;
	[sflag:s22] =	ssyncset.done $0x0  }
0xa6: {  	[sflag:s22] =	ssyncadd.s32 s6;
	_ =	sdelay $0x1  }
0xa7: {  	s23 =	simm.s32 $0x1B8B  }
0xa8: {  	_ =	swait.ge [sflag:s23], $0x1  }
0xa9: {  	[sflag:s23] =	ssyncset.done $0x0  }
0xaa: {  	s25 =	simm.s32 $0x1B8E;
	s24 =	sld [smem:$0x3FFE];
	[sflag:s23] =	ssyncadd.s32 $0xFFFFFFFF  }
0xab: {  	s26 =	simm.s32 $execute0_lowered;
	[smem:$0x3FD2] =	sst s25  }
0xac: {  	s7 =	sshll.u32 s26, $0x1;
	_ =	strace $0x80000046;
	[dreg:$0x1] =	wrdreg $0xFFFFFFFF  }
0xad: {  	s28 =	simm.s32 $_size_execute0_lowered;
	s5 =	sadd.s32 s5, s7;
	[dreg:$0x0] =	wrdreg $0x0  }
0xae: {  	s7 =	sshll.u32 s28, $0x1;
	[dreg:$0x2] =	wrdreg s5  }
0xaf: {  	[dreg:$0x3] =	wrdreg s7  }
0xb0: {  	[dreg:$0x4] =	wrdreg $0xC0  }
0xb1: {  	_ =	task [dreg:s9], $0x5FFFF  }
0xb2: {  	[dreg:$0x1] =	wrdreg $0xFFFFFFFF  }
0xb3: {  	[dreg:$0x0] =	wrdreg $0x60  }
0xb4: {  	[dreg:$0x2] =	wrdreg s24  }
0xb5: {  	[dreg:$0x3] =	wrdreg s16  }
0xb6: {  	[dreg:$0x4] =	wrdreg s17  }
0xb7: {  	[dreg:$0x5] =	wrdreg s18  }
0xb8: {  	[dreg:$0x6] =	wrdreg $0x2C100  }
0xb9: {  	[dreg:$0x7] =	wrdreg $0x9  }
0xba: {  	_ =	task.clear_ibuf [dreg:s9], $0x8FFFF;
	_ =	strace $0x90000046  }
0xbb: {  	s29 =	simm.s32 $0x9;
	_ =	strace $0x80000048  }
0xbc: {  	_ =	swait.ge [sflag:s29], $0x1  }
0xbd: {  	[sflag:s29] =	ssyncadd.s32 $0xFFFFFFFF  }
0xbe: {  	_ =	strace $0x90000048  }
0xbf: {  	_ =	sfence  }
0xc0: {  	s30 =	sld [smem:$0x0];
	_ =	sdelay $0x2  }
0xc1: {  	s31 =	sshll.u32 s1, $0xD;
	s1 =	sshrl.u32 s1, $0x2  }
0xc2: {  	s3 =	sand.u32 $0x4000, s31;
	s1 =	sadd.s32 s1, s30  }
0xc3: {  	s0 =	sor.u32 s3, s0;
	s1 =	sshll.u32 s1, $0x11  }
0xc4: {  	s0 =	sor.u32 s1, s0  }
0xc5: {  	s0 =	sadd.s32 $0x8F2B, s0  }
0xc6: {  	[sflag:s0] =	ssyncadd.remote.s32 $0x1  }
0xc7: {  	_ =	sfence.sel $0xFFFF  }
0xc8: {  	[dreg:$0x0] =	wrdreg $0xFFFFFFFF;
	(pc) =	sbr.abs _section_cstart, $3  }
0xc9: {  	[dreg:$0x1] =	wrdreg $0xFFFFFFFF  }
0xca: {  	_ =	task.clear_ibuf [dreg:s9], $0x2FFFF;
	_ =	strace $0x9FFFFFFF  }
0xcb: {  	(tm) =	ssettm $0x7FFFFFFF  }
tec
execute0_lowered:
.L_overlay_start_1:
0x0: {  	(tag) =	ssettag $0x1  }
0x1: {  	s5 =	rddreg [dreg:$0x0]  }
0x2: {  	s0 =	rddreg [dreg:$0x1]  }
0x3: {  	s6 =	rddreg [dreg:$0x2]  }
0x4: {  	s1 =	srdreg.scid;
	s8 =	rddreg [dreg:$0x3]  }
0x5: {  	s3 =	rddreg [dreg:$0x4];
	s2 =	stileid.u32;
	s14 =	simm.s32 $0x2  }
0x6: {  	s15 =	simm.s32 $0x26C0;
	s7 =	sand.u32 $0x1, s1;
	s1 =	rddreg [dreg:$0x5]  }
0x7: {  	s12 =	smul.u32 $0x2710, s2;
	s31 =	sshll.u32 s2, $0x6;
	s4 =	sshll.u32 s7, $0x4  }
0x8: {  	s10 =	ssub.s32 $0x2, s7;
	s13 =	smul.u32 $0x4E20, s7;
	s9 =	sor.u32 s2, s4  }
0x9: {  	s4 =	simm.s32 $0x0;
	s11 =	sshrl.u32 s10, $0x1;
	s16 =	sshrl.u32 s12, $0x3  }
0xa: {  	s12 =	sadd.s32 s12, s3;
	s9 =	smul.u32 $0x4E2, s9;
	[smem:$0x7FF] =	sst s4  }
0xb: {  	s10 =	ssub.s32 s10, s11;
	s17 =	sadd.s32 s8, s13;
	s11 =	simm.s32 $0x2710  }
0xc: {  	s13 =	simm.s32 $0x1;
	_ =	strace $0x80000047;
	s8 =	smax.u32 s10, $0x1  }
0xd: {  	s10 =	simm.s32 $0x3;
	s9 =	sadd.s32 s9, s5;
	s5 =	sadd.s32 s6, s16  }
0xe: {  	s6 =	sor.u32 $0x1C03, s31;
	s16 =	sadd.s32 s16, s17;
	s17 =	simm.s32 $0x0  }
0xf: {  	s7 =	sadd.s32 $0x10000, s9;
	s9 =	sshrl.u32 s12, $0x3;
	s12 =	simm.s32 $0x50  }
.LBB2_1:
0x10: {  	[spmem:s9], [sflag:s6] =	dma.local [hbm:s5], $0x4E2  }
0x11: {  	_ =	swait.ge [sflag:s10], $0x4E2  }
0x12: {  	[sflag:s10] =	ssyncset.done $0x0  }
0x13: {  	[sflag:s10] =	ssyncadd.s32 $0xFFFFFB1E  }
0x14: {  	[tilespmem:s4], [sflag:$0x3] =	stream.linear.gather [hbm4b:s7+s4], $0x2710, $0x38;
	[tilespmem:$0x5320] =	vst v63  }
0x15: {  	_ =	swait.ge [sflag:s10], $0x2710  }
0x16: {  	[sflag:s10] =	ssyncset.done $0x0  }
0x17: {  	[sflag:s10] =	ssyncadd.s32 $0xFFFFD8F0  }
0x18: {  	[tilespmem:s11], [sflag:$0x3] =	stream.linear.gather [hbm4b:s0+s4], $0x500, $0x38;
	[tilespmem:$0x5320] =	vst v63  }
0x19: {  	_ =	swait.ge [sflag:s10], $0x500  }
0x1a: {  	[sflag:s10] =	ssyncset.done $0x0  }
0x1b: {  	[sflag:s10] =	ssyncadd.s32 $0xFFFFFB00  }
0x1c: {  	[bflag:$0x0] =	sbarrier.arrive $0xFFFF  }
0x1d: {  	[spmem:s3] =	stream.indirect.scatter.add.f32 [tilespmem:s11], [sflag:$0x1], $0x10, s4, s12, $0xb8;
	[tilespmem:$0x5320] =	vst v63  }
0x1e: {  	_ = 	snop  }
0x1f: {  	[spmem:s3] =	stream.indirect.scatter.add.f32 [tilespmem:s11], [sflag:$0x2], $0x10, s12, s12, $0xb8;
	[tilespmem:$0x5320] =	vst v63  }
0x20: {  	_ =	swait.ge [sflag:s13], $0x500  }
0x21: {  	[sflag:s13] =	ssyncset.done $0x0  }
0x22: {  	s18 =	simm.s32 $0xA0;
	[sflag:s13] =	ssyncadd.s32 $0xFFFFFB00  }
0x23: {  	[spmem:s3] =	stream.indirect.scatter.add.f32 [tilespmem:s11], [sflag:$0x1], $0x10, s18, s12, $0xb8;
	[tilespmem:$0x5320] =	vst v63  }
0x24: {  	_ =	swait.ge [sflag:s14], $0x500  }
0x25: {  	[sflag:s14] =	ssyncset.done $0x0  }
0x26: {  	s19 =	simm.s32 $0xF0;
	s18 =	simm.s32 $0xFFFF6A00;
	[sflag:s14] =	ssyncadd.s32 $0xFFFFFB00  }
.LBB2_2:
0x27: {  	[spmem:s3] =	stream.indirect.scatter.add.f32 [tilespmem:s11], [sflag:$0x2], $0x10, s19, s12, $0xb8;
	[tilespmem:$0x5320] =	vst v63  }
0x28: {  	s19 =	smov.u32 s18  }
0x29: {  	p0 =	sne.s32 s18, $0xFFFFFD80;
	s18 =	sadd.s32 $0x280, s18;
	_ =	swait.ge [sflag:s13], $0x500  }
0x2a: {  	s19 =	sshra.s32 s19, $0x2;
	[sflag:s13] =	ssyncset.done $0x0  }
.Ltmp0:
0x2b: {  	s20 =	sadd.s32 $0x26C0, s19;
	[sflag:s13] =	ssyncadd.s32 $0xFFFFFB00;
	(pc) =	sbr.rel @p0 .LBB2_2-.Ltmp0, $4  }
0x2c: {  	[spmem:s3] =	stream.indirect.scatter.add.f32 [tilespmem:s11], [sflag:$0x1], $0x10, s20, s12, $0xb8;
	[tilespmem:$0x5320] =	vst v63  }
0x2d: {  	_ =	swait.ge [sflag:s14], $0x500  }
0x2e: {  	[sflag:s14] =	ssyncset.done $0x0  }
0x2f: {  	s19 =	sadd.s32 $0x2710, s19;
	[sflag:s14] =	ssyncadd.s32 $0xFFFFFB00  }
0x30: {  	[spmem:s3] =	stream.indirect.scatter.add.f32 [tilespmem:s11], [sflag:$0x2], $0x10, s19, s12, $0xb8;
	[tilespmem:$0x5320] =	vst v63  }
0x31: {  	_ =	swait.ge [sflag:s13], $0x500  }
0x32: {  	[sflag:s13] =	ssyncset.done $0x0  }
0x33: {  	[sflag:s13] =	ssyncadd.s32 $0xFFFFFB00  }
0x34: {  	[spmem:s3] =	stream.indirect.scatter.add.f32 [tilespmem:s11], [sflag:$0x1], $0x10, s15, s12, $0xb8;
	[tilespmem:$0x5320] =	vst v63  }
0x35: {  	_ =	swait.ge [sflag:s14], $0x500  }
0x36: {  	[sflag:s14] =	ssyncset.done $0x0  }
0x37: {  	[sflag:s14] =	ssyncadd.s32 $0xFFFFFB00  }
0x38: {  	_ =	swait.ge [sflag:s13], $0x500  }
0x39: {  	s17 =	sadd.s32 $0x1, s17;
	[sflag:s13] =	ssyncset.done $0x0  }
0x3a: {  	p0 =	sne.s32 s17, s8;
	[sflag:s13] =	ssyncadd.s32 $0xFFFFFB00  }
.Ltmp1:
0x3b: {  	[bflag:$0x0] =	sbarrier.arrive $0xFFFF;
	(pc) =	sbr.rel @p0 .LBB2_1-.Ltmp1, $4  }
0x3c: {  	[hbm:s16], [sflag:s6] =	dma.local [spmem:s9], $0x4E2  }
0x3d: {  	_ =	swait.ge [sflag:s10], $0x4E2  }
0x3e: {  	[sflag:s10] =	ssyncset.done $0x0  }
0x3f: {  	[sflag:s10] =	ssyncadd.s32 $0xFFFFFB1E  }
0x40: {  	_ =	sfence.sel $0x180000  }
0x41: {  	[bflag:$0x0] =	sbarrier.arrive $0xFFFF  }
0x42: {  	p0 =	sne.s32 s2, $0x0;
	_ =	strace $0x90000047  }
0x43: {  	s0 =	sadd.s32 @!p0 $0x100000, s1;
	[bflag:$0x2] =	sbarrier.arrive $0xFFFF  }
0x44: {  	[sflag:s0] =	ssyncadd.tile.s32 @!p0 $0x1;
	_ =	shalt  }
.Lfunc_end2:
_tile_overlayer_lowered:
.L_overlay_start_2:
0x45: {  	(tag) =	ssettag $0x2  }
0x46: {  	s0 =	rddreg [dreg:$0x0];
	s2 =	stileid.u32  }
0x47: {  	s1 =	rddreg [dreg:$0x1];
	p0 =	sne.s32 s2, $0x0  }
0x48: {  	s3 =	rddreg [dreg:$0x2];
	[bflag:$0x3] =	sbarrier.arrive $0xFFFF;
	s2 =	simm.s32 @!p0 $0x1C03  }
0x49: {  	[timem:s3], [sflag:s2] =	dma.local @!p0 [hbm:s0], s1  }
0x4a: {  	s0 =	simm.s32 @!p0 $0x3  }
0x4b: {  	_ =	swait.ge @!p0 [sflag:s0], s1  }
0x4c: {  	s1 =	ssub.s32 @!p0 $0x0, s1;
	[sflag:s0] =	ssyncset.done @!p0 $0x0  }
0x4d: {  	[sflag:s0] =	ssyncadd.s32 @!p0 s1  }
0x4e: {  	[bflag:$0x3] =	sbarrier.arrive $0xFFFF  }
0x4f: {  	_ =	shalt  }

// kernel: kernel.15.cloned.1.call-start
scs
__scs_entry_jumppad:
0x0: {  	(pc) =	sbr.rel $0x88, $3  }
0x1: {  	(tag) =	ssettag $0x0;
	lr =	simm.s32 $0x1  }
0x2: {  	[smem:$0x3F97] =	sst lr;
	_ =	strace $0xD0000000  }
0x3: {  	_ = 	snop  }
0x4: {  	_ = 	snop  }
0x5: {  	_ = 	snop  }
0x6: {  	_ = 	snop  }
0x7: {  	_ = 	snop  }
__scs_overlays_trampoline_lowered:
0x8: {  	[smem:$0x3FA6] =	sst s0  }
0x9: {  	[smem:$0x3FA7] =	sst s1  }
0xa: {  	[smem:$0x3FA8] =	sst s2  }
0xb: {  	[smem:$0x3FA9] =	sst s3  }
0xc: {  	[smem:$0x3FAA] =	sst s4  }
0xd: {  	[smem:$0x3FAB] =	sst s5  }
0xe: {  	[smem:$0x3FAC] =	sst s6  }
0xf: {  	[smem:$0x3FAD] =	sst s7  }
0x10: {  	[smem:$0x3FAE] =	sst s8  }
0x11: {  	[smem:$0x3FAF] =	sst s9;
	s0 =	simm.s32 @!p0 $0x0  }
0x12: {  	s1 =	sld [smem:$0x3F95];
	s0 =	simm.s32 @p0 $0x1  }
0x13: {  	[smem:$0x3FB0] =	sst s0;
	s0 =	simm.s32 @!p1 $0x0  }
0x14: {  	s2 =	sld [smem:$0x3F94];
	s0 =	simm.s32 @p1 $0x1  }
0x15: {  	[smem:$0x3FB1] =	sst s0;
	s0 =	simm.s32 @!p2 $0x0  }
0x16: {  	s3 =	sld [smem:$0x3FDB];
	s0 =	simm.s32 @p2 $0x1  }
0x17: {  	s4 =	simm.s32 $0x1BF5;
	[smem:$0x3FB3] =	sst s0  }
0x18: {  	s0 =	sld [smem:$0x3F96];
	_ =	swait.ge [sflag:s4], $0x0  }
0x19: {  	s7 =	sld [smem:$0x3F97]  }
0x1a: {  	s8 =	sadd.s32 $0xFFFFE003, lr  }
0x1b: {  	s9 =	sadd.s32 $0xFFFFFEF7, lr;
	s5 =	simm.s32 $0xFFFFFFFF;
	p2 =	slt.u32 s8, $0xFFFFF086  }
0x1c: {  	p1 =	slt.u32 s9, $0xF7A;
	s5 =	simm.s32 @!p2 $0x0  }
0x1d: {  	s5 =	simm.s32 @p1 $0x1;
	p0 =	seq.s32 s7, s2  }
0x1e: {  	s7 =	smul.u32 @!p0 $0xF7A, s2;
	p2 =	seq.s32 @!p0 s5, $0x0  }
0x1f: {  	s9 =	smul.u32 $0xF7A, s1;
	s8 =	simm.s32 @!p0 $0x1BF5;
	p2 =	por !p2, p0  }
0x20: {  	[sflag:s8] =	ssyncset.s32 @!p0 $0xFFFFF086;
	s6 =	sadd.s32 @!p0 s3, s7;
	s7 =	simm.s32 @!p0 $0x108  }
0x21: {  	s3 =	sadd.s32 s3, s9;
	s6 =	sadd.s32 @!p0 $0x88, s6;
	s7 =	simm.s32 @p2 $0x1082  }
0x22: {  	[simem:s7], [sflag:s8] =	dma.local @!p0 [hbm:s6], $0xF7A  }
0x23: {  	s9 =	sor.u32 $0xD0000000, s2;
	s6 =	simm.s32 $0x108;
	_ =	swait.ge @!p0 [sflag:s8], $0x0  }
0x24: {  	s3 =	sadd.s32 $0x88, s3;
	s6 =	simm.s32 @!p1 $0x1082;
	[sflag:s4] =	ssyncset.s32 $0xFFFFF086  }
0x25: {  	[simem:s6], [sflag:s4] =	dma.local [hbm:s3], $0xF7A  }
0x26: {  	[smem:$0x3F97] =	sst s1;
	(tag) =	ssettag s2;
	_ =	strace s9  }
0x27: {  	s1 =	sld [smem:$0x3FA7]  }
0x28: {  	s2 =	sld [smem:$0x3FA8]  }
0x29: {  	s4 =	sld [smem:$0x3FAA]  }
0x2a: {  	p0 =	seq.s32 s5, $0x0;
	s5 =	sld [smem:$0x3FAB]  }
0x2b: {  	s6 =	sld [smem:$0x3FAC]  }
0x2c: {  	s7 =	sld [smem:$0x3FAD]  }
0x2d: {  	s3 =	simm.s32 $0x108;
	s8 =	sld [smem:$0x3FAE]  }
0x2e: {  	s3 =	simm.s32 @!p0 $0x1082;
	s9 =	sld [smem:$0x3FAF]  }
0x2f: {  	lr =	sadd.s32 s0, s3;
	s0 =	sld [smem:$0x3FA6]  }
0x30: {  	s3 =	sld [smem:$0x3FA9]  }
0x31: {  	[smem:$0x3FB2] =	sst s10  }
0x32: {  	s10 =	sld [smem:$0x3FB0];
	_ =	sdelay $0x3  }
0x33: {  	p0 =	seq.s32 s10, $0x1;
	s10 =	sld [smem:$0x3FB2];
	_ =	sdelay $0x3  }
0x34: {  	[smem:$0x3FB2] =	sst s10  }
0x35: {  	s10 =	sld [smem:$0x3FB1];
	_ =	sdelay $0x3  }
0x36: {  	p1 =	seq.s32 s10, $0x1;
	s10 =	sld [smem:$0x3FB2];
	_ =	sdelay $0x3  }
0x37: {  	[smem:$0x3FB2] =	sst s10  }
0x38: {  	s10 =	sld [smem:$0x3FB3]  }
0x39: {  	_ = 	snop;
	(pc) =	sbr.ind lr, $3  }
0x3a: {  	_ = 	snop  }
0x3b: {  	_ = 	snop  }
0x3c: {  	p2 =	seq.s32 s10, $0x1;
	s10 =	sld [smem:$0x3FB2]  }
0x3d: {  	_ =	shalt  }
0x3e: {  	_ =	shalt  }
0x3f: {  	_ =	shalt  }
0x40: {  	_ =	shalt  }
0x41: {  	_ =	shalt  }
0x42: {  	_ =	shalt  }
0x43: {  	_ =	shalt  }
0x44: {  	_ =	shalt  }
0x45: {  	_ =	shalt  }
0x46: {  	_ =	shalt  }
0x47: {  	_ =	shalt  }
0x48: {  	_ =	shalt  }
0x49: {  	_ =	shalt  }
0x4a: {  	_ =	shalt  }
0x4b: {  	_ =	shalt  }
0x4c: {  	_ =	shalt  }
0x4d: {  	_ =	shalt  }
0x4e: {  	_ =	shalt  }
0x4f: {  	_ =	shalt  }
0x50: {  	_ =	shalt  }
0x51: {  	_ =	shalt  }
0x52: {  	_ =	shalt  }
0x53: {  	_ =	shalt  }
0x54: {  	_ =	shalt  }
0x55: {  	_ =	shalt  }
0x56: {  	_ =	shalt  }
0x57: {  	_ =	shalt  }
0x58: {  	_ =	shalt  }
0x59: {  	_ =	shalt  }
0x5a: {  	_ =	shalt  }
0x5b: {  	_ =	shalt  }
0x5c: {  	_ =	shalt  }
0x5d: {  	_ =	shalt  }
0x5e: {  	_ =	shalt  }
0x5f: {  	_ =	shalt  }
0x60: {  	_ =	shalt  }
0x61: {  	_ =	shalt  }
0x62: {  	_ =	shalt  }
0x63: {  	_ =	shalt  }
0x64: {  	_ =	shalt  }
0x65: {  	_ =	shalt  }
0x66: {  	_ =	shalt  }
0x67: {  	_ =	shalt  }
0x68: {  	_ =	shalt  }
0x69: {  	_ =	shalt  }
0x6a: {  	_ =	shalt  }
0x6b: {  	_ =	shalt  }
0x6c: {  	_ =	shalt  }
0x6d: {  	_ =	shalt  }
0x6e: {  	_ =	shalt  }
0x6f: {  	_ =	shalt  }
0x70: {  	_ =	shalt  }
0x71: {  	_ =	shalt  }
0x72: {  	_ =	shalt  }
0x73: {  	_ =	shalt  }
0x74: {  	_ =	shalt  }
0x75: {  	_ =	shalt  }
0x76: {  	_ =	shalt  }
0x77: {  	_ =	shalt  }
0x78: {  	_ =	shalt  }
0x79: {  	_ =	shalt  }
0x7a: {  	_ =	shalt  }
0x7b: {  	_ =	shalt  }
0x7c: {  	_ =	shalt  }
0x7d: {  	_ =	shalt  }
0x7e: {  	_ =	shalt  }
0x7f: {  	_ =	shalt  }
0x80: {  	_ =	shalt  }
0x81: {  	_ =	shalt  }
0x82: {  	_ =	shalt  }
0x83: {  	_ =	shalt  }
0x84: {  	_ =	shalt  }
0x85: {  	_ =	shalt  }
0x86: {  	_ =	shalt  }
0x87: {  	_ =	shalt  }
.Lfunc_end0:
.L_simem_size_0:
called_computation.1_lowered:
.L_overlay_start_0:
0x88: {  	s2 =	sld [smem:$0x3FD9]  }
0x89: {  	s3 =	sld [smem:$0x3FFE];
	_ =	sdelay $0x1  }
0x8a: {  	s1 =	srdreg.scid  }
0x8b: {  	s0 =	sand.u32 $0x1, s1  }
0x8c: {  	s14 =	sshll.u32 s0, $0xA;
	s2 =	sadd.s32 s3, s2  }
0x8d: {  	s2 =	sadd.s32 s2, s14  }
0x8e: {  	[smem:$0x3FBE] =	sst s2  }
0x8f: {  	_ = 	snop  }
0x90: {  	s2 =	sld [smem:$0x3FD0];
	_ =	sdelay $0x2  }
0x91: {  	s15 =	simm.s32 $0xA;
	s4 =	simm.s32 $0x10  }
0x92: {  	[smem:s4], [sflag:s15] =	dma.local [hbm:s2], $0x1  }
0x93: {  	_ =	swait.eq [sflag:s15], $0x1  }
0x94: {  	[sflag:s15] =	ssyncset.done $0x0  }
0x95: {  	[sflag:s15] =	ssyncadd.s32 $0xFFFFFFFF  }
0x96: {  	s16 =	sld [smem:$0x10];
	(tm) =	ssettm $0x1  }
0x97: {  	s17 =	sld [smem:$0x3FFB];
	_ =	sdelay $0x3  }
0x98: {  	_ =	strace s17  }
0x99: {  	s3 =	sld [smem:$0x3FFC];
	_ =	sdelay $0x3  }
0x9a: {  	_ =	strace s3  }
0x9b: {  	s3 =	sld [smem:$0x3FFD];
	_ =	sdelay $0x3  }
0x9c: {  	_ =	strace s3  }
0x9d: {  	_ =	strace $0x8FFFFFFF  }
0x9e: {  	s18 =	sld [smem:$0x3FDB];
	_ =	sdelay $0x1  }
0x9f: {  	s19 =	simm.s32 $_scs_section_size  }
0xa0: {  	s5 =	simm.s32 $_size__tile_overlayer_lowered;
	s6 =	simm.s32 $_tile_overlayer_lowered  }
0xa1: {  	s22 =	simm.s32 $0x1BFF;
	s21 =	sshll.u32 s6, $0x1;
	s3 =	sadd.s32 s19, s18  }
0xa2: {  	s7 =	simm.s32 $0x0;
	s20 =	sshll.u32 s5, $0x1;
	s5 =	sadd.s32 s21, s3  }
0xa3: {  	[timem:s7], [sflag:s22] =	dma.local [hbm:s5], s20  }
0xa4: {  	_ =	swait.ge [sflag:s22], s20  }
0xa5: {  	s4 =	ssub.s32 $0x0, s20;
	[sflag:s22] =	ssyncset.done $0x0  }
0xa6: {  	[sflag:s22] =	ssyncadd.s32 s4;
	_ =	sdelay $0x1  }
0xa7: {  	s23 =	simm.s32 $0x1B8B  }
0xa8: {  	_ =	swait.ge [sflag:s23], $0x1  }
0xa9: {  	[sflag:s23] =	ssyncset.done $0x0  }
0xaa: {  	s25 =	simm.s32 $0x1B8E;
	s24 =	sld [smem:$0x3FFE];
	[sflag:s23] =	ssyncadd.s32 $0xFFFFFFFF  }
0xab: {  	s26 =	simm.s32 $execute0_lowered;
	[smem:$0x3FD2] =	sst s25  }
0xac: {  	s5 =	sshll.u32 s26, $0x1;
	_ =	strace $0x80000049;
	[dreg:$0x1] =	wrdreg $0xFFFFFFFF  }
0xad: {  	s28 =	simm.s32 $_size_execute0_lowered;
	s3 =	sadd.s32 s3, s5;
	[dreg:$0x0] =	wrdreg $0x0  }
0xae: {  	s5 =	sshll.u32 s28, $0x1;
	[dreg:$0x2] =	wrdreg s3  }
0xaf: {  	[dreg:$0x3] =	wrdreg s5  }
0xb0: {  	[dreg:$0x4] =	wrdreg $0xC0  }
0xb1: {  	_ =	task [dreg:s7], $0x5FFFF  }
0xb2: {  	[dreg:$0x1] =	wrdreg $0xFFFFFFFF  }
0xb3: {  	[dreg:$0x0] =	wrdreg $0x60  }
0xb4: {  	[dreg:$0x2] =	wrdreg s16  }
0xb5: {  	[dreg:$0x3] =	wrdreg s24  }
0xb6: {  	[dreg:$0x4] =	wrdreg $0x9E200  }
0xb7: {  	[dreg:$0x5] =	wrdreg $0x9  }
0xb8: {  	_ =	task.clear_ibuf [dreg:s7], $0x6FFFF;
	_ =	strace $0x90000049  }
0xb9: {  	s29 =	simm.s32 $0x9;
	_ =	strace $0x8000004B  }
0xba: {  	_ =	swait.ge [sflag:s29], $0x1  }
0xbb: {  	[sflag:s29] =	ssyncadd.s32 $0xFFFFFFFF  }
0xbc: {  	_ =	strace $0x9000004B  }
0xbd: {  	_ =	sfence  }
0xbe: {  	s30 =	sld [smem:$0x0];
	_ =	sdelay $0x2  }
0xbf: {  	s31 =	sshll.u32 s1, $0xD;
	s1 =	sshrl.u32 s1, $0x2  }
0xc0: {  	s3 =	sand.u32 $0x4000, s31;
	s1 =	sadd.s32 s1, s30  }
0xc1: {  	s0 =	sor.u32 s3, s0;
	s1 =	sshll.u32 s1, $0x11  }
0xc2: {  	s0 =	sor.u32 s1, s0  }
0xc3: {  	s0 =	sadd.s32 $0x8F2B, s0  }
0xc4: {  	[sflag:s0] =	ssyncadd.remote.s32 $0x1  }
0xc5: {  	_ =	sfence.sel $0xFFFF  }
0xc6: {  	[dreg:$0x0] =	wrdreg $0xFFFFFFFF;
	(pc) =	sbr.abs _section_cstart, $3  }
0xc7: {  	[dreg:$0x1] =	wrdreg $0xFFFFFFFF  }
0xc8: {  	_ =	task.clear_ibuf [dreg:s7], $0x2FFFF;
	_ =	strace $0x9FFFFFFF  }
0xc9: {  	(tm) =	ssettm $0x7FFFFFFF  }
tec
execute0_lowered:
.L_overlay_start_1:
0x0: {  	(tag) =	ssettag $0x1  }
0x1: {  	s1 =	rddreg [dreg:$0x0]  }
0x2: {  	s6 =	rddreg [dreg:$0x1]  }
0x3: {  	s0 =	srdreg.scid;
	s3 =	rddreg [dreg:$0x2]  }
0x4: {  	s4 =	simm.s32 $0x0;
	s14 =	simm.s32 $0x4E20;
	s15 =	simm.s32 $0x7620  }
0x5: {  	s16 =	simm.s32 $0x1;
	s17 =	simm.s32 $0x3;
	s18 =	simm.s32 $0x2  }
0x6: {  	s19 =	simm.s32 $0x4;
	s20 =	simm.s32 $0x4D30;
	s21 =	simm.s32 $0x26C0  }
0x7: {  	s22 =	simm.s32 $0x4D80;
	s5 =	sand.u32 $0x1, s0;
	s0 =	stileid.u32  }
0x8: {  	s23 =	simm.s32 $0x4DD0;
	[smem:$0x7FF] =	sst s4;
	s8 =	smul.u32 $0x13880, s0  }
0x9: {  	s2 =	sshll.u32 s5, $0x4;
	s9 =	smul.u32 $0x27100, s5;
	s5 =	ssub.s32 $0x2, s5  }
0xa: {  	s31 =	sshll.u32 s0, $0x6;
	s7 =	sor.u32 s0, s2;
	s2 =	rddreg [dreg:$0x3]  }
0xb: {  	_ =	strace $0x8000004A;
	s30 =	sshrl.u32 s5, $0x1;
	s7 =	smul.u32 $0x4E2, s7  }
0xc: {  	s24 =	sshrl.u32 s8, $0x3;
	s9 =	sadd.s32 s9, s6;
	s12 =	ssub.s32 s5, s30  }
0xd: {  	s13 =	sadd.s32 s8, s3;
	s11 =	sadd.s32 s24, s6;
	s25 =	sadd.s32 $0x68200, s9  }
0xe: {  	s9 =	smax.u32 s12, $0x1;
	s12 =	simm.s32 $0x2710;
	s10 =	sadd.s32 s7, s6  }
0xf: {  	s5 =	sadd.s32 $0x41000, s11;
	s6 =	sor.u32 $0x1C05, s31;
	s11 =	simm.s32 $0x5  }
0x10: {  	s24 =	sadd.s32 s24, s25;
	s25 =	simm.s32 $0x0;
	s7 =	sadd.s32 $0x6200, s10  }
0x11: {  	s8 =	sadd.s32 $0x10000, s10;
	s10 =	sshrl.u32 s13, $0x3;
	s13 =	simm.s32 $0x50  }
.LBB2_1:
0x12: {  	[spmem:s10], [sflag:s6] =	dma.local [hbm:s5], $0x2710  }
0x13: {  	_ =	swait.ge [sflag:s11], $0x2710  }
0x14: {  	[sflag:s11] =	ssyncset.done $0x0  }
0x15: {  	[sflag:s11] =	ssyncadd.s32 $0xFFFFD8F0  }
0x16: {  	[tilespmem:s4], [sflag:$0x5] =	stream.linear.gather [hbm4b:s7+s4], $0x2710, $0x38;
	[tilespmem:$0x1D6A0] =	vst v63  }
0x17: {  	_ =	swait.ge [sflag:s11], $0x2710  }
0x18: {  	[sflag:s11] =	ssyncset.done $0x0  }
0x19: {  	[sflag:s11] =	ssyncadd.s32 $0xFFFFD8F0  }
0x1a: {  	[tilespmem:s12], [sflag:$0x5] =	stream.linear.gather [hbm4b:s8+s4], $0x2710, $0x38;
	[tilespmem:$0x1D6A0] =	vst v63  }
0x1b: {  	_ =	swait.ge [sflag:s11], $0x2710  }
0x1c: {  	[sflag:s11] =	ssyncset.done $0x0  }
0x1d: {  	[sflag:s11] =	ssyncadd.s32 $0xFFFFD8F0  }
0x1e: {  	[bflag:$0x0] =	sbarrier.arrive $0xFFFF  }
0x1f: {  	[tilespmem:s14], [sflag:$0x1] =	stream.indirect.gather [hbm4b:s1+s13], $0x80, s4, s13, $0xb8;
	[tilespmem:$0x1D6A0] =	vst v63  }
0x20: {  	_ = 	snop  }
0x21: {  	[tilespmem:s15], [sflag:$0x2] =	stream.indirect.gather [hbm4b:s1+s13], $0x80, s13, s13, $0xb8;
	[tilespmem:$0x1D6A0] =	vst v63  }
0x22: {  	_ =	swait.ge [sflag:s16], $0x2800  }
0x23: {  	[sflag:s16] =	ssyncset.done $0x0  }
0x24: {  	s26 =	simm.s32 $0x2710;
	[sflag:s16] =	ssyncadd.s32 $0xFFFFD800  }
0x25: {  	[spmem:s3] =	stream.indirect.scatter.add.f32 [tilespmem:s14], [sflag:$0x3], $0x80, s26, s13, $0xb8;
	[tilespmem:$0x1D6A0] =	vst v63  }
0x26: {  	_ =	swait.ge [sflag:s17], $0x2800  }
0x27: {  	[sflag:s17] =	ssyncset.done $0x0  }
0x28: {  	s30 =	simm.s32 $0xA0;
	[sflag:s17] =	ssyncadd.s32 $0xFFFFD800  }
0x29: {  	[tilespmem:s14], [sflag:$0x1] =	stream.indirect.gather [hbm4b:s1+s13], $0x80, s30, s13, $0xb8;
	[tilespmem:$0x1D6A0] =	vst v63  }
0x2a: {  	_ =	swait.ge [sflag:s18], $0x2800  }
0x2b: {  	[sflag:s18] =	ssyncset.done $0x0  }
0x2c: {  	s31 =	simm.s32 $0x2760;
	[sflag:s18] =	ssyncadd.s32 $0xFFFFD800  }
0x2d: {  	[spmem:s3] =	stream.indirect.scatter.add.f32 [tilespmem:s15], [sflag:$0x4], $0x80, s31, s13, $0xb8;
	[tilespmem:$0x1D6A0] =	vst v63  }
0x2e: {  	_ =	swait.ge [sflag:s19], $0x2800  }
0x2f: {  	[sflag:s19] =	ssyncset.done $0x0  }
0x30: {  	s28 =	simm.s32 $0xF0;
	s26 =	simm.s32 $0x280;
	[sflag:s19] =	ssyncadd.s32 $0xFFFFD800  }
.LBB2_2:
0x31: {  	[tilespmem:s15], [sflag:$0x2] =	stream.indirect.gather [hbm4b:s1+s13], $0x80, s28, s13, $0xb8;
	[tilespmem:$0x1D6A0] =	vst v63  }
0x32: {  	s28 =	smov.u32 s26  }
0x33: {  	p0 =	sne.s32 s26, $0x9600;
	s26 =	sadd.s32 $0x280, s26;
	_ =	swait.ge [sflag:s16], $0x2800  }
0x34: {  	s28 =	sshra.s32 s28, $0x2;
	[sflag:s16] =	ssyncset.done $0x0  }
0x35: {  	s29 =	sadd.s32 $0x2710, s28;
	[sflag:s16] =	ssyncadd.s32 $0xFFFFD800  }
0x36: {  	[spmem:s3] =	stream.indirect.scatter.add.f32 [tilespmem:s14], [sflag:$0x3], $0x80, s29, s13, $0xb8;
	[tilespmem:$0x1D6A0] =	vst v63  }
0x37: {  	_ =	swait.ge [sflag:s17], $0x2800  }
0x38: {  	[sflag:s17] =	ssyncset.done $0x0  }
0x39: {  	s29 =	sadd.s32 $0xA0, s28;
	[sflag:s17] =	ssyncadd.s32 $0xFFFFD800  }
0x3a: {  	[tilespmem:s14], [sflag:$0x1] =	stream.indirect.gather [hbm4b:s1+s13], $0x80, s29, s13, $0xb8;
	[tilespmem:$0x1D6A0] =	vst v63  }
0x3b: {  	_ =	swait.ge [sflag:s18], $0x2800  }
0x3c: {  	[sflag:s18] =	ssyncset.done $0x0  }
.Ltmp0:
0x3d: {  	s29 =	sadd.s32 $0x2760, s28;
	[sflag:s18] =	ssyncadd.s32 $0xFFFFD800;
	(pc) =	sbr.rel @p0 .LBB2_2-.Ltmp0, $4  }
0x3e: {  	[spmem:s3] =	stream.indirect.scatter.add.f32 [tilespmem:s15], [sflag:$0x4], $0x80, s29, s13, $0xb8;
	[tilespmem:$0x1D6A0] =	vst v63  }
0x3f: {  	_ =	swait.ge [sflag:s19], $0x2800  }
0x40: {  	[sflag:s19] =	ssyncset.done $0x0  }
0x41: {  	s28 =	sadd.s32 $0xF0, s28;
	[sflag:s19] =	ssyncadd.s32 $0xFFFFD800  }
0x42: {  	[tilespmem:s15], [sflag:$0x2] =	stream.indirect.gather [hbm4b:s1+s13], $0x80, s28, s13, $0xb8;
	[tilespmem:$0x1D6A0] =	vst v63  }
0x43: {  	_ =	swait.ge [sflag:s16], $0x2800  }
0x44: {  	[sflag:s16] =	ssyncset.done $0x0  }
0x45: {  	[sflag:s16] =	ssyncadd.s32 $0xFFFFD800  }
0x46: {  	[spmem:s3] =	stream.indirect.scatter.add.f32 [tilespmem:s14], [sflag:$0x3], $0x80, s20, s13, $0xb8;
	[tilespmem:$0x1D6A0] =	vst v63  }
0x47: {  	_ =	swait.ge [sflag:s17], $0x2800  }
0x48: {  	[sflag:s17] =	ssyncset.done $0x0  }
0x49: {  	[sflag:s17] =	ssyncadd.s32 $0xFFFFD800  }
0x4a: {  	[tilespmem:s14], [sflag:$0x1] =	stream.indirect.gather [hbm4b:s1+s13], $0x80, s21, s13, $0xb8;
	[tilespmem:$0x1D6A0] =	vst v63  }
0x4b: {  	_ =	swait.ge [sflag:s18], $0x2800  }
0x4c: {  	[sflag:s18] =	ssyncset.done $0x0  }
0x4d: {  	[sflag:s18] =	ssyncadd.s32 $0xFFFFD800  }
0x4e: {  	[spmem:s3] =	stream.indirect.scatter.add.f32 [tilespmem:s15], [sflag:$0x4], $0x80, s22, s13, $0xb8;
	[tilespmem:$0x1D6A0] =	vst v63  }
0x4f: {  	_ =	swait.ge [sflag:s19], $0x2800  }
0x50: {  	[sflag:s19] =	ssyncset.done $0x0  }
0x51: {  	[sflag:s19] =	ssyncadd.s32 $0xFFFFD800  }
0x52: {  	_ =	swait.ge [sflag:s16], $0x2800  }
0x53: {  	[sflag:s16] =	ssyncset.done $0x0  }
0x54: {  	[sflag:s16] =	ssyncadd.s32 $0xFFFFD800  }
0x55: {  	[spmem:s3] =	stream.indirect.scatter.add.f32 [tilespmem:s14], [sflag:$0x3], $0x80, s23, s13, $0xb8;
	[tilespmem:$0x1D6A0] =	vst v63  }
0x56: {  	_ =	swait.ge [sflag:s17], $0x2800  }
0x57: {  	s25 =	sadd.s32 $0x1, s25;
	[sflag:s17] =	ssyncset.done $0x0  }
0x58: {  	p0 =	sne.s32 s25, s9;
	[sflag:s17] =	ssyncadd.s32 $0xFFFFD800  }
.Ltmp1:
0x59: {  	[bflag:$0x0] =	sbarrier.arrive $0xFFFF;
	(pc) =	sbr.rel @p0 .LBB2_1-.Ltmp1, $4  }
0x5a: {  	[hbm:s24], [sflag:s6] =	dma.local [spmem:s10], $0x2710  }
0x5b: {  	_ =	swait.ge [sflag:s11], $0x2710  }
0x5c: {  	[sflag:s11] =	ssyncset.done $0x0  }
0x5d: {  	[sflag:s11] =	ssyncadd.s32 $0xFFFFD8F0  }
0x5e: {  	_ =	sfence.sel $0x180000  }
0x5f: {  	[bflag:$0x0] =	sbarrier.arrive $0xFFFF  }
0x60: {  	p0 =	sne.s32 s0, $0x0;
	_ =	strace $0x9000004A  }
0x61: {  	s0 =	sadd.s32 @!p0 $0x100000, s2;
	[bflag:$0x2] =	sbarrier.arrive $0xFFFF  }
0x62: {  	[sflag:s0] =	ssyncadd.tile.s32 @!p0 $0x1;
	_ =	shalt  }
.Lfunc_end2:
_tile_overlayer_lowered:
.L_overlay_start_2:
0x63: {  	(tag) =	ssettag $0x2  }
0x64: {  	s0 =	rddreg [dreg:$0x0];
	s2 =	stileid.u32  }
0x65: {  	s1 =	rddreg [dreg:$0x1];
	p0 =	sne.s32 s2, $0x0  }
0x66: {  	s3 =	rddreg [dreg:$0x2];
	[bflag:$0x3] =	sbarrier.arrive $0xFFFF;
	s2 =	simm.s32 @!p0 $0x1C05  }
0x67: {  	[timem:s3], [sflag:s2] =	dma.local @!p0 [hbm:s0], s1  }
0x68: {  	s0 =	simm.s32 @!p0 $0x5  }
0x69: {  	_ =	swait.ge @!p0 [sflag:s0], s1  }
0x6a: {  	s1 =	ssub.s32 @!p0 $0x0, s1;
	[sflag:s0] =	ssyncset.done @!p0 $0x0  }
0x6b: {  	[sflag:s0] =	ssyncadd.s32 @!p0 s1  }
0x6c: {  	[bflag:$0x3] =	sbarrier.arrive $0xFFFF  }
0x6d: {  	_ =	shalt  }

// kernel: kernel.18.cloned.1.call-start
scs
__scs_entry_jumppad:
0x0: {  	(pc) =	sbr.rel $0x88, $3  }
0x1: {  	(tag) =	ssettag $0x0;
	lr =	simm.s32 $0x1  }
0x2: {  	[smem:$0x3F97] =	sst lr;
	_ =	strace $0xD0000000  }
0x3: {  	_ = 	snop  }
0x4: {  	_ = 	snop  }
0x5: {  	_ = 	snop  }
0x6: {  	_ = 	snop  }
0x7: {  	_ = 	snop  }
__scs_overlays_trampoline_lowered:
0x8: {  	[smem:$0x3FA6] =	sst s0  }
0x9: {  	[smem:$0x3FA7] =	sst s1  }
0xa: {  	[smem:$0x3FA8] =	sst s2  }
0xb: {  	[smem:$0x3FA9] =	sst s3  }
0xc: {  	[smem:$0x3FAA] =	sst s4  }
0xd: {  	[smem:$0x3FAB] =	sst s5  }
0xe: {  	[smem:$0x3FAC] =	sst s6  }
0xf: {  	[smem:$0x3FAD] =	sst s7  }
0x10: {  	[smem:$0x3FAE] =	sst s8  }
0x11: {  	[smem:$0x3FAF] =	sst s9;
	s0 =	simm.s32 @!p0 $0x0  }
0x12: {  	s1 =	sld [smem:$0x3F95];
	s0 =	simm.s32 @p0 $0x1  }
0x13: {  	[smem:$0x3FB0] =	sst s0;
	s0 =	simm.s32 @!p1 $0x0  }
0x14: {  	s2 =	sld [smem:$0x3F94];
	s0 =	simm.s32 @p1 $0x1  }
0x15: {  	[smem:$0x3FB1] =	sst s0;
	s0 =	simm.s32 @!p2 $0x0  }
0x16: {  	s3 =	sld [smem:$0x3FDB];
	s0 =	simm.s32 @p2 $0x1  }
0x17: {  	s4 =	simm.s32 $0x1BF5;
	[smem:$0x3FB3] =	sst s0  }
0x18: {  	s0 =	sld [smem:$0x3F96];
	_ =	swait.ge [sflag:s4], $0x0  }
0x19: {  	s7 =	sld [smem:$0x3F97]  }
0x1a: {  	s8 =	sadd.s32 $0xFFFFE003, lr  }
0x1b: {  	s9 =	sadd.s32 $0xFFFFFEF7, lr;
	s5 =	simm.s32 $0xFFFFFFFF;
	p2 =	slt.u32 s8, $0xFFFFF086  }
0x1c: {  	p1 =	slt.u32 s9, $0xF7A;
	s5 =	simm.s32 @!p2 $0x0  }
0x1d: {  	s5 =	simm.s32 @p1 $0x1;
	p0 =	seq.s32 s7, s2  }
0x1e: {  	s7 =	smul.u32 @!p0 $0xF7A, s2;
	p2 =	seq.s32 @!p0 s5, $0x0  }
0x1f: {  	s9 =	smul.u32 $0xF7A, s1;
	s8 =	simm.s32 @!p0 $0x1BF5;
	p2 =	por !p2, p0  }
0x20: {  	[sflag:s8] =	ssyncset.s32 @!p0 $0xFFFFF086;
	s6 =	sadd.s32 @!p0 s3, s7;
	s7 =	simm.s32 @!p0 $0x108  }
0x21: {  	s3 =	sadd.s32 s3, s9;
	s6 =	sadd.s32 @!p0 $0x88, s6;
	s7 =	simm.s32 @p2 $0x1082  }
0x22: {  	[simem:s7], [sflag:s8] =	dma.local @!p0 [hbm:s6], $0xF7A  }
0x23: {  	s9 =	sor.u32 $0xD0000000, s2;
	s6 =	simm.s32 $0x108;
	_ =	swait.ge @!p0 [sflag:s8], $0x0  }
0x24: {  	s3 =	sadd.s32 $0x88, s3;
	s6 =	simm.s32 @!p1 $0x1082;
	[sflag:s4] =	ssyncset.s32 $0xFFFFF086  }
0x25: {  	[simem:s6], [sflag:s4] =	dma.local [hbm:s3], $0xF7A  }
0x26: {  	[smem:$0x3F97] =	sst s1;
	(tag) =	ssettag s2;
	_ =	strace s9  }
0x27: {  	s1 =	sld [smem:$0x3FA7]  }
0x28: {  	s2 =	sld [smem:$0x3FA8]  }
0x29: {  	s4 =	sld [smem:$0x3FAA]  }
0x2a: {  	p0 =	seq.s32 s5, $0x0;
	s5 =	sld [smem:$0x3FAB]  }
0x2b: {  	s6 =	sld [smem:$0x3FAC]  }
0x2c: {  	s7 =	sld [smem:$0x3FAD]  }
0x2d: {  	s3 =	simm.s32 $0x108;
	s8 =	sld [smem:$0x3FAE]  }
0x2e: {  	s3 =	simm.s32 @!p0 $0x1082;
	s9 =	sld [smem:$0x3FAF]  }
0x2f: {  	lr =	sadd.s32 s0, s3;
	s0 =	sld [smem:$0x3FA6]  }
0x30: {  	s3 =	sld [smem:$0x3FA9]  }
0x31: {  	[smem:$0x3FB2] =	sst s10  }
0x32: {  	s10 =	sld [smem:$0x3FB0];
	_ =	sdelay $0x3  }
0x33: {  	p0 =	seq.s32 s10, $0x1;
	s10 =	sld [smem:$0x3FB2];
	_ =	sdelay $0x3  }
0x34: {  	[smem:$0x3FB2] =	sst s10  }
0x35: {  	s10 =	sld [smem:$0x3FB1];
	_ =	sdelay $0x3  }
0x36: {  	p1 =	seq.s32 s10, $0x1;
	s10 =	sld [smem:$0x3FB2];
	_ =	sdelay $0x3  }
0x37: {  	[smem:$0x3FB2] =	sst s10  }
0x38: {  	s10 =	sld [smem:$0x3FB3]  }
0x39: {  	_ = 	snop;
	(pc) =	sbr.ind lr, $3  }
0x3a: {  	_ = 	snop  }
0x3b: {  	_ = 	snop  }
0x3c: {  	p2 =	seq.s32 s10, $0x1;
	s10 =	sld [smem:$0x3FB2]  }
0x3d: {  	_ =	shalt  }
0x3e: {  	_ =	shalt  }
0x3f: {  	_ =	shalt  }
0x40: {  	_ =	shalt  }
0x41: {  	_ =	shalt  }
0x42: {  	_ =	shalt  }
0x43: {  	_ =	shalt  }
0x44: {  	_ =	shalt  }
0x45: {  	_ =	shalt  }
0x46: {  	_ =	shalt  }
0x47: {  	_ =	shalt  }
0x48: {  	_ =	shalt  }
0x49: {  	_ =	shalt  }
0x4a: {  	_ =	shalt  }
0x4b: {  	_ =	shalt  }
0x4c: {  	_ =	shalt  }
0x4d: {  	_ =	shalt  }
0x4e: {  	_ =	shalt  }
0x4f: {  	_ =	shalt  }
0x50: {  	_ =	shalt  }
0x51: {  	_ =	shalt  }
0x52: {  	_ =	shalt  }
0x53: {  	_ =	shalt  }
0x54: {  	_ =	shalt  }
0x55: {  	_ =	shalt  }
0x56: {  	_ =	shalt  }
0x57: {  	_ =	shalt  }
0x58: {  	_ =	shalt  }
0x59: {  	_ =	shalt  }
0x5a: {  	_ =	shalt  }
0x5b: {  	_ =	shalt  }
0x5c: {  	_ =	shalt  }
0x5d: {  	_ =	shalt  }
0x5e: {  	_ =	shalt  }
0x5f: {  	_ =	shalt  }
0x60: {  	_ =	shalt  }
0x61: {  	_ =	shalt  }
0x62: {  	_ =	shalt  }
0x63: {  	_ =	shalt  }
0x64: {  	_ =	shalt  }
0x65: {  	_ =	shalt  }
0x66: {  	_ =	shalt  }
0x67: {  	_ =	shalt  }
0x68: {  	_ =	shalt  }
0x69: {  	_ =	shalt  }
0x6a: {  	_ =	shalt  }
0x6b: {  	_ =	shalt  }
0x6c: {  	_ =	shalt  }
0x6d: {  	_ =	shalt  }
0x6e: {  	_ =	shalt  }
0x6f: {  	_ =	shalt  }
0x70: {  	_ =	shalt  }
0x71: {  	_ =	shalt  }
0x72: {  	_ =	shalt  }
0x73: {  	_ =	shalt  }
0x74: {  	_ =	shalt  }
0x75: {  	_ =	shalt  }
0x76: {  	_ =	shalt  }
0x77: {  	_ =	shalt  }
0x78: {  	_ =	shalt  }
0x79: {  	_ =	shalt  }
0x7a: {  	_ =	shalt  }
0x7b: {  	_ =	shalt  }
0x7c: {  	_ =	shalt  }
0x7d: {  	_ =	shalt  }
0x7e: {  	_ =	shalt  }
0x7f: {  	_ =	shalt  }
0x80: {  	_ =	shalt  }
0x81: {  	_ =	shalt  }
0x82: {  	_ =	shalt  }
0x83: {  	_ =	shalt  }
0x84: {  	_ =	shalt  }
0x85: {  	_ =	shalt  }
0x86: {  	_ =	shalt  }
0x87: {  	_ =	shalt  }
.Lfunc_end0:
.L_simem_size_0:
called_computation.2_lowered:
.L_overlay_start_0:
0x88: {  	s2 =	sld [smem:$0x3FD9]  }
0x89: {  	s3 =	sld [smem:$0x3FFE];
	_ =	sdelay $0x1  }
0x8a: {  	s1 =	srdreg.scid  }
0x8b: {  	s0 =	sand.u32 $0x1, s1  }
0x8c: {  	s14 =	sshll.u32 s0, $0xA;
	s2 =	sadd.s32 s3, s2  }
0x8d: {  	s2 =	sadd.s32 s2, s14  }
0x8e: {  	[smem:$0x3FBE] =	sst s2  }
0x8f: {  	_ = 	snop  }
0x90: {  	s2 =	sld [smem:$0x3FD0];
	_ =	sdelay $0x2  }
0x91: {  	s15 =	simm.s32 $0xA;
	s4 =	simm.s32 $0x10  }
0x92: {  	[smem:s4], [sflag:s15] =	dma.local [hbm:s2], $0x1  }
0x93: {  	_ =	swait.eq [sflag:s15], $0x1  }
0x94: {  	[sflag:s15] =	ssyncset.done $0x0  }
0x95: {  	[sflag:s15] =	ssyncadd.s32 $0xFFFFFFFF  }
0x96: {  	s16 =	sld [smem:$0x10];
	(tm) =	ssettm $0x1  }
0x97: {  	s17 =	sld [smem:$0x3FFB];
	_ =	sdelay $0x3  }
0x98: {  	_ =	strace s17  }
0x99: {  	s3 =	sld [smem:$0x3FFC];
	_ =	sdelay $0x3  }
0x9a: {  	_ =	strace s3  }
0x9b: {  	s3 =	sld [smem:$0x3FFD];
	_ =	sdelay $0x3  }
0x9c: {  	_ =	strace s3  }
0x9d: {  	_ =	strace $0x8FFFFFFF  }
0x9e: {  	s18 =	sld [smem:$0x3FDB];
	_ =	sdelay $0x1  }
0x9f: {  	s19 =	simm.s32 $_scs_section_size  }
0xa0: {  	s5 =	simm.s32 $_size__tile_overlayer_lowered;
	s6 =	simm.s32 $_tile_overlayer_lowered  }
0xa1: {  	s22 =	simm.s32 $0x1BFF;
	s21 =	sshll.u32 s6, $0x1;
	s3 =	sadd.s32 s19, s18  }
0xa2: {  	s7 =	simm.s32 $0x0;
	s20 =	sshll.u32 s5, $0x1;
	s5 =	sadd.s32 s21, s3  }
0xa3: {  	[timem:s7], [sflag:s22] =	dma.local [hbm:s5], s20  }
0xa4: {  	_ =	swait.ge [sflag:s22], s20  }
0xa5: {  	s4 =	ssub.s32 $0x0, s20;
	[sflag:s22] =	ssyncset.done $0x0  }
0xa6: {  	[sflag:s22] =	ssyncadd.s32 s4;
	_ =	sdelay $0x1  }
0xa7: {  	s23 =	simm.s32 $0x1B8B  }
0xa8: {  	_ =	swait.ge [sflag:s23], $0x1  }
0xa9: {  	[sflag:s23] =	ssyncset.done $0x0  }
0xaa: {  	s25 =	simm.s32 $0x1B8E;
	s24 =	sld [smem:$0x3FFE];
	[sflag:s23] =	ssyncadd.s32 $0xFFFFFFFF  }
0xab: {  	s26 =	simm.s32 $execute0_lowered;
	[smem:$0x3FD2] =	sst s25  }
0xac: {  	s5 =	sshll.u32 s26, $0x1;
	_ =	strace $0x8000004C;
	[dreg:$0x1] =	wrdreg $0xFFFFFFFF  }
0xad: {  	s28 =	simm.s32 $_size_execute0_lowered;
	s3 =	sadd.s32 s3, s5;
	[dreg:$0x0] =	wrdreg $0x0  }
0xae: {  	s5 =	sshll.u32 s28, $0x1;
	[dreg:$0x2] =	wrdreg s3  }
0xaf: {  	[dreg:$0x3] =	wrdreg s5  }
0xb0: {  	[dreg:$0x4] =	wrdreg $0xC0  }
0xb1: {  	_ =	task [dreg:s7], $0x5FFFF  }
0xb2: {  	[dreg:$0x1] =	wrdreg $0xFFFFFFFF  }
0xb3: {  	[dreg:$0x0] =	wrdreg $0x60  }
0xb4: {  	[dreg:$0x2] =	wrdreg s16  }
0xb5: {  	[dreg:$0x3] =	wrdreg s24  }
0xb6: {  	[dreg:$0x4] =	wrdreg $0x9E200  }
0xb7: {  	[dreg:$0x5] =	wrdreg $0x9  }
0xb8: {  	_ =	task.clear_ibuf [dreg:s7], $0x6FFFF;
	_ =	strace $0x9000004C  }
0xb9: {  	s29 =	simm.s32 $0x9;
	_ =	strace $0x8000004E  }
0xba: {  	_ =	swait.ge [sflag:s29], $0x1  }
0xbb: {  	[sflag:s29] =	ssyncadd.s32 $0xFFFFFFFF  }
0xbc: {  	_ =	strace $0x9000004E  }
0xbd: {  	_ =	sfence  }
0xbe: {  	s30 =	sld [smem:$0x0];
	_ =	sdelay $0x2  }
0xbf: {  	s31 =	sshll.u32 s1, $0xD;
	s1 =	sshrl.u32 s1, $0x2  }
0xc0: {  	s3 =	sand.u32 $0x4000, s31;
	s1 =	sadd.s32 s1, s30  }
0xc1: {  	s0 =	sor.u32 s3, s0;
	s1 =	sshll.u32 s1, $0x11  }
0xc2: {  	s0 =	sor.u32 s1, s0  }
0xc3: {  	s0 =	sadd.s32 $0x8F2B, s0  }
0xc4: {  	[sflag:s0] =	ssyncadd.remote.s32 $0x1  }
0xc5: {  	_ =	sfence.sel $0xFFFF  }
0xc6: {  	[dreg:$0x0] =	wrdreg $0xFFFFFFFF;
	(pc) =	sbr.abs _section_cstart, $3  }
0xc7: {  	[dreg:$0x1] =	wrdreg $0xFFFFFFFF  }
0xc8: {  	_ =	task.clear_ibuf [dreg:s7], $0x2FFFF;
	_ =	strace $0x9FFFFFFF  }
0xc9: {  	(tm) =	ssettm $0x7FFFFFFF  }
tec
execute0_lowered:
.L_overlay_start_1:
0x0: {  	(tag) =	ssettag $0x1  }
0x1: {  	s1 =	rddreg [dreg:$0x0]  }
0x2: {  	s6 =	rddreg [dreg:$0x1]  }
0x3: {  	s0 =	srdreg.scid;
	s3 =	rddreg [dreg:$0x2]  }
0x4: {  	s4 =	simm.s32 $0x0;
	s14 =	simm.s32 $0x4E20;
	s15 =	simm.s32 $0x7620  }
0x5: {  	s16 =	simm.s32 $0x1;
	s17 =	simm.s32 $0x3;
	s18 =	simm.s32 $0x2  }
0x6: {  	s19 =	simm.s32 $0x4;
	s20 =	simm.s32 $0x4D30;
	s21 =	simm.s32 $0x26C0  }
0x7: {  	s22 =	simm.s32 $0x4D80;
	s5 =	sand.u32 $0x1, s0;
	s0 =	stileid.u32  }
0x8: {  	s23 =	simm.s32 $0x4DD0;
	[smem:$0x7FF] =	sst s4;
	s8 =	smul.u32 $0x13880, s0  }
0x9: {  	s2 =	sshll.u32 s5, $0x4;
	s9 =	smul.u32 $0x27100, s5;
	s5 =	ssub.s32 $0x2, s5  }
0xa: {  	s31 =	sshll.u32 s0, $0x6;
	s7 =	sor.u32 s0, s2;
	s2 =	rddreg [dreg:$0x3]  }
0xb: {  	_ =	strace $0x8000004D;
	s30 =	sshrl.u32 s5, $0x1;
	s7 =	smul.u32 $0x4E2, s7  }
0xc: {  	s24 =	sshrl.u32 s8, $0x3;
	s9 =	sadd.s32 s9, s6;
	s12 =	ssub.s32 s5, s30  }
0xd: {  	s13 =	sadd.s32 s8, s3;
	s11 =	sadd.s32 s24, s6;
	s25 =	sadd.s32 $0x68200, s9  }
0xe: {  	s9 =	smax.u32 s12, $0x1;
	s12 =	simm.s32 $0x2710;
	s10 =	sadd.s32 s7, s6  }
0xf: {  	s5 =	sadd.s32 $0x41000, s11;
	s6 =	sor.u32 $0x1C05, s31;
	s11 =	simm.s32 $0x5  }
0x10: {  	s24 =	sadd.s32 s24, s25;
	s25 =	simm.s32 $0x0;
	s7 =	sadd.s32 $0x6200, s10  }
0x11: {  	s8 =	sadd.s32 $0x10000, s10;
	s10 =	sshrl.u32 s13, $0x3;
	s13 =	simm.s32 $0x50  }
.LBB2_1:
0x12: {  	[spmem:s10], [sflag:s6] =	dma.local [hbm:s5], $0x2710  }
0x13: {  	_ =	swait.ge [sflag:s11], $0x2710  }
0x14: {  	[sflag:s11] =	ssyncset.done $0x0  }
0x15: {  	[sflag:s11] =	ssyncadd.s32 $0xFFFFD8F0  }
0x16: {  	[tilespmem:s4], [sflag:$0x5] =	stream.linear.gather [hbm4b:s7+s4], $0x2710, $0x38;
	[tilespmem:$0x1D6A0] =	vst v63  }
0x17: {  	_ =	swait.ge [sflag:s11], $0x2710  }
0x18: {  	[sflag:s11] =	ssyncset.done $0x0  }
0x19: {  	[sflag:s11] =	ssyncadd.s32 $0xFFFFD8F0  }
0x1a: {  	[tilespmem:s12], [sflag:$0x5] =	stream.linear.gather [hbm4b:s8+s4], $0x2710, $0x38;
	[tilespmem:$0x1D6A0] =	vst v63  }
0x1b: {  	_ =	swait.ge [sflag:s11], $0x2710  }
0x1c: {  	[sflag:s11] =	ssyncset.done $0x0  }
0x1d: {  	[sflag:s11] =	ssyncadd.s32 $0xFFFFD8F0  }
0x1e: {  	[bflag:$0x0] =	sbarrier.arrive $0xFFFF  }
0x1f: {  	[tilespmem:s14], [sflag:$0x1] =	stream.indirect.gather [hbm4b:s1+s13], $0x80, s4, s13, $0xb8;
	[tilespmem:$0x1D6A0] =	vst v63  }
0x20: {  	_ = 	snop  }
0x21: {  	[tilespmem:s15], [sflag:$0x2] =	stream.indirect.gather [hbm4b:s1+s13], $0x80, s13, s13, $0xb8;
	[tilespmem:$0x1D6A0] =	vst v63  }
0x22: {  	_ =	swait.ge [sflag:s16], $0x2800  }
0x23: {  	[sflag:s16] =	ssyncset.done $0x0  }
0x24: {  	s26 =	simm.s32 $0x2710;
	[sflag:s16] =	ssyncadd.s32 $0xFFFFD800  }
0x25: {  	[spmem:s3] =	stream.indirect.scatter.add.f32 [tilespmem:s14], [sflag:$0x3], $0x80, s26, s13, $0xb8;
	[tilespmem:$0x1D6A0] =	vst v63  }
0x26: {  	_ =	swait.ge [sflag:s17], $0x2800  }
0x27: {  	[sflag:s17] =	ssyncset.done $0x0  }
0x28: {  	s30 =	simm.s32 $0xA0;
	[sflag:s17] =	ssyncadd.s32 $0xFFFFD800  }
0x29: {  	[tilespmem:s14], [sflag:$0x1] =	stream.indirect.gather [hbm4b:s1+s13], $0x80, s30, s13, $0xb8;
	[tilespmem:$0x1D6A0] =	vst v63  }
0x2a: {  	_ =	swait.ge [sflag:s18], $0x2800  }
0x2b: {  	[sflag:s18] =	ssyncset.done $0x0  }
0x2c: {  	s31 =	simm.s32 $0x2760;
	[sflag:s18] =	ssyncadd.s32 $0xFFFFD800  }
0x2d: {  	[spmem:s3] =	stream.indirect.scatter.add.f32 [tilespmem:s15], [sflag:$0x4], $0x80, s31, s13, $0xb8;
	[tilespmem:$0x1D6A0] =	vst v63  }
0x2e: {  	_ =	swait.ge [sflag:s19], $0x2800  }
0x2f: {  	[sflag:s19] =	ssyncset.done $0x0  }
0x30: {  	s28 =	simm.s32 $0xF0;
	s26 =	simm.s32 $0x280;
	[sflag:s19] =	ssyncadd.s32 $0xFFFFD800  }
.LBB2_2:
0x31: {  	[tilespmem:s15], [sflag:$0x2] =	stream.indirect.gather [hbm4b:s1+s13], $0x80, s28, s13, $0xb8;
	[tilespmem:$0x1D6A0] =	vst v63  }
0x32: {  	s28 =	smov.u32 s26  }
0x33: {  	p0 =	sne.s32 s26, $0x9600;
	s26 =	sadd.s32 $0x280, s26;
	_ =	swait.ge [sflag:s16], $0x2800  }
0x34: {  	s28 =	sshra.s32 s28, $0x2;
	[sflag:s16] =	ssyncset.done $0x0  }
0x35: {  	s29 =	sadd.s32 $0x2710, s28;
	[sflag:s16] =	ssyncadd.s32 $0xFFFFD800  }
0x36: {  	[spmem:s3] =	stream.indirect.scatter.add.f32 [tilespmem:s14], [sflag:$0x3], $0x80, s29, s13, $0xb8;
	[tilespmem:$0x1D6A0] =	vst v63  }
0x37: {  	_ =	swait.ge [sflag:s17], $0x2800  }
0x38: {  	[sflag:s17] =	ssyncset.done $0x0  }
0x39: {  	s29 =	sadd.s32 $0xA0, s28;
	[sflag:s17] =	ssyncadd.s32 $0xFFFFD800  }
0x3a: {  	[tilespmem:s14], [sflag:$0x1] =	stream.indirect.gather [hbm4b:s1+s13], $0x80, s29, s13, $0xb8;
	[tilespmem:$0x1D6A0] =	vst v63  }
0x3b: {  	_ =	swait.ge [sflag:s18], $0x2800  }
0x3c: {  	[sflag:s18] =	ssyncset.done $0x0  }
.Ltmp0:
0x3d: {  	s29 =	sadd.s32 $0x2760, s28;
	[sflag:s18] =	ssyncadd.s32 $0xFFFFD800;
	(pc) =	sbr.rel @p0 .LBB2_2-.Ltmp0, $4  }
0x3e: {  	[spmem:s3] =	stream.indirect.scatter.add.f32 [tilespmem:s15], [sflag:$0x4], $0x80, s29, s13, $0xb8;
	[tilespmem:$0x1D6A0] =	vst v63  }
0x3f: {  	_ =	swait.ge [sflag:s19], $0x2800  }
0x40: {  	[sflag:s19] =	ssyncset.done $0x0  }
0x41: {  	s28 =	sadd.s32 $0xF0, s28;
	[sflag:s19] =	ssyncadd.s32 $0xFFFFD800  }
0x42: {  	[tilespmem:s15], [sflag:$0x2] =	stream.indirect.gather [hbm4b:s1+s13], $0x80, s28, s13, $0xb8;
	[tilespmem:$0x1D6A0] =	vst v63  }
0x43: {  	_ =	swait.ge [sflag:s16], $0x2800  }
0x44: {  	[sflag:s16] =	ssyncset.done $0x0  }
0x45: {  	[sflag:s16] =	ssyncadd.s32 $0xFFFFD800  }
0x46: {  	[spmem:s3] =	stream.indirect.scatter.add.f32 [tilespmem:s14], [sflag:$0x3], $0x80, s20, s13, $0xb8;
	[tilespmem:$0x1D6A0] =	vst v63  }
0x47: {  	_ =	swait.ge [sflag:s17], $0x2800  }
0x48: {  	[sflag:s17] =	ssyncset.done $0x0  }
0x49: {  	[sflag:s17] =	ssyncadd.s32 $0xFFFFD800  }
0x4a: {  	[tilespmem:s14], [sflag:$0x1] =	stream.indirect.gather [hbm4b:s1+s13], $0x80, s21, s13, $0xb8;
	[tilespmem:$0x1D6A0] =	vst v63  }
0x4b: {  	_ =	swait.ge [sflag:s18], $0x2800  }
0x4c: {  	[sflag:s18] =	ssyncset.done $0x0  }
0x4d: {  	[sflag:s18] =	ssyncadd.s32 $0xFFFFD800  }
0x4e: {  	[spmem:s3] =	stream.indirect.scatter.add.f32 [tilespmem:s15], [sflag:$0x4], $0x80, s22, s13, $0xb8;
	[tilespmem:$0x1D6A0] =	vst v63  }
0x4f: {  	_ =	swait.ge [sflag:s19], $0x2800  }
0x50: {  	[sflag:s19] =	ssyncset.done $0x0  }
0x51: {  	[sflag:s19] =	ssyncadd.s32 $0xFFFFD800  }
0x52: {  	_ =	swait.ge [sflag:s16], $0x2800  }
0x53: {  	[sflag:s16] =	ssyncset.done $0x0  }
0x54: {  	[sflag:s16] =	ssyncadd.s32 $0xFFFFD800  }
0x55: {  	[spmem:s3] =	stream.indirect.scatter.add.f32 [tilespmem:s14], [sflag:$0x3], $0x80, s23, s13, $0xb8;
	[tilespmem:$0x1D6A0] =	vst v63  }
0x56: {  	_ =	swait.ge [sflag:s17], $0x2800  }
0x57: {  	s25 =	sadd.s32 $0x1, s25;
	[sflag:s17] =	ssyncset.done $0x0  }
0x58: {  	p0 =	sne.s32 s25, s9;
	[sflag:s17] =	ssyncadd.s32 $0xFFFFD800  }
.Ltmp1:
0x59: {  	[bflag:$0x0] =	sbarrier.arrive $0xFFFF;
	(pc) =	sbr.rel @p0 .LBB2_1-.Ltmp1, $4  }
0x5a: {  	[hbm:s24], [sflag:s6] =	dma.local [spmem:s10], $0x2710  }
0x5b: {  	_ =	swait.ge [sflag:s11], $0x2710  }
0x5c: {  	[sflag:s11] =	ssyncset.done $0x0  }
0x5d: {  	[sflag:s11] =	ssyncadd.s32 $0xFFFFD8F0  }
0x5e: {  	_ =	sfence.sel $0x180000  }
0x5f: {  	[bflag:$0x0] =	sbarrier.arrive $0xFFFF  }
0x60: {  	p0 =	sne.s32 s0, $0x0;
	_ =	strace $0x9000004D  }
0x61: {  	s0 =	sadd.s32 @!p0 $0x100000, s2;
	[bflag:$0x2] =	sbarrier.arrive $0xFFFF  }
0x62: {  	[sflag:s0] =	ssyncadd.tile.s32 @!p0 $0x1;
	_ =	shalt  }
.Lfunc_end2:
_tile_overlayer_lowered:
.L_overlay_start_2:
0x63: {  	(tag) =	ssettag $0x2  }
0x64: {  	s0 =	rddreg [dreg:$0x0];
	s2 =	stileid.u32  }
0x65: {  	s1 =	rddreg [dreg:$0x1];
	p0 =	sne.s32 s2, $0x0  }
0x66: {  	s3 =	rddreg [dreg:$0x2];
	[bflag:$0x3] =	sbarrier.arrive $0xFFFF;
	s2 =	simm.s32 @!p0 $0x1C05  }
0x67: {  	[timem:s3], [sflag:s2] =	dma.local @!p0 [hbm:s0], s1  }
0x68: {  	s0 =	simm.s32 @!p0 $0x5  }
0x69: {  	_ =	swait.ge @!p0 [sflag:s0], s1  }
0x6a: {  	s1 =	ssub.s32 @!p0 $0x0, s1;
	[sflag:s0] =	ssyncset.done @!p0 $0x0  }
0x6b: {  	[sflag:s0] =	ssyncadd.s32 @!p0 s1  }
0x6c: {  	[bflag:$0x3] =	sbarrier.arrive $0xFFFF  }
0x6d: {  	_ =	shalt  }

// kernel: kernel.21.cloned.1.call-start
scs
__scs_entry_jumppad:
0x0: {  	(pc) =	sbr.rel $0x88, $3  }
0x1: {  	(tag) =	ssettag $0x0;
	lr =	simm.s32 $0x1  }
0x2: {  	[smem:$0x3F97] =	sst lr;
	_ =	strace $0xD0000000  }
0x3: {  	_ = 	snop  }
0x4: {  	_ = 	snop  }
0x5: {  	_ = 	snop  }
0x6: {  	_ = 	snop  }
0x7: {  	_ = 	snop  }
__scs_overlays_trampoline_lowered:
0x8: {  	[smem:$0x3FA6] =	sst s0  }
0x9: {  	[smem:$0x3FA7] =	sst s1  }
0xa: {  	[smem:$0x3FA8] =	sst s2  }
0xb: {  	[smem:$0x3FA9] =	sst s3  }
0xc: {  	[smem:$0x3FAA] =	sst s4  }
0xd: {  	[smem:$0x3FAB] =	sst s5  }
0xe: {  	[smem:$0x3FAC] =	sst s6  }
0xf: {  	[smem:$0x3FAD] =	sst s7  }
0x10: {  	[smem:$0x3FAE] =	sst s8  }
0x11: {  	[smem:$0x3FAF] =	sst s9;
	s0 =	simm.s32 @!p0 $0x0  }
0x12: {  	s1 =	sld [smem:$0x3F95];
	s0 =	simm.s32 @p0 $0x1  }
0x13: {  	[smem:$0x3FB0] =	sst s0;
	s0 =	simm.s32 @!p1 $0x0  }
0x14: {  	s2 =	sld [smem:$0x3F94];
	s0 =	simm.s32 @p1 $0x1  }
0x15: {  	[smem:$0x3FB1] =	sst s0;
	s0 =	simm.s32 @!p2 $0x0  }
0x16: {  	s3 =	sld [smem:$0x3FDB];
	s0 =	simm.s32 @p2 $0x1  }
0x17: {  	s4 =	simm.s32 $0x1BF5;
	[smem:$0x3FB3] =	sst s0  }
0x18: {  	s0 =	sld [smem:$0x3F96];
	_ =	swait.ge [sflag:s4], $0x0  }
0x19: {  	s7 =	sld [smem:$0x3F97]  }
0x1a: {  	s8 =	sadd.s32 $0xFFFFE003, lr  }
0x1b: {  	s9 =	sadd.s32 $0xFFFFFEF7, lr;
	s5 =	simm.s32 $0xFFFFFFFF;
	p2 =	slt.u32 s8, $0xFFFFF086  }
0x1c: {  	p1 =	slt.u32 s9, $0xF7A;
	s5 =	simm.s32 @!p2 $0x0  }
0x1d: {  	s5 =	simm.s32 @p1 $0x1;
	p0 =	seq.s32 s7, s2  }
0x1e: {  	s7 =	smul.u32 @!p0 $0xF7A, s2;
	p2 =	seq.s32 @!p0 s5, $0x0  }
0x1f: {  	s9 =	smul.u32 $0xF7A, s1;
	s8 =	simm.s32 @!p0 $0x1BF5;
	p2 =	por !p2, p0  }
0x20: {  	[sflag:s8] =	ssyncset.s32 @!p0 $0xFFFFF086;
	s6 =	sadd.s32 @!p0 s3, s7;
	s7 =	simm.s32 @!p0 $0x108  }
0x21: {  	s3 =	sadd.s32 s3, s9;
	s6 =	sadd.s32 @!p0 $0x88, s6;
	s7 =	simm.s32 @p2 $0x1082  }
0x22: {  	[simem:s7], [sflag:s8] =	dma.local @!p0 [hbm:s6], $0xF7A  }
0x23: {  	s9 =	sor.u32 $0xD0000000, s2;
	s6 =	simm.s32 $0x108;
	_ =	swait.ge @!p0 [sflag:s8], $0x0  }
0x24: {  	s3 =	sadd.s32 $0x88, s3;
	s6 =	simm.s32 @!p1 $0x1082;
	[sflag:s4] =	ssyncset.s32 $0xFFFFF086  }
0x25: {  	[simem:s6], [sflag:s4] =	dma.local [hbm:s3], $0xF7A  }
0x26: {  	[smem:$0x3F97] =	sst s1;
	(tag) =	ssettag s2;
	_ =	strace s9  }
0x27: {  	s1 =	sld [smem:$0x3FA7]  }
0x28: {  	s2 =	sld [smem:$0x3FA8]  }
0x29: {  	s4 =	sld [smem:$0x3FAA]  }
0x2a: {  	p0 =	seq.s32 s5, $0x0;
	s5 =	sld [smem:$0x3FAB]  }
0x2b: {  	s6 =	sld [smem:$0x3FAC]  }
0x2c: {  	s7 =	sld [smem:$0x3FAD]  }
0x2d: {  	s3 =	simm.s32 $0x108;
	s8 =	sld [smem:$0x3FAE]  }
0x2e: {  	s3 =	simm.s32 @!p0 $0x1082;
	s9 =	sld [smem:$0x3FAF]  }
0x2f: {  	lr =	sadd.s32 s0, s3;
	s0 =	sld [smem:$0x3FA6]  }
0x30: {  	s3 =	sld [smem:$0x3FA9]  }
0x31: {  	[smem:$0x3FB2] =	sst s10  }
0x32: {  	s10 =	sld [smem:$0x3FB0];
	_ =	sdelay $0x3  }
0x33: {  	p0 =	seq.s32 s10, $0x1;
	s10 =	sld [smem:$0x3FB2];
	_ =	sdelay $0x3  }
0x34: {  	[smem:$0x3FB2] =	sst s10  }
0x35: {  	s10 =	sld [smem:$0x3FB1];
	_ =	sdelay $0x3  }
0x36: {  	p1 =	seq.s32 s10, $0x1;
	s10 =	sld [smem:$0x3FB2];
	_ =	sdelay $0x3  }
0x37: {  	[smem:$0x3FB2] =	sst s10  }
0x38: {  	s10 =	sld [smem:$0x3FB3]  }
0x39: {  	_ = 	snop;
	(pc) =	sbr.ind lr, $3  }
0x3a: {  	_ = 	snop  }
0x3b: {  	_ = 	snop  }
0x3c: {  	p2 =	seq.s32 s10, $0x1;
	s10 =	sld [smem:$0x3FB2]  }
0x3d: {  	_ =	shalt  }
0x3e: {  	_ =	shalt  }
0x3f: {  	_ =	shalt  }
0x40: {  	_ =	shalt  }
0x41: {  	_ =	shalt  }
0x42: {  	_ =	shalt  }
0x43: {  	_ =	shalt  }
0x44: {  	_ =	shalt  }
0x45: {  	_ =	shalt  }
0x46: {  	_ =	shalt  }
0x47: {  	_ =	shalt  }
0x48: {  	_ =	shalt  }
0x49: {  	_ =	shalt  }
0x4a: {  	_ =	shalt  }
0x4b: {  	_ =	shalt  }
0x4c: {  	_ =	shalt  }
0x4d: {  	_ =	shalt  }
0x4e: {  	_ =	shalt  }
0x4f: {  	_ =	shalt  }
0x50: {  	_ =	shalt  }
0x51: {  	_ =	shalt  }
0x52: {  	_ =	shalt  }
0x53: {  	_ =	shalt  }
0x54: {  	_ =	shalt  }
0x55: {  	_ =	shalt  }
0x56: {  	_ =	shalt  }
0x57: {  	_ =	shalt  }
0x58: {  	_ =	shalt  }
0x59: {  	_ =	shalt  }
0x5a: {  	_ =	shalt  }
0x5b: {  	_ =	shalt  }
0x5c: {  	_ =	shalt  }
0x5d: {  	_ =	shalt  }
0x5e: {  	_ =	shalt  }
0x5f: {  	_ =	shalt  }
0x60: {  	_ =	shalt  }
0x61: {  	_ =	shalt  }
0x62: {  	_ =	shalt  }
0x63: {  	_ =	shalt  }
0x64: {  	_ =	shalt  }
0x65: {  	_ =	shalt  }
0x66: {  	_ =	shalt  }
0x67: {  	_ =	shalt  }
0x68: {  	_ =	shalt  }
0x69: {  	_ =	shalt  }
0x6a: {  	_ =	shalt  }
0x6b: {  	_ =	shalt  }
0x6c: {  	_ =	shalt  }
0x6d: {  	_ =	shalt  }
0x6e: {  	_ =	shalt  }
0x6f: {  	_ =	shalt  }
0x70: {  	_ =	shalt  }
0x71: {  	_ =	shalt  }
0x72: {  	_ =	shalt  }
0x73: {  	_ =	shalt  }
0x74: {  	_ =	shalt  }
0x75: {  	_ =	shalt  }
0x76: {  	_ =	shalt  }
0x77: {  	_ =	shalt  }
0x78: {  	_ =	shalt  }
0x79: {  	_ =	shalt  }
0x7a: {  	_ =	shalt  }
0x7b: {  	_ =	shalt  }
0x7c: {  	_ =	shalt  }
0x7d: {  	_ =	shalt  }
0x7e: {  	_ =	shalt  }
0x7f: {  	_ =	shalt  }
0x80: {  	_ =	shalt  }
0x81: {  	_ =	shalt  }
0x82: {  	_ =	shalt  }
0x83: {  	_ =	shalt  }
0x84: {  	_ =	shalt  }
0x85: {  	_ =	shalt  }
0x86: {  	_ =	shalt  }
0x87: {  	_ =	shalt  }
.Lfunc_end0:
.L_simem_size_0:
called_computation.3_lowered:
.L_overlay_start_0:
0x88: {  	s2 =	sld [smem:$0x3FD9]  }
0x89: {  	s3 =	sld [smem:$0x3FFE];
	_ =	sdelay $0x1  }
0x8a: {  	s1 =	srdreg.scid  }
0x8b: {  	s0 =	sand.u32 $0x1, s1  }
0x8c: {  	s14 =	sshll.u32 s0, $0xA;
	s2 =	sadd.s32 s3, s2  }
0x8d: {  	s2 =	sadd.s32 s2, s14  }
0x8e: {  	[smem:$0x3FBE] =	sst s2  }
0x8f: {  	_ = 	snop  }
0x90: {  	s2 =	sld [smem:$0x3FD0];
	_ =	sdelay $0x2  }
0x91: {  	s15 =	simm.s32 $0xA;
	s4 =	simm.s32 $0x10  }
0x92: {  	[smem:s4], [sflag:s15] =	dma.local [hbm:s2], $0x1  }
0x93: {  	_ =	swait.eq [sflag:s15], $0x1  }
0x94: {  	s16 =	sld [smem:$0x10];
	[sflag:s15] =	ssyncset.done $0x0  }
0x95: {  	s17 =	sld [smem:$0x11];
	[sflag:s15] =	ssyncadd.s32 $0xFFFFFFFF  }
0x96: {  	s18 =	sld [smem:$0x12];
	(tm) =	ssettm $0x1  }
0x97: {  	s5 =	sld [smem:$0x3FFB];
	_ =	sdelay $0x3  }
0x98: {  	_ =	strace s5  }
0x99: {  	s5 =	sld [smem:$0x3FFC];
	_ =	sdelay $0x3  }
0x9a: {  	_ =	strace s5  }
0x9b: {  	s5 =	sld [smem:$0x3FFD];
	_ =	sdelay $0x3  }
0x9c: {  	_ =	strace s5  }
0x9d: {  	_ =	strace $0x8FFFFFFF  }
0x9e: {  	s19 =	sld [smem:$0x3FDB];
	_ =	sdelay $0x1  }
0x9f: {  	s6 =	simm.s32 $_scs_section_size  }
0xa0: {  	s7 =	simm.s32 $_size__tile_overlayer_lowered;
	s8 =	simm.s32 $_tile_overlayer_lowered  }
0xa1: {  	s22 =	simm.s32 $0x1BFF;
	s21 =	sshll.u32 s8, $0x1;
	s5 =	sadd.s32 s6, s19  }
0xa2: {  	s9 =	simm.s32 $0x0;
	s20 =	sshll.u32 s7, $0x1;
	s7 =	sadd.s32 s21, s5  }
0xa3: {  	[timem:s9], [sflag:s22] =	dma.local [hbm:s7], s20  }
0xa4: {  	_ =	swait.ge [sflag:s22], s20  }
0xa5: {  	s6 =	ssub.s32 $0x0, s20;
	[sflag:s22] =	ssyncset.done $0x0  }
0xa6: {  	[sflag:s22] =	ssyncadd.s32 s6;
	_ =	sdelay $0x1  }
0xa7: {  	s23 =	simm.s32 $0x1B8B  }
0xa8: {  	_ =	swait.ge [sflag:s23], $0x1  }
0xa9: {  	[sflag:s23] =	ssyncset.done $0x0  }
0xaa: {  	s25 =	simm.s32 $0x1B8E;
	s24 =	sld [smem:$0x3FFE];
	[sflag:s23] =	ssyncadd.s32 $0xFFFFFFFF  }
0xab: {  	s26 =	simm.s32 $execute0_lowered;
	[smem:$0x3FD2] =	sst s25  }
0xac: {  	s7 =	sshll.u32 s26, $0x1;
	_ =	strace $0x8000004F;
	[dreg:$0x1] =	wrdreg $0xFFFFFFFF  }
0xad: {  	s28 =	simm.s32 $_size_execute0_lowered;
	s5 =	sadd.s32 s5, s7;
	[dreg:$0x0] =	wrdreg $0x0  }
0xae: {  	s7 =	sshll.u32 s28, $0x1;
	[dreg:$0x2] =	wrdreg s5  }
0xaf: {  	[dreg:$0x3] =	wrdreg s7  }
0xb0: {  	[dreg:$0x4] =	wrdreg $0xC0  }
0xb1: {  	_ =	task [dreg:s9], $0x5FFFF  }
0xb2: {  	[dreg:$0x1] =	wrdreg $0xFFFFFFFF  }
0xb3: {  	[dreg:$0x0] =	wrdreg $0x60  }
0xb4: {  	[dreg:$0x2] =	wrdreg s18  }
0xb5: {  	[dreg:$0x3] =	wrdreg s24  }
0xb6: {  	[dreg:$0x4] =	wrdreg s17  }
0xb7: {  	[dreg:$0x5] =	wrdreg s16  }
0xb8: {  	[dreg:$0x6] =	wrdreg $0x76200  }
0xb9: {  	[dreg:$0x7] =	wrdreg $0x9  }
0xba: {  	_ =	task.clear_ibuf [dreg:s9], $0x8FFFF;
	_ =	strace $0x9000004F  }
0xbb: {  	s29 =	simm.s32 $0x9;
	_ =	strace $0x80000051  }
0xbc: {  	_ =	swait.ge [sflag:s29], $0x1  }
0xbd: {  	[sflag:s29] =	ssyncadd.s32 $0xFFFFFFFF  }
0xbe: {  	_ =	strace $0x90000051  }
0xbf: {  	_ =	sfence  }
0xc0: {  	s30 =	sld [smem:$0x0];
	_ =	sdelay $0x2  }
0xc1: {  	s31 =	sshll.u32 s1, $0xD;
	s1 =	sshrl.u32 s1, $0x2  }
0xc2: {  	s3 =	sand.u32 $0x4000, s31;
	s1 =	sadd.s32 s1, s30  }
0xc3: {  	s0 =	sor.u32 s3, s0;
	s1 =	sshll.u32 s1, $0x11  }
0xc4: {  	s0 =	sor.u32 s1, s0  }
0xc5: {  	s0 =	sadd.s32 $0x8F2B, s0  }
0xc6: {  	[sflag:s0] =	ssyncadd.remote.s32 $0x1  }
0xc7: {  	_ =	sfence.sel $0xFFFF  }
0xc8: {  	[dreg:$0x0] =	wrdreg $0xFFFFFFFF;
	(pc) =	sbr.abs _section_cstart, $3  }
0xc9: {  	[dreg:$0x1] =	wrdreg $0xFFFFFFFF  }
0xca: {  	_ =	task.clear_ibuf [dreg:s9], $0x2FFFF;
	_ =	strace $0x9FFFFFFF  }
0xcb: {  	(tm) =	ssettm $0x7FFFFFFF  }
tec
execute0_lowered:
.L_overlay_start_1:
0x0: {  	(tag) =	ssettag $0x1  }
0x1: {  	s0 =	rddreg [dreg:$0x0]  }
0x2: {  	s5 =	rddreg [dreg:$0x1]  }
0x3: {  	s6 =	rddreg [dreg:$0x2]  }
0x4: {  	s9 =	rddreg [dreg:$0x3]  }
0x5: {  	s1 =	srdreg.scid;
	s3 =	rddreg [dreg:$0x4];
	s4 =	simm.s32 $0x0  }
0x6: {  	s13 =	simm.s32 $0x50;
	s14 =	simm.s32 $0x4E20;
	s15 =	simm.s32 $0x6220  }
0x7: {  	s16 =	simm.s32 $0x1;
	s17 =	simm.s32 $0x3;
	s18 =	simm.s32 $0x2  }
0x8: {  	s19 =	simm.s32 $0x4;
	s20 =	simm.s32 $0x4D30;
	s21 =	simm.s32 $0x26C0  }
0x9: {  	s22 =	simm.s32 $0x4D80;
	s23 =	simm.s32 $0x4DD0;
	s7 =	sand.u32 $0x1, s1  }
0xa: {  	s1 =	stileid.u32;
	[smem:$0x7FF] =	sst s4;
	s2 =	sshll.u32 s7, $0x4  }
0xb: {  	s10 =	ssub.s32 $0x2, s7;
	s11 =	smul.u32 $0x9C40, s1;
	s30 =	sshll.u32 s1, $0x6  }
0xc: {  	s31 =	smul.u32 $0x13880, s7;
	s8 =	sor.u32 s1, s2;
	s2 =	rddreg [dreg:$0x5]  }
0xd: {  	_ =	strace $0x80000050;
	s29 =	sshrl.u32 s10, $0x1;
	s8 =	smul.u32 $0x4E2, s8  }
0xe: {  	s10 =	ssub.s32 s10, s29;
	s12 =	sadd.s32 s11, s3;
	s24 =	sshrl.u32 s11, $0x3  }
0xf: {  	s25 =	sadd.s32 s9, s31;
	s11 =	simm.s32 $0x5;
	s9 =	smax.u32 s10, $0x1  }
0x10: {  	s10 =	sshrl.u32 s12, $0x3;
	s12 =	simm.s32 $0x2710;
	s8 =	sadd.s32 s8, s5  }
0x11: {  	s5 =	sadd.s32 s6, s24;
	s6 =	sor.u32 $0x1C05, s30;
	s24 =	sadd.s32 s24, s25  }
0x12: {  	s25 =	simm.s32 $0x0;
	s7 =	sadd.s32 $0x6200, s8;
	s8 =	sadd.s32 $0x10000, s8  }
.LBB2_1:
0x13: {  	[spmem:s10], [sflag:s6] =	dma.local [hbm:s5], $0x1388  }
0x14: {  	_ =	swait.ge [sflag:s11], $0x1388  }
0x15: {  	[sflag:s11] =	ssyncset.done $0x0  }
0x16: {  	[sflag:s11] =	ssyncadd.s32 $0xFFFFEC78  }
0x17: {  	[tilespmem:s4], [sflag:$0x5] =	stream.linear.gather [hbm4b:s7+s4], $0x2710, $0x38;
	[tilespmem:$0x11260] =	vst v63  }
0x18: {  	_ =	swait.ge [sflag:s11], $0x2710  }
0x19: {  	[sflag:s11] =	ssyncset.done $0x0  }
0x1a: {  	[sflag:s11] =	ssyncadd.s32 $0xFFFFD8F0  }
0x1b: {  	[tilespmem:s12], [sflag:$0x5] =	stream.linear.gather [hbm4b:s8+s4], $0x2710, $0x38;
	[tilespmem:$0x11260] =	vst v63  }
0x1c: {  	_ =	swait.ge [sflag:s11], $0x2710  }
0x1d: {  	[sflag:s11] =	ssyncset.done $0x0  }
0x1e: {  	[sflag:s11] =	ssyncadd.s32 $0xFFFFD8F0  }
0x1f: {  	[bflag:$0x0] =	sbarrier.arrive $0xFFFF  }
0x20: {  	[tilespmem:s14], [sflag:$0x1] =	stream.indirect.gather [hbm4b:s0+s13], $0x40, s4, s13, $0xb8;
	[tilespmem:$0x11260] =	vst v63  }
0x21: {  	_ = 	snop  }
0x22: {  	[tilespmem:s15], [sflag:$0x2] =	stream.indirect.gather [hbm4b:s0+s13], $0x40, s13, s13, $0xb8;
	[tilespmem:$0x11260] =	vst v63  }
0x23: {  	_ =	swait.ge [sflag:s16], $0x1400  }
0x24: {  	[sflag:s16] =	ssyncset.done $0x0  }
0x25: {  	s26 =	simm.s32 $0x2710;
	[sflag:s16] =	ssyncadd.s32 $0xFFFFEC00  }
0x26: {  	[spmem:s3] =	stream.indirect.scatter.add.f32 [tilespmem:s14], [sflag:$0x3], $0x40, s26, s13, $0xb8;
	[tilespmem:$0x11260] =	vst v63  }
0x27: {  	_ =	swait.ge [sflag:s17], $0x1400  }
0x28: {  	[sflag:s17] =	ssyncset.done $0x0  }
0x29: {  	s30 =	simm.s32 $0xA0;
	[sflag:s17] =	ssyncadd.s32 $0xFFFFEC00  }
0x2a: {  	[tilespmem:s14], [sflag:$0x1] =	stream.indirect.gather [hbm4b:s0+s13], $0x40, s30, s13, $0xb8;
	[tilespmem:$0x11260] =	vst v63  }
0x2b: {  	_ =	swait.ge [sflag:s18], $0x1400  }
0x2c: {  	[sflag:s18] =	ssyncset.done $0x0  }
0x2d: {  	s31 =	simm.s32 $0x2760;
	[sflag:s18] =	ssyncadd.s32 $0xFFFFEC00  }
0x2e: {  	[spmem:s3] =	stream.indirect.scatter.add.f32 [tilespmem:s15], [sflag:$0x4], $0x40, s31, s13, $0xb8;
	[tilespmem:$0x11260] =	vst v63  }
0x2f: {  	_ =	swait.ge [sflag:s19], $0x1400  }
0x30: {  	[sflag:s19] =	ssyncset.done $0x0  }
0x31: {  	s28 =	simm.s32 $0xF0;
	s26 =	simm.s32 $0x280;
	[sflag:s19] =	ssyncadd.s32 $0xFFFFEC00  }
.LBB2_2:
0x32: {  	[tilespmem:s15], [sflag:$0x2] =	stream.indirect.gather [hbm4b:s0+s13], $0x40, s28, s13, $0xb8;
	[tilespmem:$0x11260] =	vst v63  }
0x33: {  	s28 =	smov.u32 s26  }
0x34: {  	p0 =	sne.s32 s26, $0x9600;
	s26 =	sadd.s32 $0x280, s26;
	_ =	swait.ge [sflag:s16], $0x1400  }
0x35: {  	s28 =	sshra.s32 s28, $0x2;
	[sflag:s16] =	ssyncset.done $0x0  }
0x36: {  	s29 =	sadd.s32 $0x2710, s28;
	[sflag:s16] =	ssyncadd.s32 $0xFFFFEC00  }
0x37: {  	[spmem:s3] =	stream.indirect.scatter.add.f32 [tilespmem:s14], [sflag:$0x3], $0x40, s29, s13, $0xb8;
	[tilespmem:$0x11260] =	vst v63  }
0x38: {  	_ =	swait.ge [sflag:s17], $0x1400  }
0x39: {  	[sflag:s17] =	ssyncset.done $0x0  }
0x3a: {  	s29 =	sadd.s32 $0xA0, s28;
	[sflag:s17] =	ssyncadd.s32 $0xFFFFEC00  }
0x3b: {  	[tilespmem:s14], [sflag:$0x1] =	stream.indirect.gather [hbm4b:s0+s13], $0x40, s29, s13, $0xb8;
	[tilespmem:$0x11260] =	vst v63  }
0x3c: {  	_ =	swait.ge [sflag:s18], $0x1400  }
0x3d: {  	[sflag:s18] =	ssyncset.done $0x0  }
.Ltmp0:
0x3e: {  	s29 =	sadd.s32 $0x2760, s28;
	[sflag:s18] =	ssyncadd.s32 $0xFFFFEC00;
	(pc) =	sbr.rel @p0 .LBB2_2-.Ltmp0, $4  }
0x3f: {  	[spmem:s3] =	stream.indirect.scatter.add.f32 [tilespmem:s15], [sflag:$0x4], $0x40, s29, s13, $0xb8;
	[tilespmem:$0x11260] =	vst v63  }
0x40: {  	_ =	swait.ge [sflag:s19], $0x1400  }
0x41: {  	[sflag:s19] =	ssyncset.done $0x0  }
0x42: {  	s28 =	sadd.s32 $0xF0, s28;
	[sflag:s19] =	ssyncadd.s32 $0xFFFFEC00  }
0x43: {  	[tilespmem:s15], [sflag:$0x2] =	stream.indirect.gather [hbm4b:s0+s13], $0x40, s28, s13, $0xb8;
	[tilespmem:$0x11260] =	vst v63  }
0x44: {  	_ =	swait.ge [sflag:s16], $0x1400  }
0x45: {  	[sflag:s16] =	ssyncset.done $0x0  }
0x46: {  	[sflag:s16] =	ssyncadd.s32 $0xFFFFEC00  }
0x47: {  	[spmem:s3] =	stream.indirect.scatter.add.f32 [tilespmem:s14], [sflag:$0x3], $0x40, s20, s13, $0xb8;
	[tilespmem:$0x11260] =	vst v63  }
0x48: {  	_ =	swait.ge [sflag:s17], $0x1400  }
0x49: {  	[sflag:s17] =	ssyncset.done $0x0  }
0x4a: {  	[sflag:s17] =	ssyncadd.s32 $0xFFFFEC00  }
0x4b: {  	[tilespmem:s14], [sflag:$0x1] =	stream.indirect.gather [hbm4b:s0+s13], $0x40, s21, s13, $0xb8;
	[tilespmem:$0x11260] =	vst v63  }
0x4c: {  	_ =	swait.ge [sflag:s18], $0x1400  }
0x4d: {  	[sflag:s18] =	ssyncset.done $0x0  }
0x4e: {  	[sflag:s18] =	ssyncadd.s32 $0xFFFFEC00  }
0x4f: {  	[spmem:s3] =	stream.indirect.scatter.add.f32 [tilespmem:s15], [sflag:$0x4], $0x40, s22, s13, $0xb8;
	[tilespmem:$0x11260] =	vst v63  }
0x50: {  	_ =	swait.ge [sflag:s19], $0x1400  }
0x51: {  	[sflag:s19] =	ssyncset.done $0x0  }
0x52: {  	[sflag:s19] =	ssyncadd.s32 $0xFFFFEC00  }
0x53: {  	_ =	swait.ge [sflag:s16], $0x1400  }
0x54: {  	[sflag:s16] =	ssyncset.done $0x0  }
0x55: {  	[sflag:s16] =	ssyncadd.s32 $0xFFFFEC00  }
0x56: {  	[spmem:s3] =	stream.indirect.scatter.add.f32 [tilespmem:s14], [sflag:$0x3], $0x40, s23, s13, $0xb8;
	[tilespmem:$0x11260] =	vst v63  }
0x57: {  	_ =	swait.ge [sflag:s17], $0x1400  }
0x58: {  	s25 =	sadd.s32 $0x1, s25;
	[sflag:s17] =	ssyncset.done $0x0  }
0x59: {  	p0 =	sne.s32 s25, s9;
	[sflag:s17] =	ssyncadd.s32 $0xFFFFEC00  }
.Ltmp1:
0x5a: {  	[bflag:$0x0] =	sbarrier.arrive $0xFFFF;
	(pc) =	sbr.rel @p0 .LBB2_1-.Ltmp1, $4  }
0x5b: {  	[hbm:s24], [sflag:s6] =	dma.local [spmem:s10], $0x1388  }
0x5c: {  	_ =	swait.ge [sflag:s11], $0x1388  }
0x5d: {  	[sflag:s11] =	ssyncset.done $0x0  }
0x5e: {  	[sflag:s11] =	ssyncadd.s32 $0xFFFFEC78  }
0x5f: {  	_ =	sfence.sel $0x180000  }
0x60: {  	[bflag:$0x0] =	sbarrier.arrive $0xFFFF  }
0x61: {  	p0 =	sne.s32 s1, $0x0;
	_ =	strace $0x90000050  }
0x62: {  	s0 =	sadd.s32 @!p0 $0x100000, s2;
	[bflag:$0x2] =	sbarrier.arrive $0xFFFF  }
0x63: {  	[sflag:s0] =	ssyncadd.tile.s32 @!p0 $0x1;
	_ =	shalt  }
.Lfunc_end2:
_tile_overlayer_lowered:
.L_overlay_start_2:
0x64: {  	(tag) =	ssettag $0x2  }
0x65: {  	s0 =	rddreg [dreg:$0x0];
	s2 =	stileid.u32  }
0x66: {  	s1 =	rddreg [dreg:$0x1];
	p0 =	sne.s32 s2, $0x0  }
0x67: {  	s3 =	rddreg [dreg:$0x2];
	[bflag:$0x3] =	sbarrier.arrive $0xFFFF;
	s2 =	simm.s32 @!p0 $0x1C05  }
0x68: {  	[timem:s3], [sflag:s2] =	dma.local @!p0 [hbm:s0], s1  }
0x69: {  	s0 =	simm.s32 @!p0 $0x5  }
0x6a: {  	_ =	swait.ge @!p0 [sflag:s0], s1  }
0x6b: {  	s1 =	ssub.s32 @!p0 $0x0, s1;
	[sflag:s0] =	ssyncset.done @!p0 $0x0  }
0x6c: {  	[sflag:s0] =	ssyncadd.s32 @!p0 s1  }
0x6d: {  	[bflag:$0x3] =	sbarrier.arrive $0xFFFF  }
0x6e: {  	_ =	shalt  }

// kernel: kernel.24.cloned.1.call-start
scs
__scs_entry_jumppad:
0x0: {  	(pc) =	sbr.rel $0x88, $3  }
0x1: {  	(tag) =	ssettag $0x0;
	lr =	simm.s32 $0x1  }
0x2: {  	[smem:$0x3F97] =	sst lr;
	_ =	strace $0xD0000000  }
0x3: {  	_ = 	snop  }
0x4: {  	_ = 	snop  }
0x5: {  	_ = 	snop  }
0x6: {  	_ = 	snop  }
0x7: {  	_ = 	snop  }
__scs_overlays_trampoline_lowered:
0x8: {  	[smem:$0x3FA6] =	sst s0  }
0x9: {  	[smem:$0x3FA7] =	sst s1  }
0xa: {  	[smem:$0x3FA8] =	sst s2  }
0xb: {  	[smem:$0x3FA9] =	sst s3  }
0xc: {  	[smem:$0x3FAA] =	sst s4  }
0xd: {  	[smem:$0x3FAB] =	sst s5  }
0xe: {  	[smem:$0x3FAC] =	sst s6  }
0xf: {  	[smem:$0x3FAD] =	sst s7  }
0x10: {  	[smem:$0x3FAE] =	sst s8  }
0x11: {  	[smem:$0x3FAF] =	sst s9;
	s0 =	simm.s32 @!p0 $0x0  }
0x12: {  	s1 =	sld [smem:$0x3F95];
	s0 =	simm.s32 @p0 $0x1  }
0x13: {  	[smem:$0x3FB0] =	sst s0;
	s0 =	simm.s32 @!p1 $0x0  }
0x14: {  	s2 =	sld [smem:$0x3F94];
	s0 =	simm.s32 @p1 $0x1  }
0x15: {  	[smem:$0x3FB1] =	sst s0;
	s0 =	simm.s32 @!p2 $0x0  }
0x16: {  	s3 =	sld [smem:$0x3FDB];
	s0 =	simm.s32 @p2 $0x1  }
0x17: {  	s4 =	simm.s32 $0x1BF5;
	[smem:$0x3FB3] =	sst s0  }
0x18: {  	s0 =	sld [smem:$0x3F96];
	_ =	swait.ge [sflag:s4], $0x0  }
0x19: {  	s7 =	sld [smem:$0x3F97]  }
0x1a: {  	s8 =	sadd.s32 $0xFFFFE003, lr  }
0x1b: {  	s9 =	sadd.s32 $0xFFFFFEF7, lr;
	s5 =	simm.s32 $0xFFFFFFFF;
	p2 =	slt.u32 s8, $0xFFFFF086  }
0x1c: {  	p1 =	slt.u32 s9, $0xF7A;
	s5 =	simm.s32 @!p2 $0x0  }
0x1d: {  	s5 =	simm.s32 @p1 $0x1;
	p0 =	seq.s32 s7, s2  }
0x1e: {  	s7 =	smul.u32 @!p0 $0xF7A, s2;
	p2 =	seq.s32 @!p0 s5, $0x0  }
0x1f: {  	s9 =	smul.u32 $0xF7A, s1;
	s8 =	simm.s32 @!p0 $0x1BF5;
	p2 =	por !p2, p0  }
0x20: {  	[sflag:s8] =	ssyncset.s32 @!p0 $0xFFFFF086;
	s6 =	sadd.s32 @!p0 s3, s7;
	s7 =	simm.s32 @!p0 $0x108  }
0x21: {  	s3 =	sadd.s32 s3, s9;
	s6 =	sadd.s32 @!p0 $0x88, s6;
	s7 =	simm.s32 @p2 $0x1082  }
0x22: {  	[simem:s7], [sflag:s8] =	dma.local @!p0 [hbm:s6], $0xF7A  }
0x23: {  	s9 =	sor.u32 $0xD0000000, s2;
	s6 =	simm.s32 $0x108;
	_ =	swait.ge @!p0 [sflag:s8], $0x0  }
0x24: {  	s3 =	sadd.s32 $0x88, s3;
	s6 =	simm.s32 @!p1 $0x1082;
	[sflag:s4] =	ssyncset.s32 $0xFFFFF086  }
0x25: {  	[simem:s6], [sflag:s4] =	dma.local [hbm:s3], $0xF7A  }
0x26: {  	[smem:$0x3F97] =	sst s1;
	(tag) =	ssettag s2;
	_ =	strace s9  }
0x27: {  	s1 =	sld [smem:$0x3FA7]  }
0x28: {  	s2 =	sld [smem:$0x3FA8]  }
0x29: {  	s4 =	sld [smem:$0x3FAA]  }
0x2a: {  	p0 =	seq.s32 s5, $0x0;
	s5 =	sld [smem:$0x3FAB]  }
0x2b: {  	s6 =	sld [smem:$0x3FAC]  }
0x2c: {  	s7 =	sld [smem:$0x3FAD]  }
0x2d: {  	s3 =	simm.s32 $0x108;
	s8 =	sld [smem:$0x3FAE]  }
0x2e: {  	s3 =	simm.s32 @!p0 $0x1082;
	s9 =	sld [smem:$0x3FAF]  }
0x2f: {  	lr =	sadd.s32 s0, s3;
	s0 =	sld [smem:$0x3FA6]  }
0x30: {  	s3 =	sld [smem:$0x3FA9]  }
0x31: {  	[smem:$0x3FB2] =	sst s10  }
0x32: {  	s10 =	sld [smem:$0x3FB0];
	_ =	sdelay $0x3  }
0x33: {  	p0 =	seq.s32 s10, $0x1;
	s10 =	sld [smem:$0x3FB2];
	_ =	sdelay $0x3  }
0x34: {  	[smem:$0x3FB2] =	sst s10  }
0x35: {  	s10 =	sld [smem:$0x3FB1];
	_ =	sdelay $0x3  }
0x36: {  	p1 =	seq.s32 s10, $0x1;
	s10 =	sld [smem:$0x3FB2];
	_ =	sdelay $0x3  }
0x37: {  	[smem:$0x3FB2] =	sst s10  }
0x38: {  	s10 =	sld [smem:$0x3FB3]  }
0x39: {  	_ = 	snop;
	(pc) =	sbr.ind lr, $3  }
0x3a: {  	_ = 	snop  }
0x3b: {  	_ = 	snop  }
0x3c: {  	p2 =	seq.s32 s10, $0x1;
	s10 =	sld [smem:$0x3FB2]  }
0x3d: {  	_ =	shalt  }
0x3e: {  	_ =	shalt  }
0x3f: {  	_ =	shalt  }
0x40: {  	_ =	shalt  }
0x41: {  	_ =	shalt  }
0x42: {  	_ =	shalt  }
0x43: {  	_ =	shalt  }
0x44: {  	_ =	shalt  }
0x45: {  	_ =	shalt  }
0x46: {  	_ =	shalt  }
0x47: {  	_ =	shalt  }
0x48: {  	_ =	shalt  }
0x49: {  	_ =	shalt  }
0x4a: {  	_ =	shalt  }
0x4b: {  	_ =	shalt  }
0x4c: {  	_ =	shalt  }
0x4d: {  	_ =	shalt  }
0x4e: {  	_ =	shalt  }
0x4f: {  	_ =	shalt  }
0x50: {  	_ =	shalt  }
0x51: {  	_ =	shalt  }
0x52: {  	_ =	shalt  }
0x53: {  	_ =	shalt  }
0x54: {  	_ =	shalt  }
0x55: {  	_ =	shalt  }
0x56: {  	_ =	shalt  }
0x57: {  	_ =	shalt  }
0x58: {  	_ =	shalt  }
0x59: {  	_ =	shalt  }
0x5a: {  	_ =	shalt  }
0x5b: {  	_ =	shalt  }
0x5c: {  	_ =	shalt  }
0x5d: {  	_ =	shalt  }
0x5e: {  	_ =	shalt  }
0x5f: {  	_ =	shalt  }
0x60: {  	_ =	shalt  }
0x61: {  	_ =	shalt  }
0x62: {  	_ =	shalt  }
0x63: {  	_ =	shalt  }
0x64: {  	_ =	shalt  }
0x65: {  	_ =	shalt  }
0x66: {  	_ =	shalt  }
0x67: {  	_ =	shalt  }
0x68: {  	_ =	shalt  }
0x69: {  	_ =	shalt  }
0x6a: {  	_ =	shalt  }
0x6b: {  	_ =	shalt  }
0x6c: {  	_ =	shalt  }
0x6d: {  	_ =	shalt  }
0x6e: {  	_ =	shalt  }
0x6f: {  	_ =	shalt  }
0x70: {  	_ =	shalt  }
0x71: {  	_ =	shalt  }
0x72: {  	_ =	shalt  }
0x73: {  	_ =	shalt  }
0x74: {  	_ =	shalt  }
0x75: {  	_ =	shalt  }
0x76: {  	_ =	shalt  }
0x77: {  	_ =	shalt  }
0x78: {  	_ =	shalt  }
0x79: {  	_ =	shalt  }
0x7a: {  	_ =	shalt  }
0x7b: {  	_ =	shalt  }
0x7c: {  	_ =	shalt  }
0x7d: {  	_ =	shalt  }
0x7e: {  	_ =	shalt  }
0x7f: {  	_ =	shalt  }
0x80: {  	_ =	shalt  }
0x81: {  	_ =	shalt  }
0x82: {  	_ =	shalt  }
0x83: {  	_ =	shalt  }
0x84: {  	_ =	shalt  }
0x85: {  	_ =	shalt  }
0x86: {  	_ =	shalt  }
0x87: {  	_ =	shalt  }
.Lfunc_end0:
.L_simem_size_0:
called_computation.4_lowered:
.L_overlay_start_0:
0x88: {  	s2 =	sld [smem:$0x3FD9]  }
0x89: {  	s3 =	sld [smem:$0x3FFE];
	_ =	sdelay $0x1  }
0x8a: {  	s1 =	srdreg.scid  }
0x8b: {  	s0 =	sand.u32 $0x1, s1  }
0x8c: {  	s14 =	sshll.u32 s0, $0xA;
	s2 =	sadd.s32 s3, s2  }
0x8d: {  	s2 =	sadd.s32 s2, s14  }
0x8e: {  	[smem:$0x3FBE] =	sst s2  }
0x8f: {  	_ = 	snop  }
0x90: {  	s2 =	sld [smem:$0x3FD0];
	_ =	sdelay $0x2  }
0x91: {  	s15 =	simm.s32 $0xA;
	s4 =	simm.s32 $0x10  }
0x92: {  	[smem:s4], [sflag:s15] =	dma.local [hbm:s2], $0x1  }
0x93: {  	_ =	swait.eq [sflag:s15], $0x1  }
0x94: {  	[sflag:s15] =	ssyncset.done $0x0  }
0x95: {  	[sflag:s15] =	ssyncadd.s32 $0xFFFFFFFF  }
0x96: {  	s16 =	sld [smem:$0x10];
	(tm) =	ssettm $0x1  }
0x97: {  	s17 =	sld [smem:$0x3FFB];
	_ =	sdelay $0x3  }
0x98: {  	_ =	strace s17  }
0x99: {  	s3 =	sld [smem:$0x3FFC];
	_ =	sdelay $0x3  }
0x9a: {  	_ =	strace s3  }
0x9b: {  	s3 =	sld [smem:$0x3FFD];
	_ =	sdelay $0x3  }
0x9c: {  	_ =	strace s3  }
0x9d: {  	_ =	strace $0x8FFFFFFF  }
0x9e: {  	s18 =	sld [smem:$0x3FDB];
	_ =	sdelay $0x1  }
0x9f: {  	s19 =	simm.s32 $_scs_section_size  }
0xa0: {  	s5 =	simm.s32 $_size__tile_overlayer_lowered;
	s6 =	simm.s32 $_tile_overlayer_lowered  }
0xa1: {  	s22 =	simm.s32 $0x1BFF;
	s21 =	sshll.u32 s6, $0x1;
	s3 =	sadd.s32 s19, s18  }
0xa2: {  	s7 =	simm.s32 $0x0;
	s20 =	sshll.u32 s5, $0x1;
	s5 =	sadd.s32 s21, s3  }
0xa3: {  	[timem:s7], [sflag:s22] =	dma.local [hbm:s5], s20  }
0xa4: {  	_ =	swait.ge [sflag:s22], s20  }
0xa5: {  	s4 =	ssub.s32 $0x0, s20;
	[sflag:s22] =	ssyncset.done $0x0  }
0xa6: {  	[sflag:s22] =	ssyncadd.s32 s4;
	_ =	sdelay $0x1  }
0xa7: {  	s23 =	simm.s32 $0x1B8B  }
0xa8: {  	_ =	swait.ge [sflag:s23], $0x1  }
0xa9: {  	[sflag:s23] =	ssyncset.done $0x0  }
0xaa: {  	s25 =	simm.s32 $0x1B8E;
	s24 =	sld [smem:$0x3FFE];
	[sflag:s23] =	ssyncadd.s32 $0xFFFFFFFF  }
0xab: {  	s26 =	simm.s32 $execute0_lowered;
	[smem:$0x3FD2] =	sst s25  }
0xac: {  	s5 =	sshll.u32 s26, $0x1;
	_ =	strace $0x80000052;
	[dreg:$0x1] =	wrdreg $0xFFFFFFFF  }
0xad: {  	s28 =	simm.s32 $_size_execute0_lowered;
	s3 =	sadd.s32 s3, s5;
	[dreg:$0x0] =	wrdreg $0x0  }
0xae: {  	s5 =	sshll.u32 s28, $0x1;
	[dreg:$0x2] =	wrdreg s3  }
0xaf: {  	[dreg:$0x3] =	wrdreg s5  }
0xb0: {  	[dreg:$0x4] =	wrdreg $0xC0  }
0xb1: {  	_ =	task [dreg:s7], $0x5FFFF  }
0xb2: {  	[dreg:$0x1] =	wrdreg $0xFFFFFFFF  }
0xb3: {  	[dreg:$0x0] =	wrdreg $0x60  }
0xb4: {  	[dreg:$0x2] =	wrdreg s16  }
0xb5: {  	[dreg:$0x3] =	wrdreg s24  }
0xb6: {  	[dreg:$0x4] =	wrdreg $0x9E200  }
0xb7: {  	[dreg:$0x5] =	wrdreg $0x9  }
0xb8: {  	_ =	task.clear_ibuf [dreg:s7], $0x6FFFF;
	_ =	strace $0x90000052  }
0xb9: {  	s29 =	simm.s32 $0x9;
	_ =	strace $0x80000054  }
0xba: {  	_ =	swait.ge [sflag:s29], $0x1  }
0xbb: {  	[sflag:s29] =	ssyncadd.s32 $0xFFFFFFFF  }
0xbc: {  	_ =	strace $0x90000054  }
0xbd: {  	_ =	sfence  }
0xbe: {  	s30 =	sld [smem:$0x0];
	_ =	sdelay $0x2  }
0xbf: {  	s31 =	sshll.u32 s1, $0xD;
	s1 =	sshrl.u32 s1, $0x2  }
0xc0: {  	s3 =	sand.u32 $0x4000, s31;
	s1 =	sadd.s32 s1, s30  }
0xc1: {  	s0 =	sor.u32 s3, s0;
	s1 =	sshll.u32 s1, $0x11  }
0xc2: {  	s0 =	sor.u32 s1, s0  }
0xc3: {  	s0 =	sadd.s32 $0x8F2B, s0  }
0xc4: {  	[sflag:s0] =	ssyncadd.remote.s32 $0x1  }
0xc5: {  	_ =	sfence.sel $0xFFFF  }
0xc6: {  	[dreg:$0x0] =	wrdreg $0xFFFFFFFF;
	(pc) =	sbr.abs _section_cstart, $3  }
0xc7: {  	[dreg:$0x1] =	wrdreg $0xFFFFFFFF  }
0xc8: {  	_ =	task.clear_ibuf [dreg:s7], $0x2FFFF;
	_ =	strace $0x9FFFFFFF  }
0xc9: {  	(tm) =	ssettm $0x7FFFFFFF  }
tec
execute0_lowered:
.L_overlay_start_1:
0x0: {  	(tag) =	ssettag $0x1  }
0x1: {  	s1 =	rddreg [dreg:$0x0]  }
0x2: {  	s6 =	rddreg [dreg:$0x1]  }
0x3: {  	s0 =	srdreg.scid;
	s3 =	rddreg [dreg:$0x2]  }
0x4: {  	s4 =	simm.s32 $0x0;
	s14 =	simm.s32 $0x4E20;
	s15 =	simm.s32 $0x7620  }
0x5: {  	s16 =	simm.s32 $0x1;
	s17 =	simm.s32 $0x3;
	s18 =	simm.s32 $0x2  }
0x6: {  	s19 =	simm.s32 $0x4;
	s20 =	simm.s32 $0x4D30;
	s21 =	simm.s32 $0x26C0  }
0x7: {  	s22 =	simm.s32 $0x4D80;
	s5 =	sand.u32 $0x1, s0;
	s0 =	stileid.u32  }
0x8: {  	s23 =	simm.s32 $0x4DD0;
	[smem:$0x7FF] =	sst s4;
	s8 =	smul.u32 $0x13880, s0  }
0x9: {  	s2 =	sshll.u32 s5, $0x4;
	s9 =	smul.u32 $0x27100, s5;
	s5 =	ssub.s32 $0x2, s5  }
0xa: {  	s31 =	sshll.u32 s0, $0x6;
	s7 =	sor.u32 s0, s2;
	s2 =	rddreg [dreg:$0x3]  }
0xb: {  	_ =	strace $0x80000053;
	s30 =	sshrl.u32 s5, $0x1;
	s7 =	smul.u32 $0x4E2, s7  }
0xc: {  	s24 =	sshrl.u32 s8, $0x3;
	s9 =	sadd.s32 s9, s6;
	s12 =	ssub.s32 s5, s30  }
0xd: {  	s13 =	sadd.s32 s8, s3;
	s11 =	sadd.s32 s24, s6;
	s25 =	sadd.s32 $0xB6600, s9  }
0xe: {  	s9 =	smax.u32 s12, $0x1;
	s12 =	simm.s32 $0x2710;
	s10 =	sadd.s32 s7, s6  }
0xf: {  	s5 =	sadd.s32 $0x41000, s11;
	s6 =	sor.u32 $0x1C05, s31;
	s11 =	simm.s32 $0x5  }
0x10: {  	s24 =	sadd.s32 s24, s25;
	s25 =	simm.s32 $0x0;
	s7 =	sadd.s32 $0x6200, s10  }
0x11: {  	s8 =	sadd.s32 $0x10000, s10;
	s10 =	sshrl.u32 s13, $0x3;
	s13 =	simm.s32 $0x50  }
.LBB2_1:
0x12: {  	[spmem:s10], [sflag:s6] =	dma.local [hbm:s5], $0x2710  }
0x13: {  	_ =	swait.ge [sflag:s11], $0x2710  }
0x14: {  	[sflag:s11] =	ssyncset.done $0x0  }
0x15: {  	[sflag:s11] =	ssyncadd.s32 $0xFFFFD8F0  }
0x16: {  	[tilespmem:s4], [sflag:$0x5] =	stream.linear.gather [hbm4b:s7+s4], $0x2710, $0x38;
	[tilespmem:$0x1D6A0] =	vst v63  }
0x17: {  	_ =	swait.ge [sflag:s11], $0x2710  }
0x18: {  	[sflag:s11] =	ssyncset.done $0x0  }
0x19: {  	[sflag:s11] =	ssyncadd.s32 $0xFFFFD8F0  }
0x1a: {  	[tilespmem:s12], [sflag:$0x5] =	stream.linear.gather [hbm4b:s8+s4], $0x2710, $0x38;
	[tilespmem:$0x1D6A0] =	vst v63  }
0x1b: {  	_ =	swait.ge [sflag:s11], $0x2710  }
0x1c: {  	[sflag:s11] =	ssyncset.done $0x0  }
0x1d: {  	[sflag:s11] =	ssyncadd.s32 $0xFFFFD8F0  }
0x1e: {  	[bflag:$0x0] =	sbarrier.arrive $0xFFFF  }
0x1f: {  	[tilespmem:s14], [sflag:$0x1] =	stream.indirect.gather [hbm4b:s1+s13], $0x80, s4, s13, $0xb8;
	[tilespmem:$0x1D6A0] =	vst v63  }
0x20: {  	_ = 	snop  }
0x21: {  	[tilespmem:s15], [sflag:$0x2] =	stream.indirect.gather [hbm4b:s1+s13], $0x80, s13, s13, $0xb8;
	[tilespmem:$0x1D6A0] =	vst v63  }
0x22: {  	_ =	swait.ge [sflag:s16], $0x2800  }
0x23: {  	[sflag:s16] =	ssyncset.done $0x0  }
0x24: {  	s26 =	simm.s32 $0x2710;
	[sflag:s16] =	ssyncadd.s32 $0xFFFFD800  }
0x25: {  	[spmem:s3] =	stream.indirect.scatter.add.f32 [tilespmem:s14], [sflag:$0x3], $0x80, s26, s13, $0xb8;
	[tilespmem:$0x1D6A0] =	vst v63  }
0x26: {  	_ =	swait.ge [sflag:s17], $0x2800  }
0x27: {  	[sflag:s17] =	ssyncset.done $0x0  }
0x28: {  	s30 =	simm.s32 $0xA0;
	[sflag:s17] =	ssyncadd.s32 $0xFFFFD800  }
0x29: {  	[tilespmem:s14], [sflag:$0x1] =	stream.indirect.gather [hbm4b:s1+s13], $0x80, s30, s13, $0xb8;
	[tilespmem:$0x1D6A0] =	vst v63  }
0x2a: {  	_ =	swait.ge [sflag:s18], $0x2800  }
0x2b: {  	[sflag:s18] =	ssyncset.done $0x0  }
0x2c: {  	s31 =	simm.s32 $0x2760;
	[sflag:s18] =	ssyncadd.s32 $0xFFFFD800  }
0x2d: {  	[spmem:s3] =	stream.indirect.scatter.add.f32 [tilespmem:s15], [sflag:$0x4], $0x80, s31, s13, $0xb8;
	[tilespmem:$0x1D6A0] =	vst v63  }
0x2e: {  	_ =	swait.ge [sflag:s19], $0x2800  }
0x2f: {  	[sflag:s19] =	ssyncset.done $0x0  }
0x30: {  	s28 =	simm.s32 $0xF0;
	s26 =	simm.s32 $0x280;
	[sflag:s19] =	ssyncadd.s32 $0xFFFFD800  }
.LBB2_2:
0x31: {  	[tilespmem:s15], [sflag:$0x2] =	stream.indirect.gather [hbm4b:s1+s13], $0x80, s28, s13, $0xb8;
	[tilespmem:$0x1D6A0] =	vst v63  }
0x32: {  	s28 =	smov.u32 s26  }
0x33: {  	p0 =	sne.s32 s26, $0x9600;
	s26 =	sadd.s32 $0x280, s26;
	_ =	swait.ge [sflag:s16], $0x2800  }
0x34: {  	s28 =	sshra.s32 s28, $0x2;
	[sflag:s16] =	ssyncset.done $0x0  }
0x35: {  	s29 =	sadd.s32 $0x2710, s28;
	[sflag:s16] =	ssyncadd.s32 $0xFFFFD800  }
0x36: {  	[spmem:s3] =	stream.indirect.scatter.add.f32 [tilespmem:s14], [sflag:$0x3], $0x80, s29, s13, $0xb8;
	[tilespmem:$0x1D6A0] =	vst v63  }
0x37: {  	_ =	swait.ge [sflag:s17], $0x2800  }
0x38: {  	[sflag:s17] =	ssyncset.done $0x0  }
0x39: {  	s29 =	sadd.s32 $0xA0, s28;
	[sflag:s17] =	ssyncadd.s32 $0xFFFFD800  }
0x3a: {  	[tilespmem:s14], [sflag:$0x1] =	stream.indirect.gather [hbm4b:s1+s13], $0x80, s29, s13, $0xb8;
	[tilespmem:$0x1D6A0] =	vst v63  }
0x3b: {  	_ =	swait.ge [sflag:s18], $0x2800  }
0x3c: {  	[sflag:s18] =	ssyncset.done $0x0  }
.Ltmp0:
0x3d: {  	s29 =	sadd.s32 $0x2760, s28;
	[sflag:s18] =	ssyncadd.s32 $0xFFFFD800;
	(pc) =	sbr.rel @p0 .LBB2_2-.Ltmp0, $4  }
0x3e: {  	[spmem:s3] =	stream.indirect.scatter.add.f32 [tilespmem:s15], [sflag:$0x4], $0x80, s29, s13, $0xb8;
	[tilespmem:$0x1D6A0] =	vst v63  }
0x3f: {  	_ =	swait.ge [sflag:s19], $0x2800  }
0x40: {  	[sflag:s19] =	ssyncset.done $0x0  }
0x41: {  	s28 =	sadd.s32 $0xF0, s28;
	[sflag:s19] =	ssyncadd.s32 $0xFFFFD800  }
0x42: {  	[tilespmem:s15], [sflag:$0x2] =	stream.indirect.gather [hbm4b:s1+s13], $0x80, s28, s13, $0xb8;
	[tilespmem:$0x1D6A0] =	vst v63  }
0x43: {  	_ =	swait.ge [sflag:s16], $0x2800  }
0x44: {  	[sflag:s16] =	ssyncset.done $0x0  }
0x45: {  	[sflag:s16] =	ssyncadd.s32 $0xFFFFD800  }
0x46: {  	[spmem:s3] =	stream.indirect.scatter.add.f32 [tilespmem:s14], [sflag:$0x3], $0x80, s20, s13, $0xb8;
	[tilespmem:$0x1D6A0] =	vst v63  }
0x47: {  	_ =	swait.ge [sflag:s17], $0x2800  }
0x48: {  	[sflag:s17] =	ssyncset.done $0x0  }
0x49: {  	[sflag:s17] =	ssyncadd.s32 $0xFFFFD800  }
0x4a: {  	[tilespmem:s14], [sflag:$0x1] =	stream.indirect.gather [hbm4b:s1+s13], $0x80, s21, s13, $0xb8;
	[tilespmem:$0x1D6A0] =	vst v63  }
0x4b: {  	_ =	swait.ge [sflag:s18], $0x2800  }
0x4c: {  	[sflag:s18] =	ssyncset.done $0x0  }
0x4d: {  	[sflag:s18] =	ssyncadd.s32 $0xFFFFD800  }
0x4e: {  	[spmem:s3] =	stream.indirect.scatter.add.f32 [tilespmem:s15], [sflag:$0x4], $0x80, s22, s13, $0xb8;
	[tilespmem:$0x1D6A0] =	vst v63  }
0x4f: {  	_ =	swait.ge [sflag:s19], $0x2800  }
0x50: {  	[sflag:s19] =	ssyncset.done $0x0  }
0x51: {  	[sflag:s19] =	ssyncadd.s32 $0xFFFFD800  }
0x52: {  	_ =	swait.ge [sflag:s16], $0x2800  }
0x53: {  	[sflag:s16] =	ssyncset.done $0x0  }
0x54: {  	[sflag:s16] =	ssyncadd.s32 $0xFFFFD800  }
0x55: {  	[spmem:s3] =	stream.indirect.scatter.add.f32 [tilespmem:s14], [sflag:$0x3], $0x80, s23, s13, $0xb8;
	[tilespmem:$0x1D6A0] =	vst v63  }
0x56: {  	_ =	swait.ge [sflag:s17], $0x2800  }
0x57: {  	s25 =	sadd.s32 $0x1, s25;
	[sflag:s17] =	ssyncset.done $0x0  }
0x58: {  	p0 =	sne.s32 s25, s9;
	[sflag:s17] =	ssyncadd.s32 $0xFFFFD800  }
.Ltmp1:
0x59: {  	[bflag:$0x0] =	sbarrier.arrive $0xFFFF;
	(pc) =	sbr.rel @p0 .LBB2_1-.Ltmp1, $4  }
0x5a: {  	[hbm:s24], [sflag:s6] =	dma.local [spmem:s10], $0x2710  }
0x5b: {  	_ =	swait.ge [sflag:s11], $0x2710  }
0x5c: {  	[sflag:s11] =	ssyncset.done $0x0  }
0x5d: {  	[sflag:s11] =	ssyncadd.s32 $0xFFFFD8F0  }
0x5e: {  	_ =	sfence.sel $0x180000  }
0x5f: {  	[bflag:$0x0] =	sbarrier.arrive $0xFFFF  }
0x60: {  	p0 =	sne.s32 s0, $0x0;
	_ =	strace $0x90000053  }
0x61: {  	s0 =	sadd.s32 @!p0 $0x100000, s2;
	[bflag:$0x2] =	sbarrier.arrive $0xFFFF  }
0x62: {  	[sflag:s0] =	ssyncadd.tile.s32 @!p0 $0x1;
	_ =	shalt  }
.Lfunc_end2:
_tile_overlayer_lowered:
.L_overlay_start_2:
0x63: {  	(tag) =	ssettag $0x2  }
0x64: {  	s0 =	rddreg [dreg:$0x0];
	s2 =	stileid.u32  }
0x65: {  	s1 =	rddreg [dreg:$0x1];
	p0 =	sne.s32 s2, $0x0  }
0x66: {  	s3 =	rddreg [dreg:$0x2];
	[bflag:$0x3] =	sbarrier.arrive $0xFFFF;
	s2 =	simm.s32 @!p0 $0x1C05  }
0x67: {  	[timem:s3], [sflag:s2] =	dma.local @!p0 [hbm:s0], s1  }
0x68: {  	s0 =	simm.s32 @!p0 $0x5  }
0x69: {  	_ =	swait.ge @!p0 [sflag:s0], s1  }
0x6a: {  	s1 =	ssub.s32 @!p0 $0x0, s1;
	[sflag:s0] =	ssyncset.done @!p0 $0x0  }
0x6b: {  	[sflag:s0] =	ssyncadd.s32 @!p0 s1  }
0x6c: {  	[bflag:$0x3] =	sbarrier.arrive $0xFFFF  }
0x6d: {  	_ =	shalt  }

</sc_bundles>
